<compile_context>
chip_gen: v7x
topology: tpu7x:2x2x1
jax: 0.10.2.dev20260603
libtpu: 0.0.44.dev20260713+nightly
codegen_flags: <defaults>
</compile_context>

<pallas_src>
import functools

import jax
import jax.numpy as jnp
from jax import lax
from jax.experimental import pallas as pl
from jax.experimental.pallas import tpu as pltpu
from jax.experimental.pallas import tpu_sc as plsc

_L = 16
_CHUNK = 16
_NCHUNK = 13
_PADLEN = _CHUNK * _NCHUNK
_VOCAB = 100000
_C = 64
_HALF = 32
_SEQLEN = 200
_NKT = _HALF // 8


def _mc_body(seq_hbm, delta_hbm, out0_hbm, out1_hbm,
             seq_v, tiles_v, out_v, wide_v, tot_v, totbuf_v, shared,
             sem, sem2):
    c = lax.axis_index("c")
    s = lax.axis_index("s")
    active = s < _NCHUNK
    j = s

    @pl.when(active)
    def _gather_and_scan():
        @pl.when(j < _NCHUNK - 1)
        def _full():
            pltpu.sync_copy(
                seq_hbm.at[pl.ds(pl.multiple_of(j * _CHUNK, 8), _CHUNK)],
                seq_v)

        @pl.when(j == _NCHUNK - 1)
        def _tail():
            pltpu.sync_copy(
                seq_hbm.at[pl.ds(_SEQLEN - 8, 8)], seq_v.at[pl.ds(0, 8)])

        sv16 = jnp.clip(seq_v[...], 0, _VOCAB - 1)
        copies = []
        row0 = pl.multiple_of(c * _HALF, 8)
        half_n = _CHUNK // 2
        for p in range(_CHUNK):
            v = sv16[p]
            col0 = pl.multiple_of((v >> 7) * 128, 128)
            copies.append(pltpu.async_copy(
                delta_hbm.at[pl.ds(row0, _HALF), pl.ds(col0, 128)],
                tiles_v.at[pl.ds(p * _HALF, _HALF), :],
                sem if p < half_n else sem2,
            ))
        lane = lax.iota(jnp.int32, _L)
        acc0 = jnp.zeros((_L,), jnp.float32)
        acc1 = jnp.zeros((_L,), jnp.float32)
        voff16 = sv16 & 127
        for cp in copies[:half_n]:
            cp.wait()
        for p in range(_CHUNK):
            if p == half_n:
                for cp in copies[half_n:]:
                    cp.wait()
            voff = jnp.full((_L,), voff16[p], jnp.int32)
            r0 = jnp.full((_L,), p * _HALF, jnp.int32) + lane
            acc0 = acc0 + plsc.load_gather(tiles_v, [r0, voff])
            acc1 = acc1 + plsc.load_gather(tiles_v, [r0 + _L, voff])
            out_v[p, pl.ds(0, _L)] = acc0
            out_v[p, pl.ds(_L, _L)] = acc1
        tot_v[pl.ds(0, _L)] = acc0
        tot_v[pl.ds(_L, _L)] = acc1
        pltpu.sync_copy(tot_v, shared.at[c * _L + s, pl.ds(0, _HALF)])

    plsc.subcore_barrier()

    @pl.when(active)
    def _prefix_and_write():
        pltpu.sync_copy(
            shared.at[pl.ds(pl.multiple_of(c * _L, _L), _L), :], totbuf_v)
        off0 = jnp.zeros((_L,), jnp.float32)
        off1 = jnp.zeros((_L,), jnp.float32)
        zero = jnp.zeros((_L,), jnp.float32)
        for i in range(_NCHUNK - 1):
            sel = i < j
            off0 = off0 + jnp.where(sel, totbuf_v[i, pl.ds(0, _L)], zero)
            off1 = off1 + jnp.where(sel, totbuf_v[i, pl.ds(_L, _L)], zero)
        c0 = c == 0
        for p in range(_CHUNK):
            h0 = out_v[p, pl.ds(0, _L)] + off0
            h1 = out_v[p, pl.ds(_L, _L)] + off1
            wide_v[p, pl.ds(0, _L)] = jnp.where(c0, h0, zero)
            wide_v[p, pl.ds(_L, _L)] = jnp.where(c0, h1, zero)
            wide_v[p, pl.ds(2 * _L, _L)] = jnp.where(c0, zero, h0)
            wide_v[p, pl.ds(3 * _L, _L)] = jnp.where(c0, zero, h1)

        last = j == _NCHUNK - 1
        for cc, dst in ((0, out0_hbm), (1, out1_hbm)):
            @pl.when(jnp.logical_and(c == cc, jnp.logical_not(last)))
            def _w(dst=dst):
                pltpu.sync_copy(
                    wide_v, dst.at[pl.ds(j * _CHUNK, _CHUNK), :])

            @pl.when(jnp.logical_and(c == cc, last))
            def _wl(dst=dst):
                pltpu.sync_copy(
                    wide_v.at[pl.ds(0, 8), :],
                    dst.at[pl.ds(_SEQLEN - 8, 8), :])


@jax.jit
def _mc(seq, delta):
    mesh = plsc.VectorSubcoreMesh(core_axis_name="c", subcore_axis_name="s")
    f = functools.partial(
        pl.kernel,
        out_type=[
            jax.ShapeDtypeStruct((_SEQLEN, _C), jnp.float32),
            jax.ShapeDtypeStruct((_SEQLEN, _C), jnp.float32),
        ],
        mesh=mesh,
        compiler_params=pltpu.CompilerParams(
            needs_layout_passes=False, use_tc_tiling_on_sc=True),
        scratch_types=[
            pltpu.VMEM((_CHUNK,), jnp.int32),
            pltpu.VMEM((_CHUNK * _NKT * 8, 128), jnp.float32),
            pltpu.VMEM((_CHUNK, _HALF), jnp.float32),
            pltpu.VMEM((_CHUNK, _C), jnp.float32),
            pltpu.VMEM((_HALF,), jnp.float32),
            pltpu.VMEM((_L, 128), jnp.float32),
            pltpu.VMEM_SHARED((2 * _L, 128), jnp.float32),
            pltpu.SemaphoreType.DMA,
            pltpu.SemaphoreType.DMA,
        ],
    )(_mc_body)
    return f(seq, delta)


def kernel(input_seq, delta):
    out0, out1 = _mc(input_seq.astype(jnp.int32), delta)
    return out0 + out1

# --- scband reference (transcript-rebuilt; emitter-appended) ---
"""Pipeline reference for scband-multi-counter-13022340842143 (READ-ONLY COPY).

The authoritative reference and input builder live on the scoring server;
editing this copy changes nothing except your own understanding.
"""

import jax, jax.numpy as jnp
import numpy as np


def setup_inputs(seed: int = 0) -> dict:
    key = jax.random.key(seed)
    k1, k2 = jax.random.split(key)
    # forward arg: sequence of input symbol ids
    input_seq = jax.random.randint(k1, (200,), 0, 100000, dtype=jnp.int64) if jax.config.jax_enable_x64 else jax.random.randint(k1, (200,), 0, 100000, dtype=jnp.int32)
    # learned parameter: delta table [num_counters, num_inputs]
    delta = jax.random.normal(k2, (64, 100000), dtype=jnp.float32) * 0.02
    return {"input_seq": input_seq, "delta": delta}


def reference(input_seq, delta):
    # Original torch loop:
    #   counters = zeros(C); for inp in input_seq: counters += delta[:, inp]; outputs.append(counters)
    #   return stack(outputs)  -> shape [L, C]
    # Equivalent vectorized form: gather columns then cumulative-sum along the sequence axis.
    gathered = delta[:, input_seq]            # [C, L] gather over vocab dim
    counters_over_time = jnp.cumsum(gathered, axis=1)  # running counter values, [C, L]
    return jnp.transpose(counters_over_time)  # [L, C], matching torch.stack(outputs)

if __name__ == "__main__":
    import jax
    _d = setup_inputs()
    print(jax.jit(kernel)(*tuple(_d.values())))

</pallas_src>

<mosaic_0001>
#map = affine_map<(d0, d1) -> (0)>
#map1 = affine_map<(d0, d1) -> (0, 0)>
module attributes {stable_mosaic.version = 14 : i64} {
  func.func @_mc_body(%arg0: i32, %arg1: i32, %arg2: memref<200xi32, #tpu.memory_space<hbm>>, %arg3: memref<64x100000xf32, #tpu.memory_space<hbm>>, %arg4: memref<200x64xf32, #tpu.memory_space<hbm>>, %arg5: memref<200x64xf32, #tpu.memory_space<hbm>>, %arg6: memref<16xi32, #tpu.memory_space<vmem>>, %arg7: memref<512x128xf32, #tpu.memory_space<vmem>>, %arg8: memref<16x32xf32, #tpu.memory_space<vmem>>, %arg9: memref<16x64xf32, #tpu.memory_space<vmem>>, %arg10: memref<32xf32, #tpu.memory_space<vmem>>, %arg11: memref<16x128xf32, #tpu.memory_space<vmem>>, %arg12: memref<32x128xf32, #tpu.memory_space<vmem_shared>>, %arg13: memref<!tpu.dma_semaphore, #tpu.memory_space<semaphore_mem>>, %arg14: memref<!tpu.dma_semaphore, #tpu.memory_space<semaphore_mem>>) attributes {dimension_semantics = [#tpu.dimension_semantics<core_parallel>, #tpu.dimension_semantics<subcore_parallel>], iteration_bounds = array<i64: 2, 16>, scalar_prefetch = 0 : i64, scratch_operands = 9 : i64, tpu.core_type = #tpu.core_type<sc_vector_subcore>, window_params = [{transform_indices = #map}, {transform_indices = #map1}, {transform_indices = #map1}, {transform_indices = #map1}]} {
    %lt3A = arith.constant 13 : i32
    %lt3A_0 = arith.cmpi slt, %arg1, %lt3A : i32
    %convert_element_type3A = arith.extui %lt3A_0 : i1 to i32
    %cond3A = arith.constant 0 : i32
    %cond3A_1 = arith.cmpi ne, %convert_element_type3A, %cond3A : i32
    scf.if %cond3A_1 {
      %lt3A_5 = arith.constant 12 : i32
      %lt3A_6 = arith.cmpi slt, %arg1, %lt3A_5 : i32
      %convert_element_type3A_7 = arith.extui %lt3A_6 : i1 to i32
      %cond3A_8 = arith.constant 0 : i32
      %cond3A_9 = arith.cmpi ne, %convert_element_type3A_7, %cond3A_8 : i32
      scf.if %cond3A_9 {
        %mul3A_727 = arith.constant 16 : i32
        %mul3A_728 = arith.muli %arg1, %mul3A_727 : i32
        %multiple_of3A_729 = tpu.assume_multiple %mul3A_728, 8 : i32
        "tpu.region"() ({
          %run_scoped3A = tpu.sem_alloc : memref<!tpu.dma_semaphore, #tpu.memory_space<semaphore_mem>>
          %dma_start3A_730 = tpu.memref_slice %arg2[%multiple_of3A_729] : memref<200xi32, #tpu.memory_space<hbm>> -> memref<16xi32, #tpu.memory_space<hbm>>
          %dma_start3A_731 = tpu.memref_slice %arg2[%multiple_of3A_729] : memref<200xi32, #tpu.memory_space<hbm>> -> memref<16xi32, #tpu.memory_space<hbm>>
          tpu.enqueue_dma source(%dma_start3A_731 : memref<16xi32, #tpu.memory_space<hbm>>) target(%arg6 : memref<16xi32, #tpu.memory_space<vmem>>) target_semaphore(%run_scoped3A : memref<!tpu.dma_semaphore, #tpu.memory_space<semaphore_mem>>)
          %dma_wait3A_732 = tpu.memref_slice %arg2[%multiple_of3A_729] : memref<200xi32, #tpu.memory_space<hbm>> -> memref<16xi32, #tpu.memory_space<hbm>>
          %dma_wait3A_733 = tpu.memref_slice %arg2[%multiple_of3A_729] : memref<200xi32, #tpu.memory_space<hbm>> -> memref<16xi32, #tpu.memory_space<hbm>>
          tpu.wait_dma2 semaphore(%run_scoped3A : memref<!tpu.dma_semaphore, #tpu.memory_space<semaphore_mem>>) src(%dma_wait3A_733 : memref<16xi32, #tpu.memory_space<hbm>>) dst(%arg6 : memref<16xi32, #tpu.memory_space<vmem>>)
          tpu.yield
        }) : () -> ()
      } else {
      }
      %eq3A = arith.constant 12 : i32
      %eq3A_10 = arith.cmpi eq, %arg1, %eq3A : i32
      %convert_element_type3A_11 = arith.extui %eq3A_10 : i1 to i32
      %cond3A_12 = arith.constant 0 : i32
      %cond3A_13 = arith.cmpi ne, %convert_element_type3A_11, %cond3A_12 : i32
      scf.if %cond3A_13 {
        "tpu.region"() ({
          %run_scoped3A = tpu.sem_alloc : memref<!tpu.dma_semaphore, #tpu.memory_space<semaphore_mem>>
          %dma_start3A_727 = arith.constant 0 : i32
          %dma_start3A_728 = tpu.memref_slice %arg6[%dma_start3A_727] : memref<16xi32, #tpu.memory_space<vmem>> -> memref<8xi32, #tpu.memory_space<vmem>>
          %dma_start3A_729 = arith.constant 192 : i32
          %dma_start3A_730 = tpu.memref_slice %arg2[%dma_start3A_729] : memref<200xi32, #tpu.memory_space<hbm>> -> memref<8xi32, #tpu.memory_space<hbm>>
          %dma_start3A_731 = arith.constant 0 : i32
          %dma_start3A_732 = tpu.memref_slice %arg6[%dma_start3A_731] : memref<16xi32, #tpu.memory_space<vmem>> -> memref<8xi32, #tpu.memory_space<vmem>>
          %dma_start3A_733 = arith.constant 192 : i32
          %dma_start3A_734 = tpu.memref_slice %arg2[%dma_start3A_733] : memref<200xi32, #tpu.memory_space<hbm>> -> memref<8xi32, #tpu.memory_space<hbm>>
          tpu.enqueue_dma source(%dma_start3A_734 : memref<8xi32, #tpu.memory_space<hbm>>) target(%dma_start3A_732 : memref<8xi32, #tpu.memory_space<vmem>>) target_semaphore(%run_scoped3A : memref<!tpu.dma_semaphore, #tpu.memory_space<semaphore_mem>>)
          %dma_wait3A_735 = arith.constant 0 : i32
          %dma_wait3A_736 = tpu.memref_slice %arg6[%dma_wait3A_735] : memref<16xi32, #tpu.memory_space<vmem>> -> memref<8xi32, #tpu.memory_space<vmem>>
          %dma_wait3A_737 = arith.constant 192 : i32
          %dma_wait3A_738 = tpu.memref_slice %arg2[%dma_wait3A_737] : memref<200xi32, #tpu.memory_space<hbm>> -> memref<8xi32, #tpu.memory_space<hbm>>
          %dma_wait3A_739 = arith.constant 0 : i32
          %dma_wait3A_740 = tpu.memref_slice %arg6[%dma_wait3A_739] : memref<16xi32, #tpu.memory_space<vmem>> -> memref<8xi32, #tpu.memory_space<vmem>>
          %dma_wait3A_741 = arith.constant 192 : i32
          %dma_wait3A_742 = tpu.memref_slice %arg2[%dma_wait3A_741] : memref<200xi32, #tpu.memory_space<hbm>> -> memref<8xi32, #tpu.memory_space<hbm>>
          tpu.wait_dma2 semaphore(%run_scoped3A : memref<!tpu.dma_semaphore, #tpu.memory_space<semaphore_mem>>) src(%dma_wait3A_742 : memref<8xi32, #tpu.memory_space<hbm>>) dst(%dma_wait3A_740 : memref<8xi32, #tpu.memory_space<vmem>>)
          tpu.yield
        }) : () -> ()
      } else {
      }
      %get3A = arith.constant 0 : index
      %get3A_14 = tpu.vector_load %arg6[%get3A] {strides = array<i32>} : memref<16xi32, #tpu.memory_space<vmem>>, vector<16xi32>,
      %jit3A = arith.constant 0 : i32
      %jit3A_15 = arith.constant 99999 : i32
      %max3A = vector.broadcast %jit3A : i32 to vector<16xi32>
      %max3A_16 = arith.maxsi %max3A, %get3A_14 : vector<16xi32>
      %min3A = vector.broadcast %jit3A_15 : i32 to vector<16xi32>
      %min3A_17 = arith.minsi %min3A, %max3A_16 : vector<16xi32>
      %mul3A = arith.constant 32 : i32
      %mul3A_18 = arith.muli %arg0, %mul3A : i32
      %multiple_of3A = tpu.assume_multiple %mul3A_18, 8 : i32
      %slice3A = vector.extract_strided_slice %min3A_17 {offsets = [0], sizes = [1], strides = [1]} : vector<16xi32> to vector<1xi32>
      %squeeze3A = vector.extract %slice3A[0] : i32 from vector<1xi32>
      %shift_right_arithmetic3A = arith.constant 7 : i32
      %shift_right_arithmetic3A_19 = arith.shrsi %squeeze3A, %shift_right_arithmetic3A : i32
      %mul3A_20 = arith.constant 128 : i32
      %mul3A_21 = arith.muli %shift_right_arithmetic3A_19, %mul3A_20 : i32
      %multiple_of3A_22 = tpu.assume_multiple %mul3A_21, 128 : i32
      %dma_start3A = arith.constant 0 : i32
      %dma_start3A_23 = arith.constant 0 : i32
      %dma_start3A_24 = tpu.memref_slice %arg7[%dma_start3A, %dma_start3A_23] : memref<512x128xf32, #tpu.memory_space<vmem>> -> memref<32x128xf32, #tpu.memory_space<vmem>>
      %dma_start3A_25 = tpu.memref_slice %arg3[%multiple_of3A, %multiple_of3A_22] : memref<64x100000xf32, #tpu.memory_space<hbm>> -> memref<32x128xf32, #tpu.memory_space<hbm>>
      %dma_start3A_26 = arith.constant 0 : i32
      %dma_start3A_27 = arith.constant 0 : i32
      %dma_start3A_28 = tpu.memref_slice %arg7[%dma_start3A_26, %dma_start3A_27] : memref<512x128xf32, #tpu.memory_space<vmem>> -> memref<32x128xf32, #tpu.memory_space<vmem>>
      %dma_start3A_29 = tpu.memref_slice %arg3[%multiple_of3A, %multiple_of3A_22] : memref<64x100000xf32, #tpu.memory_space<hbm>> -> memref<32x128xf32, #tpu.memory_space<hbm>>
      tpu.enqueue_dma source(%dma_start3A_29 : memref<32x128xf32, #tpu.memory_space<hbm>>) target(%dma_start3A_28 : memref<32x128xf32, #tpu.memory_space<vmem>>) target_semaphore(%arg13 : memref<!tpu.dma_semaphore, #tpu.memory_space<semaphore_mem>>)
      %slice3A_30 = vector.extract_strided_slice %min3A_17 {offsets = [1], sizes = [1], strides = [1]} : vector<16xi32> to vector<1xi32>
      %squeeze3A_31 = vector.extract %slice3A_30[0] : i32 from vector<1xi32>
      %shift_right_arithmetic3A_32 = arith.constant 7 : i32
      %shift_right_arithmetic3A_33 = arith.shrsi %squeeze3A_31, %shift_right_arithmetic3A_32 : i32
      %mul3A_34 = arith.constant 128 : i32
      %mul3A_35 = arith.muli %shift_right_arithmetic3A_33, %mul3A_34 : i32
      %multiple_of3A_36 = tpu.assume_multiple %mul3A_35, 128 : i32
      %dma_start3A_37 = arith.constant 32 : i32
      %dma_start3A_38 = arith.constant 0 : i32
      %dma_start3A_39 = tpu.memref_slice %arg7[%dma_start3A_37, %dma_start3A_38] : memref<512x128xf32, #tpu.memory_space<vmem>> -> memref<32x128xf32, #tpu.memory_space<vmem>>
      %dma_start3A_40 = tpu.memref_slice %arg3[%multiple_of3A, %multiple_of3A_36] : memref<64x100000xf32, #tpu.memory_space<hbm>> -> memref<32x128xf32, #tpu.memory_space<hbm>>
      %dma_start3A_41 = arith.constant 32 : i32
      %dma_start3A_42 = arith.constant 0 : i32
      %dma_start3A_43 = tpu.memref_slice %arg7[%dma_start3A_41, %dma_start3A_42] : memref<512x128xf32, #tpu.memory_space<vmem>> -> memref<32x128xf32, #tpu.memory_space<vmem>>
      %dma_start3A_44 = tpu.memref_slice %arg3[%multiple_of3A, %multiple_of3A_36] : memref<64x100000xf32, #tpu.memory_space<hbm>> -> memref<32x128xf32, #tpu.memory_space<hbm>>
      tpu.enqueue_dma source(%dma_start3A_44 : memref<32x128xf32, #tpu.memory_space<hbm>>) target(%dma_start3A_43 : memref<32x128xf32, #tpu.memory_space<vmem>>) target_semaphore(%arg13 : memref<!tpu.dma_semaphore, #tpu.memory_space<semaphore_mem>>)
      %slice3A_45 = vector.extract_strided_slice %min3A_17 {offsets = [2], sizes = [1], strides = [1]} : vector<16xi32> to vector<1xi32>
      %squeeze3A_46 = vector.extract %slice3A_45[0] : i32 from vector<1xi32>
      %shift_right_arithmetic3A_47 = arith.constant 7 : i32
      %shift_right_arithmetic3A_48 = arith.shrsi %squeeze3A_46, %shift_right_arithmetic3A_47 : i32
      %mul3A_49 = arith.constant 128 : i32
      %mul3A_50 = arith.muli %shift_right_arithmetic3A_48, %mul3A_49 : i32
      %multiple_of3A_51 = tpu.assume_multiple %mul3A_50, 128 : i32
      %dma_start3A_52 = arith.constant 64 : i32
      %dma_start3A_53 = arith.constant 0 : i32
      %dma_start3A_54 = tpu.memref_slice %arg7[%dma_start3A_52, %dma_start3A_53] : memref<512x128xf32, #tpu.memory_space<vmem>> -> memref<32x128xf32, #tpu.memory_space<vmem>>
      %dma_start3A_55 = tpu.memref_slice %arg3[%multiple_of3A, %multiple_of3A_51] : memref<64x100000xf32, #tpu.memory_space<hbm>> -> memref<32x128xf32, #tpu.memory_space<hbm>>
      %dma_start3A_56 = arith.constant 64 : i32
      %dma_start3A_57 = arith.constant 0 : i32
      %dma_start3A_58 = tpu.memref_slice %arg7[%dma_start3A_56, %dma_start3A_57] : memref<512x128xf32, #tpu.memory_space<vmem>> -> memref<32x128xf32, #tpu.memory_space<vmem>>
      %dma_start3A_59 = tpu.memref_slice %arg3[%multiple_of3A, %multiple_of3A_51] : memref<64x100000xf32, #tpu.memory_space<hbm>> -> memref<32x128xf32, #tpu.memory_space<hbm>>
      tpu.enqueue_dma source(%dma_start3A_59 : memref<32x128xf32, #tpu.memory_space<hbm>>) target(%dma_start3A_58 : memref<32x128xf32, #tpu.memory_space<vmem>>) target_semaphore(%arg13 : memref<!tpu.dma_semaphore, #tpu.memory_space<semaphore_mem>>)
      %slice3A_60 = vector.extract_strided_slice %min3A_17 {offsets = [3], sizes = [1], strides = [1]} : vector<16xi32> to vector<1xi32>
      %squeeze3A_61 = vector.extract %slice3A_60[0] : i32 from vector<1xi32>
      %shift_right_arithmetic3A_62 = arith.constant 7 : i32
      %shift_right_arithmetic3A_63 = arith.shrsi %squeeze3A_61, %shift_right_arithmetic3A_62 : i32
      %mul3A_64 = arith.constant 128 : i32
      %mul3A_65 = arith.muli %shift_right_arithmetic3A_63, %mul3A_64 : i32
      %multiple_of3A_66 = tpu.assume_multiple %mul3A_65, 128 : i32
      %dma_start3A_67 = arith.constant 96 : i32
      %dma_start3A_68 = arith.constant 0 : i32
      %dma_start3A_69 = tpu.memref_slice %arg7[%dma_start3A_67, %dma_start3A_68] : memref<512x128xf32, #tpu.memory_space<vmem>> -> memref<32x128xf32, #tpu.memory_space<vmem>>
      %dma_start3A_70 = tpu.memref_slice %arg3[%multiple_of3A, %multiple_of3A_66] : memref<64x100000xf32, #tpu.memory_space<hbm>> -> memref<32x128xf32, #tpu.memory_space<hbm>>
      %dma_start3A_71 = arith.constant 96 : i32
      %dma_start3A_72 = arith.constant 0 : i32
      %dma_start3A_73 = tpu.memref_slice %arg7[%dma_start3A_71, %dma_start3A_72] : memref<512x128xf32, #tpu.memory_space<vmem>> -> memref<32x128xf32, #tpu.memory_space<vmem>>
      %dma_start3A_74 = tpu.memref_slice %arg3[%multiple_of3A, %multiple_of3A_66] : memref<64x100000xf32, #tpu.memory_space<hbm>> -> memref<32x128xf32, #tpu.memory_space<hbm>>
      tpu.enqueue_dma source(%dma_start3A_74 : memref<32x128xf32, #tpu.memory_space<hbm>>) target(%dma_start3A_73 : memref<32x128xf32, #tpu.memory_space<vmem>>) target_semaphore(%arg13 : memref<!tpu.dma_semaphore, #tpu.memory_space<semaphore_mem>>)
      %slice3A_75 = vector.extract_strided_slice %min3A_17 {offsets = [4], sizes = [1], strides = [1]} : vector<16xi32> to vector<1xi32>
      %squeeze3A_76 = vector.extract %slice3A_75[0] : i32 from vector<1xi32>
      %shift_right_arithmetic3A_77 = arith.constant 7 : i32
      %shift_right_arithmetic3A_78 = arith.shrsi %squeeze3A_76, %shift_right_arithmetic3A_77 : i32
      %mul3A_79 = arith.constant 128 : i32
      %mul3A_80 = arith.muli %shift_right_arithmetic3A_78, %mul3A_79 : i32
      %multiple_of3A_81 = tpu.assume_multiple %mul3A_80, 128 : i32
      %dma_start3A_82 = arith.constant 128 : i32
      %dma_start3A_83 = arith.constant 0 : i32
      %dma_start3A_84 = tpu.memref_slice %arg7[%dma_start3A_82, %dma_start3A_83] : memref<512x128xf32, #tpu.memory_space<vmem>> -> memref<32x128xf32, #tpu.memory_space<vmem>>
      %dma_start3A_85 = tpu.memref_slice %arg3[%multiple_of3A, %multiple_of3A_81] : memref<64x100000xf32, #tpu.memory_space<hbm>> -> memref<32x128xf32, #tpu.memory_space<hbm>>
      %dma_start3A_86 = arith.constant 128 : i32
      %dma_start3A_87 = arith.constant 0 : i32
      %dma_start3A_88 = tpu.memref_slice %arg7[%dma_start3A_86, %dma_start3A_87] : memref<512x128xf32, #tpu.memory_space<vmem>> -> memref<32x128xf32, #tpu.memory_space<vmem>>
      %dma_start3A_89 = tpu.memref_slice %arg3[%multiple_of3A, %multiple_of3A_81] : memref<64x100000xf32, #tpu.memory_space<hbm>> -> memref<32x128xf32, #tpu.memory_space<hbm>>
      tpu.enqueue_dma source(%dma_start3A_89 : memref<32x128xf32, #tpu.memory_space<hbm>>) target(%dma_start3A_88 : memref<32x128xf32, #tpu.memory_space<vmem>>) target_semaphore(%arg13 : memref<!tpu.dma_semaphore, #tpu.memory_space<semaphore_mem>>)
      %slice3A_90 = vector.extract_strided_slice %min3A_17 {offsets = [5], sizes = [1], strides = [1]} : vector<16xi32> to vector<1xi32>
      %squeeze3A_91 = vector.extract %slice3A_90[0] : i32 from vector<1xi32>
      %shift_right_arithmetic3A_92 = arith.constant 7 : i32
      %shift_right_arithmetic3A_93 = arith.shrsi %squeeze3A_91, %shift_right_arithmetic3A_92 : i32
      %mul3A_94 = arith.constant 128 : i32
      %mul3A_95 = arith.muli %shift_right_arithmetic3A_93, %mul3A_94 : i32
      %multiple_of3A_96 = tpu.assume_multiple %mul3A_95, 128 : i32
      %dma_start3A_97 = arith.constant 160 : i32
      %dma_start3A_98 = arith.constant 0 : i32
      %dma_start3A_99 = tpu.memref_slice %arg7[%dma_start3A_97, %dma_start3A_98] : memref<512x128xf32, #tpu.memory_space<vmem>> -> memref<32x128xf32, #tpu.memory_space<vmem>>
      %dma_start3A_100 = tpu.memref_slice %arg3[%multiple_of3A, %multiple_of3A_96] : memref<64x100000xf32, #tpu.memory_space<hbm>> -> memref<32x128xf32, #tpu.memory_space<hbm>>
      %dma_start3A_101 = arith.constant 160 : i32
      %dma_start3A_102 = arith.constant 0 : i32
      %dma_start3A_103 = tpu.memref_slice %arg7[%dma_start3A_101, %dma_start3A_102] : memref<512x128xf32, #tpu.memory_space<vmem>> -> memref<32x128xf32, #tpu.memory_space<vmem>>
      %dma_start3A_104 = tpu.memref_slice %arg3[%multiple_of3A, %multiple_of3A_96] : memref<64x100000xf32, #tpu.memory_space<hbm>> -> memref<32x128xf32, #tpu.memory_space<hbm>>
      tpu.enqueue_dma source(%dma_start3A_104 : memref<32x128xf32, #tpu.memory_space<hbm>>) target(%dma_start3A_103 : memref<32x128xf32, #tpu.memory_space<vmem>>) target_semaphore(%arg13 : memref<!tpu.dma_semaphore, #tpu.memory_space<semaphore_mem>>)
      %slice3A_105 = vector.extract_strided_slice %min3A_17 {offsets = [6], sizes = [1], strides = [1]} : vector<16xi32> to vector<1xi32>
      %squeeze3A_106 = vector.extract %slice3A_105[0] : i32 from vector<1xi32>
      %shift_right_arithmetic3A_107 = arith.constant 7 : i32
      %shift_right_arithmetic3A_108 = arith.shrsi %squeeze3A_106, %shift_right_arithmetic3A_107 : i32
      %mul3A_109 = arith.constant 128 : i32
      %mul3A_110 = arith.muli %shift_right_arithmetic3A_108, %mul3A_109 : i32
      %multiple_of3A_111 = tpu.assume_multiple %mul3A_110, 128 : i32
      %dma_start3A_112 = arith.constant 192 : i32
      %dma_start3A_113 = arith.constant 0 : i32
      %dma_start3A_114 = tpu.memref_slice %arg7[%dma_start3A_112, %dma_start3A_113] : memref<512x128xf32, #tpu.memory_space<vmem>> -> memref<32x128xf32, #tpu.memory_space<vmem>>
      %dma_start3A_115 = tpu.memref_slice %arg3[%multiple_of3A, %multiple_of3A_111] : memref<64x100000xf32, #tpu.memory_space<hbm>> -> memref<32x128xf32, #tpu.memory_space<hbm>>
      %dma_start3A_116 = arith.constant 192 : i32
      %dma_start3A_117 = arith.constant 0 : i32
      %dma_start3A_118 = tpu.memref_slice %arg7[%dma_start3A_116, %dma_start3A_117] : memref<512x128xf32, #tpu.memory_space<vmem>> -> memref<32x128xf32, #tpu.memory_space<vmem>>
      %dma_start3A_119 = tpu.memref_slice %arg3[%multiple_of3A, %multiple_of3A_111] : memref<64x100000xf32, #tpu.memory_space<hbm>> -> memref<32x128xf32, #tpu.memory_space<hbm>>
      tpu.enqueue_dma source(%dma_start3A_119 : memref<32x128xf32, #tpu.memory_space<hbm>>) target(%dma_start3A_118 : memref<32x128xf32, #tpu.memory_space<vmem>>) target_semaphore(%arg13 : memref<!tpu.dma_semaphore, #tpu.memory_space<semaphore_mem>>)
      %slice3A_120 = vector.extract_strided_slice %min3A_17 {offsets = [7], sizes = [1], strides = [1]} : vector<16xi32> to vector<1xi32>
      %squeeze3A_121 = vector.extract %slice3A_120[0] : i32 from vector<1xi32>
      %shift_right_arithmetic3A_122 = arith.constant 7 : i32
      %shift_right_arithmetic3A_123 = arith.shrsi %squeeze3A_121, %shift_right_arithmetic3A_122 : i32
      %mul3A_124 = arith.constant 128 : i32
      %mul3A_125 = arith.muli %shift_right_arithmetic3A_123, %mul3A_124 : i32
      %multiple_of3A_126 = tpu.assume_multiple %mul3A_125, 128 : i32
      %dma_start3A_127 = arith.constant 224 : i32
      %dma_start3A_128 = arith.constant 0 : i32
      %dma_start3A_129 = tpu.memref_slice %arg7[%dma_start3A_127, %dma_start3A_128] : memref<512x128xf32, #tpu.memory_space<vmem>> -> memref<32x128xf32, #tpu.memory_space<vmem>>
      %dma_start3A_130 = tpu.memref_slice %arg3[%multiple_of3A, %multiple_of3A_126] : memref<64x100000xf32, #tpu.memory_space<hbm>> -> memref<32x128xf32, #tpu.memory_space<hbm>>
      %dma_start3A_131 = arith.constant 224 : i32
      %dma_start3A_132 = arith.constant 0 : i32
      %dma_start3A_133 = tpu.memref_slice %arg7[%dma_start3A_131, %dma_start3A_132] : memref<512x128xf32, #tpu.memory_space<vmem>> -> memref<32x128xf32, #tpu.memory_space<vmem>>
      %dma_start3A_134 = tpu.memref_slice %arg3[%multiple_of3A, %multiple_of3A_126] : memref<64x100000xf32, #tpu.memory_space<hbm>> -> memref<32x128xf32, #tpu.memory_space<hbm>>
      tpu.enqueue_dma source(%dma_start3A_134 : memref<32x128xf32, #tpu.memory_space<hbm>>) target(%dma_start3A_133 : memref<32x128xf32, #tpu.memory_space<vmem>>) target_semaphore(%arg13 : memref<!tpu.dma_semaphore, #tpu.memory_space<semaphore_mem>>)
      %slice3A_135 = vector.extract_strided_slice %min3A_17 {offsets = [8], sizes = [1], strides = [1]} : vector<16xi32> to vector<1xi32>
      %squeeze3A_136 = vector.extract %slice3A_135[0] : i32 from vector<1xi32>
      %shift_right_arithmetic3A_137 = arith.constant 7 : i32
      %shift_right_arithmetic3A_138 = arith.shrsi %squeeze3A_136, %shift_right_arithmetic3A_137 : i32
      %mul3A_139 = arith.constant 128 : i32
      %mul3A_140 = arith.muli %shift_right_arithmetic3A_138, %mul3A_139 : i32
      %multiple_of3A_141 = tpu.assume_multiple %mul3A_140, 128 : i32
      %dma_start3A_142 = arith.constant 256 : i32
      %dma_start3A_143 = arith.constant 0 : i32
      %dma_start3A_144 = tpu.memref_slice %arg7[%dma_start3A_142, %dma_start3A_143] : memref<512x128xf32, #tpu.memory_space<vmem>> -> memref<32x128xf32, #tpu.memory_space<vmem>>
      %dma_start3A_145 = tpu.memref_slice %arg3[%multiple_of3A, %multiple_of3A_141] : memref<64x100000xf32, #tpu.memory_space<hbm>> -> memref<32x128xf32, #tpu.memory_space<hbm>>
      %dma_start3A_146 = arith.constant 256 : i32
      %dma_start3A_147 = arith.constant 0 : i32
      %dma_start3A_148 = tpu.memref_slice %arg7[%dma_start3A_146, %dma_start3A_147] : memref<512x128xf32, #tpu.memory_space<vmem>> -> memref<32x128xf32, #tpu.memory_space<vmem>>
      %dma_start3A_149 = tpu.memref_slice %arg3[%multiple_of3A, %multiple_of3A_141] : memref<64x100000xf32, #tpu.memory_space<hbm>> -> memref<32x128xf32, #tpu.memory_space<hbm>>
      tpu.enqueue_dma source(%dma_start3A_149 : memref<32x128xf32, #tpu.memory_space<hbm>>) target(%dma_start3A_148 : memref<32x128xf32, #tpu.memory_space<vmem>>) target_semaphore(%arg14 : memref<!tpu.dma_semaphore, #tpu.memory_space<semaphore_mem>>)
      %slice3A_150 = vector.extract_strided_slice %min3A_17 {offsets = [9], sizes = [1], strides = [1]} : vector<16xi32> to vector<1xi32>
      %squeeze3A_151 = vector.extract %slice3A_150[0] : i32 from vector<1xi32>
      %shift_right_arithmetic3A_152 = arith.constant 7 : i32
      %shift_right_arithmetic3A_153 = arith.shrsi %squeeze3A_151, %shift_right_arithmetic3A_152 : i32
      %mul3A_154 = arith.constant 128 : i32
      %mul3A_155 = arith.muli %shift_right_arithmetic3A_153, %mul3A_154 : i32
      %multiple_of3A_156 = tpu.assume_multiple %mul3A_155, 128 : i32
      %dma_start3A_157 = arith.constant 288 : i32
      %dma_start3A_158 = arith.constant 0 : i32
      %dma_start3A_159 = tpu.memref_slice %arg7[%dma_start3A_157, %dma_start3A_158] : memref<512x128xf32, #tpu.memory_space<vmem>> -> memref<32x128xf32, #tpu.memory_space<vmem>>
      %dma_start3A_160 = tpu.memref_slice %arg3[%multiple_of3A, %multiple_of3A_156] : memref<64x100000xf32, #tpu.memory_space<hbm>> -> memref<32x128xf32, #tpu.memory_space<hbm>>
      %dma_start3A_161 = arith.constant 288 : i32
      %dma_start3A_162 = arith.constant 0 : i32
      %dma_start3A_163 = tpu.memref_slice %arg7[%dma_start3A_161, %dma_start3A_162] : memref<512x128xf32, #tpu.memory_space<vmem>> -> memref<32x128xf32, #tpu.memory_space<vmem>>
      %dma_start3A_164 = tpu.memref_slice %arg3[%multiple_of3A, %multiple_of3A_156] : memref<64x100000xf32, #tpu.memory_space<hbm>> -> memref<32x128xf32, #tpu.memory_space<hbm>>
      tpu.enqueue_dma source(%dma_start3A_164 : memref<32x128xf32, #tpu.memory_space<hbm>>) target(%dma_start3A_163 : memref<32x128xf32, #tpu.memory_space<vmem>>) target_semaphore(%arg14 : memref<!tpu.dma_semaphore, #tpu.memory_space<semaphore_mem>>)
      %slice3A_165 = vector.extract_strided_slice %min3A_17 {offsets = [10], sizes = [1], strides = [1]} : vector<16xi32> to vector<1xi32>
      %squeeze3A_166 = vector.extract %slice3A_165[0] : i32 from vector<1xi32>
      %shift_right_arithmetic3A_167 = arith.constant 7 : i32
      %shift_right_arithmetic3A_168 = arith.shrsi %squeeze3A_166, %shift_right_arithmetic3A_167 : i32
      %mul3A_169 = arith.constant 128 : i32
      %mul3A_170 = arith.muli %shift_right_arithmetic3A_168, %mul3A_169 : i32
      %multiple_of3A_171 = tpu.assume_multiple %mul3A_170, 128 : i32
      %dma_start3A_172 = arith.constant 320 : i32
      %dma_start3A_173 = arith.constant 0 : i32
      %dma_start3A_174 = tpu.memref_slice %arg7[%dma_start3A_172, %dma_start3A_173] : memref<512x128xf32, #tpu.memory_space<vmem>> -> memref<32x128xf32, #tpu.memory_space<vmem>>
      %dma_start3A_175 = tpu.memref_slice %arg3[%multiple_of3A, %multiple_of3A_171] : memref<64x100000xf32, #tpu.memory_space<hbm>> -> memref<32x128xf32, #tpu.memory_space<hbm>>
      %dma_start3A_176 = arith.constant 320 : i32
      %dma_start3A_177 = arith.constant 0 : i32
      %dma_start3A_178 = tpu.memref_slice %arg7[%dma_start3A_176, %dma_start3A_177] : memref<512x128xf32, #tpu.memory_space<vmem>> -> memref<32x128xf32, #tpu.memory_space<vmem>>
      %dma_start3A_179 = tpu.memref_slice %arg3[%multiple_of3A, %multiple_of3A_171] : memref<64x100000xf32, #tpu.memory_space<hbm>> -> memref<32x128xf32, #tpu.memory_space<hbm>>
      tpu.enqueue_dma source(%dma_start3A_179 : memref<32x128xf32, #tpu.memory_space<hbm>>) target(%dma_start3A_178 : memref<32x128xf32, #tpu.memory_space<vmem>>) target_semaphore(%arg14 : memref<!tpu.dma_semaphore, #tpu.memory_space<semaphore_mem>>)
      %slice3A_180 = vector.extract_strided_slice %min3A_17 {offsets = [11], sizes = [1], strides = [1]} : vector<16xi32> to vector<1xi32>
      %squeeze3A_181 = vector.extract %slice3A_180[0] : i32 from vector<1xi32>
      %shift_right_arithmetic3A_182 = arith.constant 7 : i32
      %shift_right_arithmetic3A_183 = arith.shrsi %squeeze3A_181, %shift_right_arithmetic3A_182 : i32
      %mul3A_184 = arith.constant 128 : i32
      %mul3A_185 = arith.muli %shift_right_arithmetic3A_183, %mul3A_184 : i32
      %multiple_of3A_186 = tpu.assume_multiple %mul3A_185, 128 : i32
      %dma_start3A_187 = arith.constant 352 : i32
      %dma_start3A_188 = arith.constant 0 : i32
      %dma_start3A_189 = tpu.memref_slice %arg7[%dma_start3A_187, %dma_start3A_188] : memref<512x128xf32, #tpu.memory_space<vmem>> -> memref<32x128xf32, #tpu.memory_space<vmem>>
      %dma_start3A_190 = tpu.memref_slice %arg3[%multiple_of3A, %multiple_of3A_186] : memref<64x100000xf32, #tpu.memory_space<hbm>> -> memref<32x128xf32, #tpu.memory_space<hbm>>
      %dma_start3A_191 = arith.constant 352 : i32
      %dma_start3A_192 = arith.constant 0 : i32
      %dma_start3A_193 = tpu.memref_slice %arg7[%dma_start3A_191, %dma_start3A_192] : memref<512x128xf32, #tpu.memory_space<vmem>> -> memref<32x128xf32, #tpu.memory_space<vmem>>
      %dma_start3A_194 = tpu.memref_slice %arg3[%multiple_of3A, %multiple_of3A_186] : memref<64x100000xf32, #tpu.memory_space<hbm>> -> memref<32x128xf32, #tpu.memory_space<hbm>>
      tpu.enqueue_dma source(%dma_start3A_194 : memref<32x128xf32, #tpu.memory_space<hbm>>) target(%dma_start3A_193 : memref<32x128xf32, #tpu.memory_space<vmem>>) target_semaphore(%arg14 : memref<!tpu.dma_semaphore, #tpu.memory_space<semaphore_mem>>)
      %slice3A_195 = vector.extract_strided_slice %min3A_17 {offsets = [12], sizes = [1], strides = [1]} : vector<16xi32> to vector<1xi32>
      %squeeze3A_196 = vector.extract %slice3A_195[0] : i32 from vector<1xi32>
      %shift_right_arithmetic3A_197 = arith.constant 7 : i32
      %shift_right_arithmetic3A_198 = arith.shrsi %squeeze3A_196, %shift_right_arithmetic3A_197 : i32
      %mul3A_199 = arith.constant 128 : i32
      %mul3A_200 = arith.muli %shift_right_arithmetic3A_198, %mul3A_199 : i32
      %multiple_of3A_201 = tpu.assume_multiple %mul3A_200, 128 : i32
      %dma_start3A_202 = arith.constant 384 : i32
      %dma_start3A_203 = arith.constant 0 : i32
      %dma_start3A_204 = tpu.memref_slice %arg7[%dma_start3A_202, %dma_start3A_203] : memref<512x128xf32, #tpu.memory_space<vmem>> -> memref<32x128xf32, #tpu.memory_space<vmem>>
      %dma_start3A_205 = tpu.memref_slice %arg3[%multiple_of3A, %multiple_of3A_201] : memref<64x100000xf32, #tpu.memory_space<hbm>> -> memref<32x128xf32, #tpu.memory_space<hbm>>
      %dma_start3A_206 = arith.constant 384 : i32
      %dma_start3A_207 = arith.constant 0 : i32
      %dma_start3A_208 = tpu.memref_slice %arg7[%dma_start3A_206, %dma_start3A_207] : memref<512x128xf32, #tpu.memory_space<vmem>> -> memref<32x128xf32, #tpu.memory_space<vmem>>
      %dma_start3A_209 = tpu.memref_slice %arg3[%multiple_of3A, %multiple_of3A_201] : memref<64x100000xf32, #tpu.memory_space<hbm>> -> memref<32x128xf32, #tpu.memory_space<hbm>>
      tpu.enqueue_dma source(%dma_start3A_209 : memref<32x128xf32, #tpu.memory_space<hbm>>) target(%dma_start3A_208 : memref<32x128xf32, #tpu.memory_space<vmem>>) target_semaphore(%arg14 : memref<!tpu.dma_semaphore, #tpu.memory_space<semaphore_mem>>)
      %slice3A_210 = vector.extract_strided_slice %min3A_17 {offsets = [13], sizes = [1], strides = [1]} : vector<16xi32> to vector<1xi32>
      %squeeze3A_211 = vector.extract %slice3A_210[0] : i32 from vector<1xi32>
      %shift_right_arithmetic3A_212 = arith.constant 7 : i32
      %shift_right_arithmetic3A_213 = arith.shrsi %squeeze3A_211, %shift_right_arithmetic3A_212 : i32
      %mul3A_214 = arith.constant 128 : i32
      %mul3A_215 = arith.muli %shift_right_arithmetic3A_213, %mul3A_214 : i32
      %multiple_of3A_216 = tpu.assume_multiple %mul3A_215, 128 : i32
      %dma_start3A_217 = arith.constant 416 : i32
      %dma_start3A_218 = arith.constant 0 : i32
      %dma_start3A_219 = tpu.memref_slice %arg7[%dma_start3A_217, %dma_start3A_218] : memref<512x128xf32, #tpu.memory_space<vmem>> -> memref<32x128xf32, #tpu.memory_space<vmem>>
      %dma_start3A_220 = tpu.memref_slice %arg3[%multiple_of3A, %multiple_of3A_216] : memref<64x100000xf32, #tpu.memory_space<hbm>> -> memref<32x128xf32, #tpu.memory_space<hbm>>
      %dma_start3A_221 = arith.constant 416 : i32
      %dma_start3A_222 = arith.constant 0 : i32
      %dma_start3A_223 = tpu.memref_slice %arg7[%dma_start3A_221, %dma_start3A_222] : memref<512x128xf32, #tpu.memory_space<vmem>> -> memref<32x128xf32, #tpu.memory_space<vmem>>
      %dma_start3A_224 = tpu.memref_slice %arg3[%multiple_of3A, %multiple_of3A_216] : memref<64x100000xf32, #tpu.memory_space<hbm>> -> memref<32x128xf32, #tpu.memory_space<hbm>>
      tpu.enqueue_dma source(%dma_start3A_224 : memref<32x128xf32, #tpu.memory_space<hbm>>) target(%dma_start3A_223 : memref<32x128xf32, #tpu.memory_space<vmem>>) target_semaphore(%arg14 : memref<!tpu.dma_semaphore, #tpu.memory_space<semaphore_mem>>)
      %slice3A_225 = vector.extract_strided_slice %min3A_17 {offsets = [14], sizes = [1], strides = [1]} : vector<16xi32> to vector<1xi32>
      %squeeze3A_226 = vector.extract %slice3A_225[0] : i32 from vector<1xi32>
      %shift_right_arithmetic3A_227 = arith.constant 7 : i32
      %shift_right_arithmetic3A_228 = arith.shrsi %squeeze3A_226, %shift_right_arithmetic3A_227 : i32
      %mul3A_229 = arith.constant 128 : i32
      %mul3A_230 = arith.muli %shift_right_arithmetic3A_228, %mul3A_229 : i32
      %multiple_of3A_231 = tpu.assume_multiple %mul3A_230, 128 : i32
      %dma_start3A_232 = arith.constant 448 : i32
      %dma_start3A_233 = arith.constant 0 : i32
      %dma_start3A_234 = tpu.memref_slice %arg7[%dma_start3A_232, %dma_start3A_233] : memref<512x128xf32, #tpu.memory_space<vmem>> -> memref<32x128xf32, #tpu.memory_space<vmem>>
      %dma_start3A_235 = tpu.memref_slice %arg3[%multiple_of3A, %multiple_of3A_231] : memref<64x100000xf32, #tpu.memory_space<hbm>> -> memref<32x128xf32, #tpu.memory_space<hbm>>
      %dma_start3A_236 = arith.constant 448 : i32
      %dma_start3A_237 = arith.constant 0 : i32
      %dma_start3A_238 = tpu.memref_slice %arg7[%dma_start3A_236, %dma_start3A_237] : memref<512x128xf32, #tpu.memory_space<vmem>> -> memref<32x128xf32, #tpu.memory_space<vmem>>
      %dma_start3A_239 = tpu.memref_slice %arg3[%multiple_of3A, %multiple_of3A_231] : memref<64x100000xf32, #tpu.memory_space<hbm>> -> memref<32x128xf32, #tpu.memory_space<hbm>>
      tpu.enqueue_dma source(%dma_start3A_239 : memref<32x128xf32, #tpu.memory_space<hbm>>) target(%dma_start3A_238 : memref<32x128xf32, #tpu.memory_space<vmem>>) target_semaphore(%arg14 : memref<!tpu.dma_semaphore, #tpu.memory_space<semaphore_mem>>)
      %slice3A_240 = vector.extract_strided_slice %min3A_17 {offsets = [15], sizes = [1], strides = [1]} : vector<16xi32> to vector<1xi32>
      %squeeze3A_241 = vector.extract %slice3A_240[0] : i32 from vector<1xi32>
      %shift_right_arithmetic3A_242 = arith.constant 7 : i32
      %shift_right_arithmetic3A_243 = arith.shrsi %squeeze3A_241, %shift_right_arithmetic3A_242 : i32
      %mul3A_244 = arith.constant 128 : i32
      %mul3A_245 = arith.muli %shift_right_arithmetic3A_243, %mul3A_244 : i32
      %multiple_of3A_246 = tpu.assume_multiple %mul3A_245, 128 : i32
      %dma_start3A_247 = arith.constant 480 : i32
      %dma_start3A_248 = arith.constant 0 : i32
      %dma_start3A_249 = tpu.memref_slice %arg7[%dma_start3A_247, %dma_start3A_248] : memref<512x128xf32, #tpu.memory_space<vmem>> -> memref<32x128xf32, #tpu.memory_space<vmem>>
      %dma_start3A_250 = tpu.memref_slice %arg3[%multiple_of3A, %multiple_of3A_246] : memref<64x100000xf32, #tpu.memory_space<hbm>> -> memref<32x128xf32, #tpu.memory_space<hbm>>
      %dma_start3A_251 = arith.constant 480 : i32
      %dma_start3A_252 = arith.constant 0 : i32
      %dma_start3A_253 = tpu.memref_slice %arg7[%dma_start3A_251, %dma_start3A_252] : memref<512x128xf32, #tpu.memory_space<vmem>> -> memref<32x128xf32, #tpu.memory_space<vmem>>
      %dma_start3A_254 = tpu.memref_slice %arg3[%multiple_of3A, %multiple_of3A_246] : memref<64x100000xf32, #tpu.memory_space<hbm>> -> memref<32x128xf32, #tpu.memory_space<hbm>>
      tpu.enqueue_dma source(%dma_start3A_254 : memref<32x128xf32, #tpu.memory_space<hbm>>) target(%dma_start3A_253 : memref<32x128xf32, #tpu.memory_space<vmem>>) target_semaphore(%arg14 : memref<!tpu.dma_semaphore, #tpu.memory_space<semaphore_mem>>)
      %iota3A = tpu.iota {dimensions = array<i32: 0>} : vector<16xi32>
      %broadcast_in_dim3A = arith.constant 0.000000e+00 : f32
      %broadcast_in_dim3A_255 = vector.broadcast %broadcast_in_dim3A : f32 to vector<16xf32>
      %broadcast_in_dim3A_256 = arith.constant 0.000000e+00 : f32
      %broadcast_in_dim3A_257 = vector.broadcast %broadcast_in_dim3A_256 : f32 to vector<16xf32>
      %and3A = arith.constant 127 : i32
      %and3A_258 = vector.broadcast %and3A : i32 to vector<16xi32>
      %and3A_259 = arith.andi %min3A_17, %and3A_258 : vector<16xi32>
      %dma_wait3A = arith.constant 0 : i32
      %dma_wait3A_260 = arith.constant 0 : i32
      %dma_wait3A_261 = tpu.memref_slice %arg7[%dma_wait3A, %dma_wait3A_260] : memref<512x128xf32, #tpu.memory_space<vmem>> -> memref<32x128xf32, #tpu.memory_space<vmem>>
      %dma_wait3A_262 = tpu.memref_slice %arg3[%multiple_of3A, %multiple_of3A_22] : memref<64x100000xf32, #tpu.memory_space<hbm>> -> memref<32x128xf32, #tpu.memory_space<hbm>>
      %dma_wait3A_263 = arith.constant 0 : i32
      %dma_wait3A_264 = arith.constant 0 : i32
      %dma_wait3A_265 = tpu.memref_slice %arg7[%dma_wait3A_263, %dma_wait3A_264] : memref<512x128xf32, #tpu.memory_space<vmem>> -> memref<32x128xf32, #tpu.memory_space<vmem>>
      %dma_wait3A_266 = tpu.memref_slice %arg3[%multiple_of3A, %multiple_of3A_22] : memref<64x100000xf32, #tpu.memory_space<hbm>> -> memref<32x128xf32, #tpu.memory_space<hbm>>
      tpu.wait_dma2 semaphore(%arg13 : memref<!tpu.dma_semaphore, #tpu.memory_space<semaphore_mem>>) src(%dma_wait3A_266 : memref<32x128xf32, #tpu.memory_space<hbm>>) dst(%dma_wait3A_265 : memref<32x128xf32, #tpu.memory_space<vmem>>)
      %dma_wait3A_267 = arith.constant 32 : i32
      %dma_wait3A_268 = arith.constant 0 : i32
      %dma_wait3A_269 = tpu.memref_slice %arg7[%dma_wait3A_267, %dma_wait3A_268] : memref<512x128xf32, #tpu.memory_space<vmem>> -> memref<32x128xf32, #tpu.memory_space<vmem>>
      %dma_wait3A_270 = tpu.memref_slice %arg3[%multiple_of3A, %multiple_of3A_36] : memref<64x100000xf32, #tpu.memory_space<hbm>> -> memref<32x128xf32, #tpu.memory_space<hbm>>
      %dma_wait3A_271 = arith.constant 32 : i32
      %dma_wait3A_272 = arith.constant 0 : i32
      %dma_wait3A_273 = tpu.memref_slice %arg7[%dma_wait3A_271, %dma_wait3A_272] : memref<512x128xf32, #tpu.memory_space<vmem>> -> memref<32x128xf32, #tpu.memory_space<vmem>>
      %dma_wait3A_274 = tpu.memref_slice %arg3[%multiple_of3A, %multiple_of3A_36] : memref<64x100000xf32, #tpu.memory_space<hbm>> -> memref<32x128xf32, #tpu.memory_space<hbm>>
      tpu.wait_dma2 semaphore(%arg13 : memref<!tpu.dma_semaphore, #tpu.memory_space<semaphore_mem>>) src(%dma_wait3A_274 : memref<32x128xf32, #tpu.memory_space<hbm>>) dst(%dma_wait3A_273 : memref<32x128xf32, #tpu.memory_space<vmem>>)
      %dma_wait3A_275 = arith.constant 64 : i32
      %dma_wait3A_276 = arith.constant 0 : i32
      %dma_wait3A_277 = tpu.memref_slice %arg7[%dma_wait3A_275, %dma_wait3A_276] : memref<512x128xf32, #tpu.memory_space<vmem>> -> memref<32x128xf32, #tpu.memory_space<vmem>>
      %dma_wait3A_278 = tpu.memref_slice %arg3[%multiple_of3A, %multiple_of3A_51] : memref<64x100000xf32, #tpu.memory_space<hbm>> -> memref<32x128xf32, #tpu.memory_space<hbm>>
      %dma_wait3A_279 = arith.constant 64 : i32
      %dma_wait3A_280 = arith.constant 0 : i32
      %dma_wait3A_281 = tpu.memref_slice %arg7[%dma_wait3A_279, %dma_wait3A_280] : memref<512x128xf32, #tpu.memory_space<vmem>> -> memref<32x128xf32, #tpu.memory_space<vmem>>
      %dma_wait3A_282 = tpu.memref_slice %arg3[%multiple_of3A, %multiple_of3A_51] : memref<64x100000xf32, #tpu.memory_space<hbm>> -> memref<32x128xf32, #tpu.memory_space<hbm>>
      tpu.wait_dma2 semaphore(%arg13 : memref<!tpu.dma_semaphore, #tpu.memory_space<semaphore_mem>>) src(%dma_wait3A_282 : memref<32x128xf32, #tpu.memory_space<hbm>>) dst(%dma_wait3A_281 : memref<32x128xf32, #tpu.memory_space<vmem>>)
      %dma_wait3A_283 = arith.constant 96 : i32
      %dma_wait3A_284 = arith.constant 0 : i32
      %dma_wait3A_285 = tpu.memref_slice %arg7[%dma_wait3A_283, %dma_wait3A_284] : memref<512x128xf32, #tpu.memory_space<vmem>> -> memref<32x128xf32, #tpu.memory_space<vmem>>
      %dma_wait3A_286 = tpu.memref_slice %arg3[%multiple_of3A, %multiple_of3A_66] : memref<64x100000xf32, #tpu.memory_space<hbm>> -> memref<32x128xf32, #tpu.memory_space<hbm>>
      %dma_wait3A_287 = arith.constant 96 : i32
      %dma_wait3A_288 = arith.constant 0 : i32
      %dma_wait3A_289 = tpu.memref_slice %arg7[%dma_wait3A_287, %dma_wait3A_288] : memref<512x128xf32, #tpu.memory_space<vmem>> -> memref<32x128xf32, #tpu.memory_space<vmem>>
      %dma_wait3A_290 = tpu.memref_slice %arg3[%multiple_of3A, %multiple_of3A_66] : memref<64x100000xf32, #tpu.memory_space<hbm>> -> memref<32x128xf32, #tpu.memory_space<hbm>>
      tpu.wait_dma2 semaphore(%arg13 : memref<!tpu.dma_semaphore, #tpu.memory_space<semaphore_mem>>) src(%dma_wait3A_290 : memref<32x128xf32, #tpu.memory_space<hbm>>) dst(%dma_wait3A_289 : memref<32x128xf32, #tpu.memory_space<vmem>>)
      %dma_wait3A_291 = arith.constant 128 : i32
      %dma_wait3A_292 = arith.constant 0 : i32
      %dma_wait3A_293 = tpu.memref_slice %arg7[%dma_wait3A_291, %dma_wait3A_292] : memref<512x128xf32, #tpu.memory_space<vmem>> -> memref<32x128xf32, #tpu.memory_space<vmem>>
      %dma_wait3A_294 = tpu.memref_slice %arg3[%multiple_of3A, %multiple_of3A_81] : memref<64x100000xf32, #tpu.memory_space<hbm>> -> memref<32x128xf32, #tpu.memory_space<hbm>>
      %dma_wait3A_295 = arith.constant 128 : i32
      %dma_wait3A_296 = arith.constant 0 : i32
      %dma_wait3A_297 = tpu.memref_slice %arg7[%dma_wait3A_295, %dma_wait3A_296] : memref<512x128xf32, #tpu.memory_space<vmem>> -> memref<32x128xf32, #tpu.memory_space<vmem>>
      %dma_wait3A_298 = tpu.memref_slice %arg3[%multiple_of3A, %multiple_of3A_81] : memref<64x100000xf32, #tpu.memory_space<hbm>> -> memref<32x128xf32, #tpu.memory_space<hbm>>
      tpu.wait_dma2 semaphore(%arg13 : memref<!tpu.dma_semaphore, #tpu.memory_space<semaphore_mem>>) src(%dma_wait3A_298 : memref<32x128xf32, #tpu.memory_space<hbm>>) dst(%dma_wait3A_297 : memref<32x128xf32, #tpu.memory_space<vmem>>)
      %dma_wait3A_299 = arith.constant 160 : i32
      %dma_wait3A_300 = arith.constant 0 : i32
      %dma_wait3A_301 = tpu.memref_slice %arg7[%dma_wait3A_299, %dma_wait3A_300] : memref<512x128xf32, #tpu.memory_space<vmem>> -> memref<32x128xf32, #tpu.memory_space<vmem>>
      %dma_wait3A_302 = tpu.memref_slice %arg3[%multiple_of3A, %multiple_of3A_96] : memref<64x100000xf32, #tpu.memory_space<hbm>> -> memref<32x128xf32, #tpu.memory_space<hbm>>
      %dma_wait3A_303 = arith.constant 160 : i32
      %dma_wait3A_304 = arith.constant 0 : i32
      %dma_wait3A_305 = tpu.memref_slice %arg7[%dma_wait3A_303, %dma_wait3A_304] : memref<512x128xf32, #tpu.memory_space<vmem>> -> memref<32x128xf32, #tpu.memory_space<vmem>>
      %dma_wait3A_306 = tpu.memref_slice %arg3[%multiple_of3A, %multiple_of3A_96] : memref<64x100000xf32, #tpu.memory_space<hbm>> -> memref<32x128xf32, #tpu.memory_space<hbm>>
      tpu.wait_dma2 semaphore(%arg13 : memref<!tpu.dma_semaphore, #tpu.memory_space<semaphore_mem>>) src(%dma_wait3A_306 : memref<32x128xf32, #tpu.memory_space<hbm>>) dst(%dma_wait3A_305 : memref<32x128xf32, #tpu.memory_space<vmem>>)
      %dma_wait3A_307 = arith.constant 192 : i32
      %dma_wait3A_308 = arith.constant 0 : i32
      %dma_wait3A_309 = tpu.memref_slice %arg7[%dma_wait3A_307, %dma_wait3A_308] : memref<512x128xf32, #tpu.memory_space<vmem>> -> memref<32x128xf32, #tpu.memory_space<vmem>>
      %dma_wait3A_310 = tpu.memref_slice %arg3[%multiple_of3A, %multiple_of3A_111] : memref<64x100000xf32, #tpu.memory_space<hbm>> -> memref<32x128xf32, #tpu.memory_space<hbm>>
      %dma_wait3A_311 = arith.constant 192 : i32
      %dma_wait3A_312 = arith.constant 0 : i32
      %dma_wait3A_313 = tpu.memref_slice %arg7[%dma_wait3A_311, %dma_wait3A_312] : memref<512x128xf32, #tpu.memory_space<vmem>> -> memref<32x128xf32, #tpu.memory_space<vmem>>
      %dma_wait3A_314 = tpu.memref_slice %arg3[%multiple_of3A, %multiple_of3A_111] : memref<64x100000xf32, #tpu.memory_space<hbm>> -> memref<32x128xf32, #tpu.memory_space<hbm>>
      tpu.wait_dma2 semaphore(%arg13 : memref<!tpu.dma_semaphore, #tpu.memory_space<semaphore_mem>>) src(%dma_wait3A_314 : memref<32x128xf32, #tpu.memory_space<hbm>>) dst(%dma_wait3A_313 : memref<32x128xf32, #tpu.memory_space<vmem>>)
      %dma_wait3A_315 = arith.constant 224 : i32
      %dma_wait3A_316 = arith.constant 0 : i32
      %dma_wait3A_317 = tpu.memref_slice %arg7[%dma_wait3A_315, %dma_wait3A_316] : memref<512x128xf32, #tpu.memory_space<vmem>> -> memref<32x128xf32, #tpu.memory_space<vmem>>
      %dma_wait3A_318 = tpu.memref_slice %arg3[%multiple_of3A, %multiple_of3A_126] : memref<64x100000xf32, #tpu.memory_space<hbm>> -> memref<32x128xf32, #tpu.memory_space<hbm>>
      %dma_wait3A_319 = arith.constant 224 : i32
      %dma_wait3A_320 = arith.constant 0 : i32
      %dma_wait3A_321 = tpu.memref_slice %arg7[%dma_wait3A_319, %dma_wait3A_320] : memref<512x128xf32, #tpu.memory_space<vmem>> -> memref<32x128xf32, #tpu.memory_space<vmem>>
      %dma_wait3A_322 = tpu.memref_slice %arg3[%multiple_of3A, %multiple_of3A_126] : memref<64x100000xf32, #tpu.memory_space<hbm>> -> memref<32x128xf32, #tpu.memory_space<hbm>>
      tpu.wait_dma2 semaphore(%arg13 : memref<!tpu.dma_semaphore, #tpu.memory_space<semaphore_mem>>) src(%dma_wait3A_322 : memref<32x128xf32, #tpu.memory_space<hbm>>) dst(%dma_wait3A_321 : memref<32x128xf32, #tpu.memory_space<vmem>>)
      %slice3A_323 = vector.extract_strided_slice %and3A_259 {offsets = [0], sizes = [1], strides = [1]} : vector<16xi32> to vector<1xi32>
      %squeeze3A_324 = vector.extract %slice3A_323[0] : i32 from vector<1xi32>
      %broadcast_in_dim3A_325 = vector.broadcast %squeeze3A_324 : i32 to vector<16xi32>
      %broadcast_in_dim3A_326 = arith.constant 0 : i32
      %broadcast_in_dim3A_327 = vector.broadcast %broadcast_in_dim3A_326 : i32 to vector<16xi32>
      %add3A = arith.addi %broadcast_in_dim3A_327, %iota3A : vector<16xi32>
      %gather3A = tpu.vector_load_idx %arg7[%add3A, %broadcast_in_dim3A_325] : memref<512x128xf32, #tpu.memory_space<vmem>>[vector<16xi32>, vector<16xi32>], vector<16xf32>,
      %add3A_328 = arith.addf %broadcast_in_dim3A_255, %gather3A : vector<16xf32>
      %add3A_329 = arith.constant 16 : i32
      %add3A_330 = vector.broadcast %add3A_329 : i32 to vector<16xi32>
      %add3A_331 = arith.addi %add3A, %add3A_330 : vector<16xi32>
      %gather3A_332 = tpu.vector_load_idx %arg7[%add3A_331, %broadcast_in_dim3A_325] : memref<512x128xf32, #tpu.memory_space<vmem>>[vector<16xi32>, vector<16xi32>], vector<16xf32>,
      %add3A_333 = arith.addf %broadcast_in_dim3A_257, %gather3A_332 : vector<16xf32>
      %swap3A = arith.constant 0 : i32
      %swap3A_334 = arith.index_cast %swap3A : i32 to index
      %swap3A_335 = arith.constant 0 : index
      %swap3A_336 = tpu.vector_load %arg8[%swap3A_334, %swap3A_335] {strides = array<i32>} : memref<16x32xf32, #tpu.memory_space<vmem>>, vector<16xf32>,
      tpu.vector_store %arg8[%swap3A_334, %swap3A_335], %add3A_328 {strides = array<i32>} : memref<16x32xf32, #tpu.memory_space<vmem>>, vector<16xf32>,
      %swap3A_337 = arith.constant 0 : i32
      %swap3A_338 = arith.index_cast %swap3A_337 : i32 to index
      %swap3A_339 = arith.constant 16 : index
      %swap3A_340 = tpu.vector_load %arg8[%swap3A_338, %swap3A_339] {strides = array<i32>} : memref<16x32xf32, #tpu.memory_space<vmem>>, vector<16xf32>,
      tpu.vector_store %arg8[%swap3A_338, %swap3A_339], %add3A_333 {strides = array<i32>} : memref<16x32xf32, #tpu.memory_space<vmem>>, vector<16xf32>,
      %slice3A_341 = vector.extract_strided_slice %and3A_259 {offsets = [1], sizes = [1], strides = [1]} : vector<16xi32> to vector<1xi32>
      %squeeze3A_342 = vector.extract %slice3A_341[0] : i32 from vector<1xi32>
      %broadcast_in_dim3A_343 = vector.broadcast %squeeze3A_342 : i32 to vector<16xi32>
      %broadcast_in_dim3A_344 = arith.constant 32 : i32
      %broadcast_in_dim3A_345 = vector.broadcast %broadcast_in_dim3A_344 : i32 to vector<16xi32>
      %add3A_346 = arith.addi %broadcast_in_dim3A_345, %iota3A : vector<16xi32>
      %gather3A_347 = tpu.vector_load_idx %arg7[%add3A_346, %broadcast_in_dim3A_343] : memref<512x128xf32, #tpu.memory_space<vmem>>[vector<16xi32>, vector<16xi32>], vector<16xf32>,
      %add3A_348 = arith.addf %add3A_328, %gather3A_347 : vector<16xf32>
      %add3A_349 = arith.constant 16 : i32
      %add3A_350 = vector.broadcast %add3A_349 : i32 to vector<16xi32>
      %add3A_351 = arith.addi %add3A_346, %add3A_350 : vector<16xi32>
      %gather3A_352 = tpu.vector_load_idx %arg7[%add3A_351, %broadcast_in_dim3A_343] : memref<512x128xf32, #tpu.memory_space<vmem>>[vector<16xi32>, vector<16xi32>], vector<16xf32>,
      %add3A_353 = arith.addf %add3A_333, %gather3A_352 : vector<16xf32>
      %swap3A_354 = arith.constant 1 : i32
      %swap3A_355 = arith.index_cast %swap3A_354 : i32 to index
      %swap3A_356 = arith.constant 0 : index
      %swap3A_357 = tpu.vector_load %arg8[%swap3A_355, %swap3A_356] {strides = array<i32>} : memref<16x32xf32, #tpu.memory_space<vmem>>, vector<16xf32>,
      tpu.vector_store %arg8[%swap3A_355, %swap3A_356], %add3A_348 {strides = array<i32>} : memref<16x32xf32, #tpu.memory_space<vmem>>, vector<16xf32>,
      %swap3A_358 = arith.constant 1 : i32
      %swap3A_359 = arith.index_cast %swap3A_358 : i32 to index
      %swap3A_360 = arith.constant 16 : index
      %swap3A_361 = tpu.vector_load %arg8[%swap3A_359, %swap3A_360] {strides = array<i32>} : memref<16x32xf32, #tpu.memory_space<vmem>>, vector<16xf32>,
      tpu.vector_store %arg8[%swap3A_359, %swap3A_360], %add3A_353 {strides = array<i32>} : memref<16x32xf32, #tpu.memory_space<vmem>>, vector<16xf32>,
      %slice3A_362 = vector.extract_strided_slice %and3A_259 {offsets = [2], sizes = [1], strides = [1]} : vector<16xi32> to vector<1xi32>
      %squeeze3A_363 = vector.extract %slice3A_362[0] : i32 from vector<1xi32>
      %broadcast_in_dim3A_364 = vector.broadcast %squeeze3A_363 : i32 to vector<16xi32>
      %broadcast_in_dim3A_365 = arith.constant 64 : i32
      %broadcast_in_dim3A_366 = vector.broadcast %broadcast_in_dim3A_365 : i32 to vector<16xi32>
      %add3A_367 = arith.addi %broadcast_in_dim3A_366, %iota3A : vector<16xi32>
      %gather3A_368 = tpu.vector_load_idx %arg7[%add3A_367, %broadcast_in_dim3A_364] : memref<512x128xf32, #tpu.memory_space<vmem>>[vector<16xi32>, vector<16xi32>], vector<16xf32>,
      %add3A_369 = arith.addf %add3A_348, %gather3A_368 : vector<16xf32>
      %add3A_370 = arith.constant 16 : i32
      %add3A_371 = vector.broadcast %add3A_370 : i32 to vector<16xi32>
      %add3A_372 = arith.addi %add3A_367, %add3A_371 : vector<16xi32>
      %gather3A_373 = tpu.vector_load_idx %arg7[%add3A_372, %broadcast_in_dim3A_364] : memref<512x128xf32, #tpu.memory_space<vmem>>[vector<16xi32>, vector<16xi32>], vector<16xf32>,
      %add3A_374 = arith.addf %add3A_353, %gather3A_373 : vector<16xf32>
      %swap3A_375 = arith.constant 2 : i32
      %swap3A_376 = arith.index_cast %swap3A_375 : i32 to index
      %swap3A_377 = arith.constant 0 : index
      %swap3A_378 = tpu.vector_load %arg8[%swap3A_376, %swap3A_377] {strides = array<i32>} : memref<16x32xf32, #tpu.memory_space<vmem>>, vector<16xf32>,
      tpu.vector_store %arg8[%swap3A_376, %swap3A_377], %add3A_369 {strides = array<i32>} : memref<16x32xf32, #tpu.memory_space<vmem>>, vector<16xf32>,
      %swap3A_379 = arith.constant 2 : i32
      %swap3A_380 = arith.index_cast %swap3A_379 : i32 to index
      %swap3A_381 = arith.constant 16 : index
      %swap3A_382 = tpu.vector_load %arg8[%swap3A_380, %swap3A_381] {strides = array<i32>} : memref<16x32xf32, #tpu.memory_space<vmem>>, vector<16xf32>,
      tpu.vector_store %arg8[%swap3A_380, %swap3A_381], %add3A_374 {strides = array<i32>} : memref<16x32xf32, #tpu.memory_space<vmem>>, vector<16xf32>,
      %slice3A_383 = vector.extract_strided_slice %and3A_259 {offsets = [3], sizes = [1], strides = [1]} : vector<16xi32> to vector<1xi32>
      %squeeze3A_384 = vector.extract %slice3A_383[0] : i32 from vector<1xi32>
      %broadcast_in_dim3A_385 = vector.broadcast %squeeze3A_384 : i32 to vector<16xi32>
      %broadcast_in_dim3A_386 = arith.constant 96 : i32
      %broadcast_in_dim3A_387 = vector.broadcast %broadcast_in_dim3A_386 : i32 to vector<16xi32>
      %add3A_388 = arith.addi %broadcast_in_dim3A_387, %iota3A : vector<16xi32>
      %gather3A_389 = tpu.vector_load_idx %arg7[%add3A_388, %broadcast_in_dim3A_385] : memref<512x128xf32, #tpu.memory_space<vmem>>[vector<16xi32>, vector<16xi32>], vector<16xf32>,
      %add3A_390 = arith.addf %add3A_369, %gather3A_389 : vector<16xf32>
      %add3A_391 = arith.constant 16 : i32
      %add3A_392 = vector.broadcast %add3A_391 : i32 to vector<16xi32>
      %add3A_393 = arith.addi %add3A_388, %add3A_392 : vector<16xi32>
      %gather3A_394 = tpu.vector_load_idx %arg7[%add3A_393, %broadcast_in_dim3A_385] : memref<512x128xf32, #tpu.memory_space<vmem>>[vector<16xi32>, vector<16xi32>], vector<16xf32>,
      %add3A_395 = arith.addf %add3A_374, %gather3A_394 : vector<16xf32>
      %swap3A_396 = arith.constant 3 : i32
      %swap3A_397 = arith.index_cast %swap3A_396 : i32 to index
      %swap3A_398 = arith.constant 0 : index
      %swap3A_399 = tpu.vector_load %arg8[%swap3A_397, %swap3A_398] {strides = array<i32>} : memref<16x32xf32, #tpu.memory_space<vmem>>, vector<16xf32>,
      tpu.vector_store %arg8[%swap3A_397, %swap3A_398], %add3A_390 {strides = array<i32>} : memref<16x32xf32, #tpu.memory_space<vmem>>, vector<16xf32>,
      %swap3A_400 = arith.constant 3 : i32
      %swap3A_401 = arith.index_cast %swap3A_400 : i32 to index
      %swap3A_402 = arith.constant 16 : index
      %swap3A_403 = tpu.vector_load %arg8[%swap3A_401, %swap3A_402] {strides = array<i32>} : memref<16x32xf32, #tpu.memory_space<vmem>>, vector<16xf32>,
      tpu.vector_store %arg8[%swap3A_401, %swap3A_402], %add3A_395 {strides = array<i32>} : memref<16x32xf32, #tpu.memory_space<vmem>>, vector<16xf32>,
      %slice3A_404 = vector.extract_strided_slice %and3A_259 {offsets = [4], sizes = [1], strides = [1]} : vector<16xi32> to vector<1xi32>
      %squeeze3A_405 = vector.extract %slice3A_404[0] : i32 from vector<1xi32>
      %broadcast_in_dim3A_406 = vector.broadcast %squeeze3A_405 : i32 to vector<16xi32>
      %broadcast_in_dim3A_407 = arith.constant 128 : i32
      %broadcast_in_dim3A_408 = vector.broadcast %broadcast_in_dim3A_407 : i32 to vector<16xi32>
      %add3A_409 = arith.addi %broadcast_in_dim3A_408, %iota3A : vector<16xi32>
      %gather3A_410 = tpu.vector_load_idx %arg7[%add3A_409, %broadcast_in_dim3A_406] : memref<512x128xf32, #tpu.memory_space<vmem>>[vector<16xi32>, vector<16xi32>], vector<16xf32>,
      %add3A_411 = arith.addf %add3A_390, %gather3A_410 : vector<16xf32>
      %add3A_412 = arith.constant 16 : i32
      %add3A_413 = vector.broadcast %add3A_412 : i32 to vector<16xi32>
      %add3A_414 = arith.addi %add3A_409, %add3A_413 : vector<16xi32>
      %gather3A_415 = tpu.vector_load_idx %arg7[%add3A_414, %broadcast_in_dim3A_406] : memref<512x128xf32, #tpu.memory_space<vmem>>[vector<16xi32>, vector<16xi32>], vector<16xf32>,
      %add3A_416 = arith.addf %add3A_395, %gather3A_415 : vector<16xf32>
      %swap3A_417 = arith.constant 4 : i32
      %swap3A_418 = arith.index_cast %swap3A_417 : i32 to index
      %swap3A_419 = arith.constant 0 : index
      %swap3A_420 = tpu.vector_load %arg8[%swap3A_418, %swap3A_419] {strides = array<i32>} : memref<16x32xf32, #tpu.memory_space<vmem>>, vector<16xf32>,
      tpu.vector_store %arg8[%swap3A_418, %swap3A_419], %add3A_411 {strides = array<i32>} : memref<16x32xf32, #tpu.memory_space<vmem>>, vector<16xf32>,
      %swap3A_421 = arith.constant 4 : i32
      %swap3A_422 = arith.index_cast %swap3A_421 : i32 to index
      %swap3A_423 = arith.constant 16 : index
      %swap3A_424 = tpu.vector_load %arg8[%swap3A_422, %swap3A_423] {strides = array<i32>} : memref<16x32xf32, #tpu.memory_space<vmem>>, vector<16xf32>,
      tpu.vector_store %arg8[%swap3A_422, %swap3A_423], %add3A_416 {strides = array<i32>} : memref<16x32xf32, #tpu.memory_space<vmem>>, vector<16xf32>,
      %slice3A_425 = vector.extract_strided_slice %and3A_259 {offsets = [5], sizes = [1], strides = [1]} : vector<16xi32> to vector<1xi32>
      %squeeze3A_426 = vector.extract %slice3A_425[0] : i32 from vector<1xi32>
      %broadcast_in_dim3A_427 = vector.broadcast %squeeze3A_426 : i32 to vector<16xi32>
      %broadcast_in_dim3A_428 = arith.constant 160 : i32
      %broadcast_in_dim3A_429 = vector.broadcast %broadcast_in_dim3A_428 : i32 to vector<16xi32>
      %add3A_430 = arith.addi %broadcast_in_dim3A_429, %iota3A : vector<16xi32>
      %gather3A_431 = tpu.vector_load_idx %arg7[%add3A_430, %broadcast_in_dim3A_427] : memref<512x128xf32, #tpu.memory_space<vmem>>[vector<16xi32>, vector<16xi32>], vector<16xf32>,
      %add3A_432 = arith.addf %add3A_411, %gather3A_431 : vector<16xf32>
      %add3A_433 = arith.constant 16 : i32
      %add3A_434 = vector.broadcast %add3A_433 : i32 to vector<16xi32>
      %add3A_435 = arith.addi %add3A_430, %add3A_434 : vector<16xi32>
      %gather3A_436 = tpu.vector_load_idx %arg7[%add3A_435, %broadcast_in_dim3A_427] : memref<512x128xf32, #tpu.memory_space<vmem>>[vector<16xi32>, vector<16xi32>], vector<16xf32>,
      %add3A_437 = arith.addf %add3A_416, %gather3A_436 : vector<16xf32>
      %swap3A_438 = arith.constant 5 : i32
      %swap3A_439 = arith.index_cast %swap3A_438 : i32 to index
      %swap3A_440 = arith.constant 0 : index
      %swap3A_441 = tpu.vector_load %arg8[%swap3A_439, %swap3A_440] {strides = array<i32>} : memref<16x32xf32, #tpu.memory_space<vmem>>, vector<16xf32>,
      tpu.vector_store %arg8[%swap3A_439, %swap3A_440], %add3A_432 {strides = array<i32>} : memref<16x32xf32, #tpu.memory_space<vmem>>, vector<16xf32>,
      %swap3A_442 = arith.constant 5 : i32
      %swap3A_443 = arith.index_cast %swap3A_442 : i32 to index
      %swap3A_444 = arith.constant 16 : index
      %swap3A_445 = tpu.vector_load %arg8[%swap3A_443, %swap3A_444] {strides = array<i32>} : memref<16x32xf32, #tpu.memory_space<vmem>>, vector<16xf32>,
      tpu.vector_store %arg8[%swap3A_443, %swap3A_444], %add3A_437 {strides = array<i32>} : memref<16x32xf32, #tpu.memory_space<vmem>>, vector<16xf32>,
      %slice3A_446 = vector.extract_strided_slice %and3A_259 {offsets = [6], sizes = [1], strides = [1]} : vector<16xi32> to vector<1xi32>
      %squeeze3A_447 = vector.extract %slice3A_446[0] : i32 from vector<1xi32>
      %broadcast_in_dim3A_448 = vector.broadcast %squeeze3A_447 : i32 to vector<16xi32>
      %broadcast_in_dim3A_449 = arith.constant 192 : i32
      %broadcast_in_dim3A_450 = vector.broadcast %broadcast_in_dim3A_449 : i32 to vector<16xi32>
      %add3A_451 = arith.addi %broadcast_in_dim3A_450, %iota3A : vector<16xi32>
      %gather3A_452 = tpu.vector_load_idx %arg7[%add3A_451, %broadcast_in_dim3A_448] : memref<512x128xf32, #tpu.memory_space<vmem>>[vector<16xi32>, vector<16xi32>], vector<16xf32>,
      %add3A_453 = arith.addf %add3A_432, %gather3A_452 : vector<16xf32>
      %add3A_454 = arith.constant 16 : i32
      %add3A_455 = vector.broadcast %add3A_454 : i32 to vector<16xi32>
      %add3A_456 = arith.addi %add3A_451, %add3A_455 : vector<16xi32>
      %gather3A_457 = tpu.vector_load_idx %arg7[%add3A_456, %broadcast_in_dim3A_448] : memref<512x128xf32, #tpu.memory_space<vmem>>[vector<16xi32>, vector<16xi32>], vector<16xf32>,
      %add3A_458 = arith.addf %add3A_437, %gather3A_457 : vector<16xf32>
      %swap3A_459 = arith.constant 6 : i32
      %swap3A_460 = arith.index_cast %swap3A_459 : i32 to index
      %swap3A_461 = arith.constant 0 : index
      %swap3A_462 = tpu.vector_load %arg8[%swap3A_460, %swap3A_461] {strides = array<i32>} : memref<16x32xf32, #tpu.memory_space<vmem>>, vector<16xf32>,
      tpu.vector_store %arg8[%swap3A_460, %swap3A_461], %add3A_453 {strides = array<i32>} : memref<16x32xf32, #tpu.memory_space<vmem>>, vector<16xf32>,
      %swap3A_463 = arith.constant 6 : i32
      %swap3A_464 = arith.index_cast %swap3A_463 : i32 to index
      %swap3A_465 = arith.constant 16 : index
      %swap3A_466 = tpu.vector_load %arg8[%swap3A_464, %swap3A_465] {strides = array<i32>} : memref<16x32xf32, #tpu.memory_space<vmem>>, vector<16xf32>,
      tpu.vector_store %arg8[%swap3A_464, %swap3A_465], %add3A_458 {strides = array<i32>} : memref<16x32xf32, #tpu.memory_space<vmem>>, vector<16xf32>,
      %slice3A_467 = vector.extract_strided_slice %and3A_259 {offsets = [7], sizes = [1], strides = [1]} : vector<16xi32> to vector<1xi32>
      %squeeze3A_468 = vector.extract %slice3A_467[0] : i32 from vector<1xi32>
      %broadcast_in_dim3A_469 = vector.broadcast %squeeze3A_468 : i32 to vector<16xi32>
      %broadcast_in_dim3A_470 = arith.constant 224 : i32
      %broadcast_in_dim3A_471 = vector.broadcast %broadcast_in_dim3A_470 : i32 to vector<16xi32>
      %add3A_472 = arith.addi %broadcast_in_dim3A_471, %iota3A : vector<16xi32>
      %gather3A_473 = tpu.vector_load_idx %arg7[%add3A_472, %broadcast_in_dim3A_469] : memref<512x128xf32, #tpu.memory_space<vmem>>[vector<16xi32>, vector<16xi32>], vector<16xf32>,
      %add3A_474 = arith.addf %add3A_453, %gather3A_473 : vector<16xf32>
      %add3A_475 = arith.constant 16 : i32
      %add3A_476 = vector.broadcast %add3A_475 : i32 to vector<16xi32>
      %add3A_477 = arith.addi %add3A_472, %add3A_476 : vector<16xi32>
      %gather3A_478 = tpu.vector_load_idx %arg7[%add3A_477, %broadcast_in_dim3A_469] : memref<512x128xf32, #tpu.memory_space<vmem>>[vector<16xi32>, vector<16xi32>], vector<16xf32>,
      %add3A_479 = arith.addf %add3A_458, %gather3A_478 : vector<16xf32>
      %swap3A_480 = arith.constant 7 : i32
      %swap3A_481 = arith.index_cast %swap3A_480 : i32 to index
      %swap3A_482 = arith.constant 0 : index
      %swap3A_483 = tpu.vector_load %arg8[%swap3A_481, %swap3A_482] {strides = array<i32>} : memref<16x32xf32, #tpu.memory_space<vmem>>, vector<16xf32>,
      tpu.vector_store %arg8[%swap3A_481, %swap3A_482], %add3A_474 {strides = array<i32>} : memref<16x32xf32, #tpu.memory_space<vmem>>, vector<16xf32>,
      %swap3A_484 = arith.constant 7 : i32
      %swap3A_485 = arith.index_cast %swap3A_484 : i32 to index
      %swap3A_486 = arith.constant 16 : index
      %swap3A_487 = tpu.vector_load %arg8[%swap3A_485, %swap3A_486] {strides = array<i32>} : memref<16x32xf32, #tpu.memory_space<vmem>>, vector<16xf32>,
      tpu.vector_store %arg8[%swap3A_485, %swap3A_486], %add3A_479 {strides = array<i32>} : memref<16x32xf32, #tpu.memory_space<vmem>>, vector<16xf32>,
      %dma_wait3A_488 = arith.constant 256 : i32
      %dma_wait3A_489 = arith.constant 0 : i32
      %dma_wait3A_490 = tpu.memref_slice %arg7[%dma_wait3A_488, %dma_wait3A_489] : memref<512x128xf32, #tpu.memory_space<vmem>> -> memref<32x128xf32, #tpu.memory_space<vmem>>
      %dma_wait3A_491 = tpu.memref_slice %arg3[%multiple_of3A, %multiple_of3A_141] : memref<64x100000xf32, #tpu.memory_space<hbm>> -> memref<32x128xf32, #tpu.memory_space<hbm>>
      %dma_wait3A_492 = arith.constant 256 : i32
      %dma_wait3A_493 = arith.constant 0 : i32
      %dma_wait3A_494 = tpu.memref_slice %arg7[%dma_wait3A_492, %dma_wait3A_493] : memref<512x128xf32, #tpu.memory_space<vmem>> -> memref<32x128xf32, #tpu.memory_space<vmem>>
      %dma_wait3A_495 = tpu.memref_slice %arg3[%multiple_of3A, %multiple_of3A_141] : memref<64x100000xf32, #tpu.memory_space<hbm>> -> memref<32x128xf32, #tpu.memory_space<hbm>>
      tpu.wait_dma2 semaphore(%arg14 : memref<!tpu.dma_semaphore, #tpu.memory_space<semaphore_mem>>) src(%dma_wait3A_495 : memref<32x128xf32, #tpu.memory_space<hbm>>) dst(%dma_wait3A_494 : memref<32x128xf32, #tpu.memory_space<vmem>>)
      %dma_wait3A_496 = arith.constant 288 : i32
      %dma_wait3A_497 = arith.constant 0 : i32
      %dma_wait3A_498 = tpu.memref_slice %arg7[%dma_wait3A_496, %dma_wait3A_497] : memref<512x128xf32, #tpu.memory_space<vmem>> -> memref<32x128xf32, #tpu.memory_space<vmem>>
      %dma_wait3A_499 = tpu.memref_slice %arg3[%multiple_of3A, %multiple_of3A_156] : memref<64x100000xf32, #tpu.memory_space<hbm>> -> memref<32x128xf32, #tpu.memory_space<hbm>>
      %dma_wait3A_500 = arith.constant 288 : i32
      %dma_wait3A_501 = arith.constant 0 : i32
      %dma_wait3A_502 = tpu.memref_slice %arg7[%dma_wait3A_500, %dma_wait3A_501] : memref<512x128xf32, #tpu.memory_space<vmem>> -> memref<32x128xf32, #tpu.memory_space<vmem>>
      %dma_wait3A_503 = tpu.memref_slice %arg3[%multiple_of3A, %multiple_of3A_156] : memref<64x100000xf32, #tpu.memory_space<hbm>> -> memref<32x128xf32, #tpu.memory_space<hbm>>
      tpu.wait_dma2 semaphore(%arg14 : memref<!tpu.dma_semaphore, #tpu.memory_space<semaphore_mem>>) src(%dma_wait3A_503 : memref<32x128xf32, #tpu.memory_space<hbm>>) dst(%dma_wait3A_502 : memref<32x128xf32, #tpu.memory_space<vmem>>)
      %dma_wait3A_504 = arith.constant 320 : i32
      %dma_wait3A_505 = arith.constant 0 : i32
      %dma_wait3A_506 = tpu.memref_slice %arg7[%dma_wait3A_504, %dma_wait3A_505] : memref<512x128xf32, #tpu.memory_space<vmem>> -> memref<32x128xf32, #tpu.memory_space<vmem>>
      %dma_wait3A_507 = tpu.memref_slice %arg3[%multiple_of3A, %multiple_of3A_171] : memref<64x100000xf32, #tpu.memory_space<hbm>> -> memref<32x128xf32, #tpu.memory_space<hbm>>
      %dma_wait3A_508 = arith.constant 320 : i32
      %dma_wait3A_509 = arith.constant 0 : i32
      %dma_wait3A_510 = tpu.memref_slice %arg7[%dma_wait3A_508, %dma_wait3A_509] : memref<512x128xf32, #tpu.memory_space<vmem>> -> memref<32x128xf32, #tpu.memory_space<vmem>>
      %dma_wait3A_511 = tpu.memref_slice %arg3[%multiple_of3A, %multiple_of3A_171] : memref<64x100000xf32, #tpu.memory_space<hbm>> -> memref<32x128xf32, #tpu.memory_space<hbm>>
      tpu.wait_dma2 semaphore(%arg14 : memref<!tpu.dma_semaphore, #tpu.memory_space<semaphore_mem>>) src(%dma_wait3A_511 : memref<32x128xf32, #tpu.memory_space<hbm>>) dst(%dma_wait3A_510 : memref<32x128xf32, #tpu.memory_space<vmem>>)
      %dma_wait3A_512 = arith.constant 352 : i32
      %dma_wait3A_513 = arith.constant 0 : i32
      %dma_wait3A_514 = tpu.memref_slice %arg7[%dma_wait3A_512, %dma_wait3A_513] : memref<512x128xf32, #tpu.memory_space<vmem>> -> memref<32x128xf32, #tpu.memory_space<vmem>>
      %dma_wait3A_515 = tpu.memref_slice %arg3[%multiple_of3A, %multiple_of3A_186] : memref<64x100000xf32, #tpu.memory_space<hbm>> -> memref<32x128xf32, #tpu.memory_space<hbm>>
      %dma_wait3A_516 = arith.constant 352 : i32
      %dma_wait3A_517 = arith.constant 0 : i32
      %dma_wait3A_518 = tpu.memref_slice %arg7[%dma_wait3A_516, %dma_wait3A_517] : memref<512x128xf32, #tpu.memory_space<vmem>> -> memref<32x128xf32, #tpu.memory_space<vmem>>
      %dma_wait3A_519 = tpu.memref_slice %arg3[%multiple_of3A, %multiple_of3A_186] : memref<64x100000xf32, #tpu.memory_space<hbm>> -> memref<32x128xf32, #tpu.memory_space<hbm>>
      tpu.wait_dma2 semaphore(%arg14 : memref<!tpu.dma_semaphore, #tpu.memory_space<semaphore_mem>>) src(%dma_wait3A_519 : memref<32x128xf32, #tpu.memory_space<hbm>>) dst(%dma_wait3A_518 : memref<32x128xf32, #tpu.memory_space<vmem>>)
      %dma_wait3A_520 = arith.constant 384 : i32
      %dma_wait3A_521 = arith.constant 0 : i32
      %dma_wait3A_522 = tpu.memref_slice %arg7[%dma_wait3A_520, %dma_wait3A_521] : memref<512x128xf32, #tpu.memory_space<vmem>> -> memref<32x128xf32, #tpu.memory_space<vmem>>
      %dma_wait3A_523 = tpu.memref_slice %arg3[%multiple_of3A, %multiple_of3A_201] : memref<64x100000xf32, #tpu.memory_space<hbm>> -> memref<32x128xf32, #tpu.memory_space<hbm>>
      %dma_wait3A_524 = arith.constant 384 : i32
      %dma_wait3A_525 = arith.constant 0 : i32
      %dma_wait3A_526 = tpu.memref_slice %arg7[%dma_wait3A_524, %dma_wait3A_525] : memref<512x128xf32, #tpu.memory_space<vmem>> -> memref<32x128xf32, #tpu.memory_space<vmem>>
      %dma_wait3A_527 = tpu.memref_slice %arg3[%multiple_of3A, %multiple_of3A_201] : memref<64x100000xf32, #tpu.memory_space<hbm>> -> memref<32x128xf32, #tpu.memory_space<hbm>>
      tpu.wait_dma2 semaphore(%arg14 : memref<!tpu.dma_semaphore, #tpu.memory_space<semaphore_mem>>) src(%dma_wait3A_527 : memref<32x128xf32, #tpu.memory_space<hbm>>) dst(%dma_wait3A_526 : memref<32x128xf32, #tpu.memory_space<vmem>>)
      %dma_wait3A_528 = arith.constant 416 : i32
      %dma_wait3A_529 = arith.constant 0 : i32
      %dma_wait3A_530 = tpu.memref_slice %arg7[%dma_wait3A_528, %dma_wait3A_529] : memref<512x128xf32, #tpu.memory_space<vmem>> -> memref<32x128xf32, #tpu.memory_space<vmem>>
      %dma_wait3A_531 = tpu.memref_slice %arg3[%multiple_of3A, %multiple_of3A_216] : memref<64x100000xf32, #tpu.memory_space<hbm>> -> memref<32x128xf32, #tpu.memory_space<hbm>>
      %dma_wait3A_532 = arith.constant 416 : i32
      %dma_wait3A_533 = arith.constant 0 : i32
      %dma_wait3A_534 = tpu.memref_slice %arg7[%dma_wait3A_532, %dma_wait3A_533] : memref<512x128xf32, #tpu.memory_space<vmem>> -> memref<32x128xf32, #tpu.memory_space<vmem>>
      %dma_wait3A_535 = tpu.memref_slice %arg3[%multiple_of3A, %multiple_of3A_216] : memref<64x100000xf32, #tpu.memory_space<hbm>> -> memref<32x128xf32, #tpu.memory_space<hbm>>
      tpu.wait_dma2 semaphore(%arg14 : memref<!tpu.dma_semaphore, #tpu.memory_space<semaphore_mem>>) src(%dma_wait3A_535 : memref<32x128xf32, #tpu.memory_space<hbm>>) dst(%dma_wait3A_534 : memref<32x128xf32, #tpu.memory_space<vmem>>)
      %dma_wait3A_536 = arith.constant 448 : i32
      %dma_wait3A_537 = arith.constant 0 : i32
      %dma_wait3A_538 = tpu.memref_slice %arg7[%dma_wait3A_536, %dma_wait3A_537] : memref<512x128xf32, #tpu.memory_space<vmem>> -> memref<32x128xf32, #tpu.memory_space<vmem>>
      %dma_wait3A_539 = tpu.memref_slice %arg3[%multiple_of3A, %multiple_of3A_231] : memref<64x100000xf32, #tpu.memory_space<hbm>> -> memref<32x128xf32, #tpu.memory_space<hbm>>
      %dma_wait3A_540 = arith.constant 448 : i32
      %dma_wait3A_541 = arith.constant 0 : i32
      %dma_wait3A_542 = tpu.memref_slice %arg7[%dma_wait3A_540, %dma_wait3A_541] : memref<512x128xf32, #tpu.memory_space<vmem>> -> memref<32x128xf32, #tpu.memory_space<vmem>>
      %dma_wait3A_543 = tpu.memref_slice %arg3[%multiple_of3A, %multiple_of3A_231] : memref<64x100000xf32, #tpu.memory_space<hbm>> -> memref<32x128xf32, #tpu.memory_space<hbm>>
      tpu.wait_dma2 semaphore(%arg14 : memref<!tpu.dma_semaphore, #tpu.memory_space<semaphore_mem>>) src(%dma_wait3A_543 : memref<32x128xf32, #tpu.memory_space<hbm>>) dst(%dma_wait3A_542 : memref<32x128xf32, #tpu.memory_space<vmem>>)
      %dma_wait3A_544 = arith.constant 480 : i32
      %dma_wait3A_545 = arith.constant 0 : i32
      %dma_wait3A_546 = tpu.memref_slice %arg7[%dma_wait3A_544, %dma_wait3A_545] : memref<512x128xf32, #tpu.memory_space<vmem>> -> memref<32x128xf32, #tpu.memory_space<vmem>>
      %dma_wait3A_547 = tpu.memref_slice %arg3[%multiple_of3A, %multiple_of3A_246] : memref<64x100000xf32, #tpu.memory_space<hbm>> -> memref<32x128xf32, #tpu.memory_space<hbm>>
      %dma_wait3A_548 = arith.constant 480 : i32
      %dma_wait3A_549 = arith.constant 0 : i32
      %dma_wait3A_550 = tpu.memref_slice %arg7[%dma_wait3A_548, %dma_wait3A_549] : memref<512x128xf32, #tpu.memory_space<vmem>> -> memref<32x128xf32, #tpu.memory_space<vmem>>
      %dma_wait3A_551 = tpu.memref_slice %arg3[%multiple_of3A, %multiple_of3A_246] : memref<64x100000xf32, #tpu.memory_space<hbm>> -> memref<32x128xf32, #tpu.memory_space<hbm>>
      tpu.wait_dma2 semaphore(%arg14 : memref<!tpu.dma_semaphore, #tpu.memory_space<semaphore_mem>>) src(%dma_wait3A_551 : memref<32x128xf32, #tpu.memory_space<hbm>>) dst(%dma_wait3A_550 : memref<32x128xf32, #tpu.memory_space<vmem>>)
      %slice3A_552 = vector.extract_strided_slice %and3A_259 {offsets = [8], sizes = [1], strides = [1]} : vector<16xi32> to vector<1xi32>
      %squeeze3A_553 = vector.extract %slice3A_552[0] : i32 from vector<1xi32>
      %broadcast_in_dim3A_554 = vector.broadcast %squeeze3A_553 : i32 to vector<16xi32>
      %broadcast_in_dim3A_555 = arith.constant 256 : i32
      %broadcast_in_dim3A_556 = vector.broadcast %broadcast_in_dim3A_555 : i32 to vector<16xi32>
      %add3A_557 = arith.addi %broadcast_in_dim3A_556, %iota3A : vector<16xi32>
      %gather3A_558 = tpu.vector_load_idx %arg7[%add3A_557, %broadcast_in_dim3A_554] : memref<512x128xf32, #tpu.memory_space<vmem>>[vector<16xi32>, vector<16xi32>], vector<16xf32>,
      %add3A_559 = arith.addf %add3A_474, %gather3A_558 : vector<16xf32>
      %add3A_560 = arith.constant 16 : i32
      %add3A_561 = vector.broadcast %add3A_560 : i32 to vector<16xi32>
      %add3A_562 = arith.addi %add3A_557, %add3A_561 : vector<16xi32>
      %gather3A_563 = tpu.vector_load_idx %arg7[%add3A_562, %broadcast_in_dim3A_554] : memref<512x128xf32, #tpu.memory_space<vmem>>[vector<16xi32>, vector<16xi32>], vector<16xf32>,
      %add3A_564 = arith.addf %add3A_479, %gather3A_563 : vector<16xf32>
      %swap3A_565 = arith.constant 8 : i32
      %swap3A_566 = arith.index_cast %swap3A_565 : i32 to index
      %swap3A_567 = arith.constant 0 : index
      %swap3A_568 = tpu.vector_load %arg8[%swap3A_566, %swap3A_567] {strides = array<i32>} : memref<16x32xf32, #tpu.memory_space<vmem>>, vector<16xf32>,
      tpu.vector_store %arg8[%swap3A_566, %swap3A_567], %add3A_559 {strides = array<i32>} : memref<16x32xf32, #tpu.memory_space<vmem>>, vector<16xf32>,
      %swap3A_569 = arith.constant 8 : i32
      %swap3A_570 = arith.index_cast %swap3A_569 : i32 to index
      %swap3A_571 = arith.constant 16 : index
      %swap3A_572 = tpu.vector_load %arg8[%swap3A_570, %swap3A_571] {strides = array<i32>} : memref<16x32xf32, #tpu.memory_space<vmem>>, vector<16xf32>,
      tpu.vector_store %arg8[%swap3A_570, %swap3A_571], %add3A_564 {strides = array<i32>} : memref<16x32xf32, #tpu.memory_space<vmem>>, vector<16xf32>,
      %slice3A_573 = vector.extract_strided_slice %and3A_259 {offsets = [9], sizes = [1], strides = [1]} : vector<16xi32> to vector<1xi32>
      %squeeze3A_574 = vector.extract %slice3A_573[0] : i32 from vector<1xi32>
      %broadcast_in_dim3A_575 = vector.broadcast %squeeze3A_574 : i32 to vector<16xi32>
      %broadcast_in_dim3A_576 = arith.constant 288 : i32
      %broadcast_in_dim3A_577 = vector.broadcast %broadcast_in_dim3A_576 : i32 to vector<16xi32>
      %add3A_578 = arith.addi %broadcast_in_dim3A_577, %iota3A : vector<16xi32>
      %gather3A_579 = tpu.vector_load_idx %arg7[%add3A_578, %broadcast_in_dim3A_575] : memref<512x128xf32, #tpu.memory_space<vmem>>[vector<16xi32>, vector<16xi32>], vector<16xf32>,
      %add3A_580 = arith.addf %add3A_559, %gather3A_579 : vector<16xf32>
      %add3A_581 = arith.constant 16 : i32
      %add3A_582 = vector.broadcast %add3A_581 : i32 to vector<16xi32>
      %add3A_583 = arith.addi %add3A_578, %add3A_582 : vector<16xi32>
      %gather3A_584 = tpu.vector_load_idx %arg7[%add3A_583, %broadcast_in_dim3A_575] : memref<512x128xf32, #tpu.memory_space<vmem>>[vector<16xi32>, vector<16xi32>], vector<16xf32>,
      %add3A_585 = arith.addf %add3A_564, %gather3A_584 : vector<16xf32>
      %swap3A_586 = arith.constant 9 : i32
      %swap3A_587 = arith.index_cast %swap3A_586 : i32 to index
      %swap3A_588 = arith.constant 0 : index
      %swap3A_589 = tpu.vector_load %arg8[%swap3A_587, %swap3A_588] {strides = array<i32>} : memref<16x32xf32, #tpu.memory_space<vmem>>, vector<16xf32>,
      tpu.vector_store %arg8[%swap3A_587, %swap3A_588], %add3A_580 {strides = array<i32>} : memref<16x32xf32, #tpu.memory_space<vmem>>, vector<16xf32>,
      %swap3A_590 = arith.constant 9 : i32
      %swap3A_591 = arith.index_cast %swap3A_590 : i32 to index
      %swap3A_592 = arith.constant 16 : index
      %swap3A_593 = tpu.vector_load %arg8[%swap3A_591, %swap3A_592] {strides = array<i32>} : memref<16x32xf32, #tpu.memory_space<vmem>>, vector<16xf32>,
      tpu.vector_store %arg8[%swap3A_591, %swap3A_592], %add3A_585 {strides = array<i32>} : memref<16x32xf32, #tpu.memory_space<vmem>>, vector<16xf32>,
      %slice3A_594 = vector.extract_strided_slice %and3A_259 {offsets = [10], sizes = [1], strides = [1]} : vector<16xi32> to vector<1xi32>
      %squeeze3A_595 = vector.extract %slice3A_594[0] : i32 from vector<1xi32>
      %broadcast_in_dim3A_596 = vector.broadcast %squeeze3A_595 : i32 to vector<16xi32>
      %broadcast_in_dim3A_597 = arith.constant 320 : i32
      %broadcast_in_dim3A_598 = vector.broadcast %broadcast_in_dim3A_597 : i32 to vector<16xi32>
      %add3A_599 = arith.addi %broadcast_in_dim3A_598, %iota3A : vector<16xi32>
      %gather3A_600 = tpu.vector_load_idx %arg7[%add3A_599, %broadcast_in_dim3A_596] : memref<512x128xf32, #tpu.memory_space<vmem>>[vector<16xi32>, vector<16xi32>], vector<16xf32>,
      %add3A_601 = arith.addf %add3A_580, %gather3A_600 : vector<16xf32>
      %add3A_602 = arith.constant 16 : i32
      %add3A_603 = vector.broadcast %add3A_602 : i32 to vector<16xi32>
      %add3A_604 = arith.addi %add3A_599, %add3A_603 : vector<16xi32>
      %gather3A_605 = tpu.vector_load_idx %arg7[%add3A_604, %broadcast_in_dim3A_596] : memref<512x128xf32, #tpu.memory_space<vmem>>[vector<16xi32>, vector<16xi32>], vector<16xf32>,
      %add3A_606 = arith.addf %add3A_585, %gather3A_605 : vector<16xf32>
      %swap3A_607 = arith.constant 10 : i32
      %swap3A_608 = arith.index_cast %swap3A_607 : i32 to index
      %swap3A_609 = arith.constant 0 : index
      %swap3A_610 = tpu.vector_load %arg8[%swap3A_608, %swap3A_609] {strides = array<i32>} : memref<16x32xf32, #tpu.memory_space<vmem>>, vector<16xf32>,
      tpu.vector_store %arg8[%swap3A_608, %swap3A_609], %add3A_601 {strides = array<i32>} : memref<16x32xf32, #tpu.memory_space<vmem>>, vector<16xf32>,
      %swap3A_611 = arith.constant 10 : i32
      %swap3A_612 = arith.index_cast %swap3A_611 : i32 to index
      %swap3A_613 = arith.constant 16 : index
      %swap3A_614 = tpu.vector_load %arg8[%swap3A_612, %swap3A_613] {strides = array<i32>} : memref<16x32xf32, #tpu.memory_space<vmem>>, vector<16xf32>,
      tpu.vector_store %arg8[%swap3A_612, %swap3A_613], %add3A_606 {strides = array<i32>} : memref<16x32xf32, #tpu.memory_space<vmem>>, vector<16xf32>,
      %slice3A_615 = vector.extract_strided_slice %and3A_259 {offsets = [11], sizes = [1], strides = [1]} : vector<16xi32> to vector<1xi32>
      %squeeze3A_616 = vector.extract %slice3A_615[0] : i32 from vector<1xi32>
      %broadcast_in_dim3A_617 = vector.broadcast %squeeze3A_616 : i32 to vector<16xi32>
      %broadcast_in_dim3A_618 = arith.constant 352 : i32
      %broadcast_in_dim3A_619 = vector.broadcast %broadcast_in_dim3A_618 : i32 to vector<16xi32>
      %add3A_620 = arith.addi %broadcast_in_dim3A_619, %iota3A : vector<16xi32>
      %gather3A_621 = tpu.vector_load_idx %arg7[%add3A_620, %broadcast_in_dim3A_617] : memref<512x128xf32, #tpu.memory_space<vmem>>[vector<16xi32>, vector<16xi32>], vector<16xf32>,
      %add3A_622 = arith.addf %add3A_601, %gather3A_621 : vector<16xf32>
      %add3A_623 = arith.constant 16 : i32
      %add3A_624 = vector.broadcast %add3A_623 : i32 to vector<16xi32>
      %add3A_625 = arith.addi %add3A_620, %add3A_624 : vector<16xi32>
      %gather3A_626 = tpu.vector_load_idx %arg7[%add3A_625, %broadcast_in_dim3A_617] : memref<512x128xf32, #tpu.memory_space<vmem>>[vector<16xi32>, vector<16xi32>], vector<16xf32>,
      %add3A_627 = arith.addf %add3A_606, %gather3A_626 : vector<16xf32>
      %swap3A_628 = arith.constant 11 : i32
      %swap3A_629 = arith.index_cast %swap3A_628 : i32 to index
      %swap3A_630 = arith.constant 0 : index
      %swap3A_631 = tpu.vector_load %arg8[%swap3A_629, %swap3A_630] {strides = array<i32>} : memref<16x32xf32, #tpu.memory_space<vmem>>, vector<16xf32>,
      tpu.vector_store %arg8[%swap3A_629, %swap3A_630], %add3A_622 {strides = array<i32>} : memref<16x32xf32, #tpu.memory_space<vmem>>, vector<16xf32>,
      %swap3A_632 = arith.constant 11 : i32
      %swap3A_633 = arith.index_cast %swap3A_632 : i32 to index
      %swap3A_634 = arith.constant 16 : index
      %swap3A_635 = tpu.vector_load %arg8[%swap3A_633, %swap3A_634] {strides = array<i32>} : memref<16x32xf32, #tpu.memory_space<vmem>>, vector<16xf32>,
      tpu.vector_store %arg8[%swap3A_633, %swap3A_634], %add3A_627 {strides = array<i32>} : memref<16x32xf32, #tpu.memory_space<vmem>>, vector<16xf32>,
      %slice3A_636 = vector.extract_strided_slice %and3A_259 {offsets = [12], sizes = [1], strides = [1]} : vector<16xi32> to vector<1xi32>
      %squeeze3A_637 = vector.extract %slice3A_636[0] : i32 from vector<1xi32>
      %broadcast_in_dim3A_638 = vector.broadcast %squeeze3A_637 : i32 to vector<16xi32>
      %broadcast_in_dim3A_639 = arith.constant 384 : i32
      %broadcast_in_dim3A_640 = vector.broadcast %broadcast_in_dim3A_639 : i32 to vector<16xi32>
      %add3A_641 = arith.addi %broadcast_in_dim3A_640, %iota3A : vector<16xi32>
      %gather3A_642 = tpu.vector_load_idx %arg7[%add3A_641, %broadcast_in_dim3A_638] : memref<512x128xf32, #tpu.memory_space<vmem>>[vector<16xi32>, vector<16xi32>], vector<16xf32>,
      %add3A_643 = arith.addf %add3A_622, %gather3A_642 : vector<16xf32>
      %add3A_644 = arith.constant 16 : i32
      %add3A_645 = vector.broadcast %add3A_644 : i32 to vector<16xi32>
      %add3A_646 = arith.addi %add3A_641, %add3A_645 : vector<16xi32>
      %gather3A_647 = tpu.vector_load_idx %arg7[%add3A_646, %broadcast_in_dim3A_638] : memref<512x128xf32, #tpu.memory_space<vmem>>[vector<16xi32>, vector<16xi32>], vector<16xf32>,
      %add3A_648 = arith.addf %add3A_627, %gather3A_647 : vector<16xf32>
      %swap3A_649 = arith.constant 12 : i32
      %swap3A_650 = arith.index_cast %swap3A_649 : i32 to index
      %swap3A_651 = arith.constant 0 : index
      %swap3A_652 = tpu.vector_load %arg8[%swap3A_650, %swap3A_651] {strides = array<i32>} : memref<16x32xf32, #tpu.memory_space<vmem>>, vector<16xf32>,
      tpu.vector_store %arg8[%swap3A_650, %swap3A_651], %add3A_643 {strides = array<i32>} : memref<16x32xf32, #tpu.memory_space<vmem>>, vector<16xf32>,
      %swap3A_653 = arith.constant 12 : i32
      %swap3A_654 = arith.index_cast %swap3A_653 : i32 to index
      %swap3A_655 = arith.constant 16 : index
      %swap3A_656 = tpu.vector_load %arg8[%swap3A_654, %swap3A_655] {strides = array<i32>} : memref<16x32xf32, #tpu.memory_space<vmem>>, vector<16xf32>,
      tpu.vector_store %arg8[%swap3A_654, %swap3A_655], %add3A_648 {strides = array<i32>} : memref<16x32xf32, #tpu.memory_space<vmem>>, vector<16xf32>,
      %slice3A_657 = vector.extract_strided_slice %and3A_259 {offsets = [13], sizes = [1], strides = [1]} : vector<16xi32> to vector<1xi32>
      %squeeze3A_658 = vector.extract %slice3A_657[0] : i32 from vector<1xi32>
      %broadcast_in_dim3A_659 = vector.broadcast %squeeze3A_658 : i32 to vector<16xi32>
      %broadcast_in_dim3A_660 = arith.constant 416 : i32
      %broadcast_in_dim3A_661 = vector.broadcast %broadcast_in_dim3A_660 : i32 to vector<16xi32>
      %add3A_662 = arith.addi %broadcast_in_dim3A_661, %iota3A : vector<16xi32>
      %gather3A_663 = tpu.vector_load_idx %arg7[%add3A_662, %broadcast_in_dim3A_659] : memref<512x128xf32, #tpu.memory_space<vmem>>[vector<16xi32>, vector<16xi32>], vector<16xf32>,
      %add3A_664 = arith.addf %add3A_643, %gather3A_663 : vector<16xf32>
      %add3A_665 = arith.constant 16 : i32
      %add3A_666 = vector.broadcast %add3A_665 : i32 to vector<16xi32>
      %add3A_667 = arith.addi %add3A_662, %add3A_666 : vector<16xi32>
      %gather3A_668 = tpu.vector_load_idx %arg7[%add3A_667, %broadcast_in_dim3A_659] : memref<512x128xf32, #tpu.memory_space<vmem>>[vector<16xi32>, vector<16xi32>], vector<16xf32>,
      %add3A_669 = arith.addf %add3A_648, %gather3A_668 : vector<16xf32>
      %swap3A_670 = arith.constant 13 : i32
      %swap3A_671 = arith.index_cast %swap3A_670 : i32 to index
      %swap3A_672 = arith.constant 0 : index
      %swap3A_673 = tpu.vector_load %arg8[%swap3A_671, %swap3A_672] {strides = array<i32>} : memref<16x32xf32, #tpu.memory_space<vmem>>, vector<16xf32>,
      tpu.vector_store %arg8[%swap3A_671, %swap3A_672], %add3A_664 {strides = array<i32>} : memref<16x32xf32, #tpu.memory_space<vmem>>, vector<16xf32>,
      %swap3A_674 = arith.constant 13 : i32
      %swap3A_675 = arith.index_cast %swap3A_674 : i32 to index
      %swap3A_676 = arith.constant 16 : index
      %swap3A_677 = tpu.vector_load %arg8[%swap3A_675, %swap3A_676] {strides = array<i32>} : memref<16x32xf32, #tpu.memory_space<vmem>>, vector<16xf32>,
      tpu.vector_store %arg8[%swap3A_675, %swap3A_676], %add3A_669 {strides = array<i32>} : memref<16x32xf32, #tpu.memory_space<vmem>>, vector<16xf32>,
      %slice3A_678 = vector.extract_strided_slice %and3A_259 {offsets = [14], sizes = [1], strides = [1]} : vector<16xi32> to vector<1xi32>
      %squeeze3A_679 = vector.extract %slice3A_678[0] : i32 from vector<1xi32>
      %broadcast_in_dim3A_680 = vector.broadcast %squeeze3A_679 : i32 to vector<16xi32>
      %broadcast_in_dim3A_681 = arith.constant 448 : i32
      %broadcast_in_dim3A_682 = vector.broadcast %broadcast_in_dim3A_681 : i32 to vector<16xi32>
      %add3A_683 = arith.addi %broadcast_in_dim3A_682, %iota3A : vector<16xi32>
      %gather3A_684 = tpu.vector_load_idx %arg7[%add3A_683, %broadcast_in_dim3A_680] : memref<512x128xf32, #tpu.memory_space<vmem>>[vector<16xi32>, vector<16xi32>], vector<16xf32>,
      %add3A_685 = arith.addf %add3A_664, %gather3A_684 : vector<16xf32>
      %add3A_686 = arith.constant 16 : i32
      %add3A_687 = vector.broadcast %add3A_686 : i32 to vector<16xi32>
      %add3A_688 = arith.addi %add3A_683, %add3A_687 : vector<16xi32>
      %gather3A_689 = tpu.vector_load_idx %arg7[%add3A_688, %broadcast_in_dim3A_680] : memref<512x128xf32, #tpu.memory_space<vmem>>[vector<16xi32>, vector<16xi32>], vector<16xf32>,
      %add3A_690 = arith.addf %add3A_669, %gather3A_689 : vector<16xf32>
      %swap3A_691 = arith.constant 14 : i32
      %swap3A_692 = arith.index_cast %swap3A_691 : i32 to index
      %swap3A_693 = arith.constant 0 : index
      %swap3A_694 = tpu.vector_load %arg8[%swap3A_692, %swap3A_693] {strides = array<i32>} : memref<16x32xf32, #tpu.memory_space<vmem>>, vector<16xf32>,
      tpu.vector_store %arg8[%swap3A_692, %swap3A_693], %add3A_685 {strides = array<i32>} : memref<16x32xf32, #tpu.memory_space<vmem>>, vector<16xf32>,
      %swap3A_695 = arith.constant 14 : i32
      %swap3A_696 = arith.index_cast %swap3A_695 : i32 to index
      %swap3A_697 = arith.constant 16 : index
      %swap3A_698 = tpu.vector_load %arg8[%swap3A_696, %swap3A_697] {strides = array<i32>} : memref<16x32xf32, #tpu.memory_space<vmem>>, vector<16xf32>,
      tpu.vector_store %arg8[%swap3A_696, %swap3A_697], %add3A_690 {strides = array<i32>} : memref<16x32xf32, #tpu.memory_space<vmem>>, vector<16xf32>,
      %slice3A_699 = vector.extract_strided_slice %and3A_259 {offsets = [15], sizes = [1], strides = [1]} : vector<16xi32> to vector<1xi32>
      %squeeze3A_700 = vector.extract %slice3A_699[0] : i32 from vector<1xi32>
      %broadcast_in_dim3A_701 = vector.broadcast %squeeze3A_700 : i32 to vector<16xi32>
      %broadcast_in_dim3A_702 = arith.constant 480 : i32
      %broadcast_in_dim3A_703 = vector.broadcast %broadcast_in_dim3A_702 : i32 to vector<16xi32>
      %add3A_704 = arith.addi %broadcast_in_dim3A_703, %iota3A : vector<16xi32>
      %gather3A_705 = tpu.vector_load_idx %arg7[%add3A_704, %broadcast_in_dim3A_701] : memref<512x128xf32, #tpu.memory_space<vmem>>[vector<16xi32>, vector<16xi32>], vector<16xf32>,
      %add3A_706 = arith.addf %add3A_685, %gather3A_705 : vector<16xf32>
      %add3A_707 = arith.constant 16 : i32
      %add3A_708 = vector.broadcast %add3A_707 : i32 to vector<16xi32>
      %add3A_709 = arith.addi %add3A_704, %add3A_708 : vector<16xi32>
      %gather3A_710 = tpu.vector_load_idx %arg7[%add3A_709, %broadcast_in_dim3A_701] : memref<512x128xf32, #tpu.memory_space<vmem>>[vector<16xi32>, vector<16xi32>], vector<16xf32>,
      %add3A_711 = arith.addf %add3A_690, %gather3A_710 : vector<16xf32>
      %swap3A_712 = arith.constant 15 : i32
      %swap3A_713 = arith.index_cast %swap3A_712 : i32 to index
      %swap3A_714 = arith.constant 0 : index
      %swap3A_715 = tpu.vector_load %arg8[%swap3A_713, %swap3A_714] {strides = array<i32>} : memref<16x32xf32, #tpu.memory_space<vmem>>, vector<16xf32>,
      tpu.vector_store %arg8[%swap3A_713, %swap3A_714], %add3A_706 {strides = array<i32>} : memref<16x32xf32, #tpu.memory_space<vmem>>, vector<16xf32>,
      %swap3A_716 = arith.constant 15 : i32
      %swap3A_717 = arith.index_cast %swap3A_716 : i32 to index
      %swap3A_718 = arith.constant 16 : index
      %swap3A_719 = tpu.vector_load %arg8[%swap3A_717, %swap3A_718] {strides = array<i32>} : memref<16x32xf32, #tpu.memory_space<vmem>>, vector<16xf32>,
      tpu.vector_store %arg8[%swap3A_717, %swap3A_718], %add3A_711 {strides = array<i32>} : memref<16x32xf32, #tpu.memory_space<vmem>>, vector<16xf32>,
      %swap3A_720 = arith.constant 0 : index
      %swap3A_721 = tpu.vector_load %arg10[%swap3A_720] {strides = array<i32>} : memref<32xf32, #tpu.memory_space<vmem>>, vector<16xf32>,
      tpu.vector_store %arg10[%swap3A_720], %add3A_706 {strides = array<i32>} : memref<32xf32, #tpu.memory_space<vmem>>, vector<16xf32>,
      %swap3A_722 = arith.constant 16 : index
      %swap3A_723 = tpu.vector_load %arg10[%swap3A_722] {strides = array<i32>} : memref<32xf32, #tpu.memory_space<vmem>>, vector<16xf32>,
      tpu.vector_store %arg10[%swap3A_722], %add3A_711 {strides = array<i32>} : memref<32xf32, #tpu.memory_space<vmem>>, vector<16xf32>,
      %mul3A_724 = arith.constant 16 : i32
      %mul3A_725 = arith.muli %arg0, %mul3A_724 : i32
      %add3A_726 = arith.addi %mul3A_725, %arg1 : i32
      "tpu.region"() ({
        %run_scoped3A = tpu.sem_alloc : memref<!tpu.dma_semaphore, #tpu.memory_space<semaphore_mem>>
        %dma_start3A_727 = arith.constant 0 : i32
        %dma_start3A_728 = tpu.memref_slice %arg12[%add3A_726, %dma_start3A_727] : memref<32x128xf32, #tpu.memory_space<vmem_shared>> -> memref<1x32xf32, #tpu.memory_space<vmem_shared>>
        %dma_start3A_729 = tpu.memref_squeeze %dma_start3A_728 : memref<1x32xf32, #tpu.memory_space<vmem_shared>> -> memref<32xf32, #tpu.memory_space<vmem_shared>>
        %dma_start3A_730 = arith.constant 0 : i32
        %dma_start3A_731 = tpu.memref_slice %arg12[%add3A_726, %dma_start3A_730] : memref<32x128xf32, #tpu.memory_space<vmem_shared>> -> memref<1x32xf32, #tpu.memory_space<vmem_shared>>
        %dma_start3A_732 = tpu.memref_squeeze %dma_start3A_731 : memref<1x32xf32, #tpu.memory_space<vmem_shared>> -> memref<32xf32, #tpu.memory_space<vmem_shared>>
        tpu.enqueue_dma source(%arg10 : memref<32xf32, #tpu.memory_space<vmem>>) target(%dma_start3A_732 : memref<32xf32, #tpu.memory_space<vmem_shared>>) target_semaphore(%run_scoped3A : memref<!tpu.dma_semaphore, #tpu.memory_space<semaphore_mem>>)
        %dma_wait3A_733 = arith.constant 0 : i32
        %dma_wait3A_734 = tpu.memref_slice %arg12[%add3A_726, %dma_wait3A_733] : memref<32x128xf32, #tpu.memory_space<vmem_shared>> -> memref<1x32xf32, #tpu.memory_space<vmem_shared>>
        %dma_wait3A_735 = tpu.memref_squeeze %dma_wait3A_734 : memref<1x32xf32, #tpu.memory_space<vmem_shared>> -> memref<32xf32, #tpu.memory_space<vmem_shared>>
        %dma_wait3A_736 = arith.constant 0 : i32
        %dma_wait3A_737 = tpu.memref_slice %arg12[%add3A_726, %dma_wait3A_736] : memref<32x128xf32, #tpu.memory_space<vmem_shared>> -> memref<1x32xf32, #tpu.memory_space<vmem_shared>>
        %dma_wait3A_738 = tpu.memref_squeeze %dma_wait3A_737 : memref<1x32xf32, #tpu.memory_space<vmem_shared>> -> memref<32xf32, #tpu.memory_space<vmem_shared>>
        tpu.wait_dma2 semaphore(%run_scoped3A : memref<!tpu.dma_semaphore, #tpu.memory_space<semaphore_mem>>) src(%arg10 : memref<32xf32, #tpu.memory_space<vmem>>) dst(%dma_wait3A_738 : memref<32xf32, #tpu.memory_space<vmem_shared>>)
        tpu.yield
      }) : () -> ()
    } else {
    }
    %barrier3A = arith.constant 0 : index
    tpu.barrier barrier_id(%barrier3A)
    %convert_element_type3A_2 = arith.extui %lt3A_0 : i1 to i32
    %cond3A_3 = arith.constant 0 : i32
    %cond3A_4 = arith.cmpi ne, %convert_element_type3A_2, %cond3A_3 : i32
    scf.if %cond3A_4 {
      %mul3A = arith.constant 16 : i32
      %mul3A_5 = arith.muli %arg0, %mul3A : i32
      %multiple_of3A = tpu.assume_multiple %mul3A_5, 16 : i32
      "tpu.region"() ({
        %run_scoped3A = tpu.sem_alloc : memref<!tpu.dma_semaphore, #tpu.memory_space<semaphore_mem>>
        %dma_start3A = arith.constant 0 : i32
        %dma_start3A_683 = tpu.memref_slice %arg12[%multiple_of3A, %dma_start3A] : memref<32x128xf32, #tpu.memory_space<vmem_shared>> -> memref<16x128xf32, #tpu.memory_space<vmem_shared>>
        %dma_start3A_684 = arith.constant 0 : i32
        %dma_start3A_685 = tpu.memref_slice %arg12[%multiple_of3A, %dma_start3A_684] : memref<32x128xf32, #tpu.memory_space<vmem_shared>> -> memref<16x128xf32, #tpu.memory_space<vmem_shared>>
        tpu.enqueue_dma source(%dma_start3A_685 : memref<16x128xf32, #tpu.memory_space<vmem_shared>>) target(%arg11 : memref<16x128xf32, #tpu.memory_space<vmem>>) target_semaphore(%run_scoped3A : memref<!tpu.dma_semaphore, #tpu.memory_space<semaphore_mem>>)
        %dma_wait3A = arith.constant 0 : i32
        %dma_wait3A_686 = tpu.memref_slice %arg12[%multiple_of3A, %dma_wait3A] : memref<32x128xf32, #tpu.memory_space<vmem_shared>> -> memref<16x128xf32, #tpu.memory_space<vmem_shared>>
        %dma_wait3A_687 = arith.constant 0 : i32
        %dma_wait3A_688 = tpu.memref_slice %arg12[%multiple_of3A, %dma_wait3A_687] : memref<32x128xf32, #tpu.memory_space<vmem_shared>> -> memref<16x128xf32, #tpu.memory_space<vmem_shared>>
        tpu.wait_dma2 semaphore(%run_scoped3A : memref<!tpu.dma_semaphore, #tpu.memory_space<semaphore_mem>>) src(%dma_wait3A_688 : memref<16x128xf32, #tpu.memory_space<vmem_shared>>) dst(%arg11 : memref<16x128xf32, #tpu.memory_space<vmem>>)
        tpu.yield
      }) : () -> ()
      %broadcast_in_dim3A = arith.constant 0.000000e+00 : f32
      %broadcast_in_dim3A_6 = vector.broadcast %broadcast_in_dim3A : f32 to vector<16xf32>
      %broadcast_in_dim3A_7 = arith.constant 0.000000e+00 : f32
      %broadcast_in_dim3A_8 = vector.broadcast %broadcast_in_dim3A_7 : f32 to vector<16xf32>
      %broadcast_in_dim3A_9 = arith.constant 0.000000e+00 : f32
      %broadcast_in_dim3A_10 = vector.broadcast %broadcast_in_dim3A_9 : f32 to vector<16xf32>
      %gt3A = arith.constant 0 : i32
      %gt3A_11 = arith.cmpi sgt, %arg1, %gt3A : i32
      %get3A = arith.constant 0 : i32
      %get3A_12 = arith.index_cast %get3A : i32 to index
      %get3A_13 = arith.constant 0 : index
      %get3A_14 = tpu.vector_load %arg11[%get3A_12, %get3A_13] {strides = array<i32>} : memref<16x128xf32, #tpu.memory_space<vmem>>, vector<16xf32>,
      %select_n3A = arith.select %gt3A_11, %get3A_14, %broadcast_in_dim3A_10 : vector<16xf32>
      %add3A = arith.addf %broadcast_in_dim3A_6, %select_n3A : vector<16xf32>
      %get3A_15 = arith.constant 0 : i32
      %get3A_16 = arith.index_cast %get3A_15 : i32 to index
      %get3A_17 = arith.constant 16 : index
      %get3A_18 = tpu.vector_load %arg11[%get3A_16, %get3A_17] {strides = array<i32>} : memref<16x128xf32, #tpu.memory_space<vmem>>, vector<16xf32>,
      %select_n3A_19 = arith.select %gt3A_11, %get3A_18, %broadcast_in_dim3A_10 : vector<16xf32>
      %add3A_20 = arith.addf %broadcast_in_dim3A_8, %select_n3A_19 : vector<16xf32>
      %gt3A_21 = arith.constant 1 : i32
      %gt3A_22 = arith.cmpi sgt, %arg1, %gt3A_21 : i32
      %get3A_23 = arith.constant 1 : i32
      %get3A_24 = arith.index_cast %get3A_23 : i32 to index
      %get3A_25 = arith.constant 0 : index
      %get3A_26 = tpu.vector_load %arg11[%get3A_24, %get3A_25] {strides = array<i32>} : memref<16x128xf32, #tpu.memory_space<vmem>>, vector<16xf32>,
      %select_n3A_27 = arith.select %gt3A_22, %get3A_26, %broadcast_in_dim3A_10 : vector<16xf32>
      %add3A_28 = arith.addf %add3A, %select_n3A_27 : vector<16xf32>
      %get3A_29 = arith.constant 1 : i32
      %get3A_30 = arith.index_cast %get3A_29 : i32 to index
      %get3A_31 = arith.constant 16 : index
      %get3A_32 = tpu.vector_load %arg11[%get3A_30, %get3A_31] {strides = array<i32>} : memref<16x128xf32, #tpu.memory_space<vmem>>, vector<16xf32>,
      %select_n3A_33 = arith.select %gt3A_22, %get3A_32, %broadcast_in_dim3A_10 : vector<16xf32>
      %add3A_34 = arith.addf %add3A_20, %select_n3A_33 : vector<16xf32>
      %gt3A_35 = arith.constant 2 : i32
      %gt3A_36 = arith.cmpi sgt, %arg1, %gt3A_35 : i32
      %get3A_37 = arith.constant 2 : i32
      %get3A_38 = arith.index_cast %get3A_37 : i32 to index
      %get3A_39 = arith.constant 0 : index
      %get3A_40 = tpu.vector_load %arg11[%get3A_38, %get3A_39] {strides = array<i32>} : memref<16x128xf32, #tpu.memory_space<vmem>>, vector<16xf32>,
      %select_n3A_41 = arith.select %gt3A_36, %get3A_40, %broadcast_in_dim3A_10 : vector<16xf32>
      %add3A_42 = arith.addf %add3A_28, %select_n3A_41 : vector<16xf32>
      %get3A_43 = arith.constant 2 : i32
      %get3A_44 = arith.index_cast %get3A_43 : i32 to index
      %get3A_45 = arith.constant 16 : index
      %get3A_46 = tpu.vector_load %arg11[%get3A_44, %get3A_45] {strides = array<i32>} : memref<16x128xf32, #tpu.memory_space<vmem>>, vector<16xf32>,
      %select_n3A_47 = arith.select %gt3A_36, %get3A_46, %broadcast_in_dim3A_10 : vector<16xf32>
      %add3A_48 = arith.addf %add3A_34, %select_n3A_47 : vector<16xf32>
      %gt3A_49 = arith.constant 3 : i32
      %gt3A_50 = arith.cmpi sgt, %arg1, %gt3A_49 : i32
      %get3A_51 = arith.constant 3 : i32
      %get3A_52 = arith.index_cast %get3A_51 : i32 to index
      %get3A_53 = arith.constant 0 : index
      %get3A_54 = tpu.vector_load %arg11[%get3A_52, %get3A_53] {strides = array<i32>} : memref<16x128xf32, #tpu.memory_space<vmem>>, vector<16xf32>,
      %select_n3A_55 = arith.select %gt3A_50, %get3A_54, %broadcast_in_dim3A_10 : vector<16xf32>
      %add3A_56 = arith.addf %add3A_42, %select_n3A_55 : vector<16xf32>
      %get3A_57 = arith.constant 3 : i32
      %get3A_58 = arith.index_cast %get3A_57 : i32 to index
      %get3A_59 = arith.constant 16 : index
      %get3A_60 = tpu.vector_load %arg11[%get3A_58, %get3A_59] {strides = array<i32>} : memref<16x128xf32, #tpu.memory_space<vmem>>, vector<16xf32>,
      %select_n3A_61 = arith.select %gt3A_50, %get3A_60, %broadcast_in_dim3A_10 : vector<16xf32>
      %add3A_62 = arith.addf %add3A_48, %select_n3A_61 : vector<16xf32>
      %gt3A_63 = arith.constant 4 : i32
      %gt3A_64 = arith.cmpi sgt, %arg1, %gt3A_63 : i32
      %get3A_65 = arith.constant 4 : i32
      %get3A_66 = arith.index_cast %get3A_65 : i32 to index
      %get3A_67 = arith.constant 0 : index
      %get3A_68 = tpu.vector_load %arg11[%get3A_66, %get3A_67] {strides = array<i32>} : memref<16x128xf32, #tpu.memory_space<vmem>>, vector<16xf32>,
      %select_n3A_69 = arith.select %gt3A_64, %get3A_68, %broadcast_in_dim3A_10 : vector<16xf32>
      %add3A_70 = arith.addf %add3A_56, %select_n3A_69 : vector<16xf32>
      %get3A_71 = arith.constant 4 : i32
      %get3A_72 = arith.index_cast %get3A_71 : i32 to index
      %get3A_73 = arith.constant 16 : index
      %get3A_74 = tpu.vector_load %arg11[%get3A_72, %get3A_73] {strides = array<i32>} : memref<16x128xf32, #tpu.memory_space<vmem>>, vector<16xf32>,
      %select_n3A_75 = arith.select %gt3A_64, %get3A_74, %broadcast_in_dim3A_10 : vector<16xf32>
      %add3A_76 = arith.addf %add3A_62, %select_n3A_75 : vector<16xf32>
      %gt3A_77 = arith.constant 5 : i32
      %gt3A_78 = arith.cmpi sgt, %arg1, %gt3A_77 : i32
      %get3A_79 = arith.constant 5 : i32
      %get3A_80 = arith.index_cast %get3A_79 : i32 to index
      %get3A_81 = arith.constant 0 : index
      %get3A_82 = tpu.vector_load %arg11[%get3A_80, %get3A_81] {strides = array<i32>} : memref<16x128xf32, #tpu.memory_space<vmem>>, vector<16xf32>,
      %select_n3A_83 = arith.select %gt3A_78, %get3A_82, %broadcast_in_dim3A_10 : vector<16xf32>
      %add3A_84 = arith.addf %add3A_70, %select_n3A_83 : vector<16xf32>
      %get3A_85 = arith.constant 5 : i32
      %get3A_86 = arith.index_cast %get3A_85 : i32 to index
      %get3A_87 = arith.constant 16 : index
      %get3A_88 = tpu.vector_load %arg11[%get3A_86, %get3A_87] {strides = array<i32>} : memref<16x128xf32, #tpu.memory_space<vmem>>, vector<16xf32>,
      %select_n3A_89 = arith.select %gt3A_78, %get3A_88, %broadcast_in_dim3A_10 : vector<16xf32>
      %add3A_90 = arith.addf %add3A_76, %select_n3A_89 : vector<16xf32>
      %gt3A_91 = arith.constant 6 : i32
      %gt3A_92 = arith.cmpi sgt, %arg1, %gt3A_91 : i32
      %get3A_93 = arith.constant 6 : i32
      %get3A_94 = arith.index_cast %get3A_93 : i32 to index
      %get3A_95 = arith.constant 0 : index
      %get3A_96 = tpu.vector_load %arg11[%get3A_94, %get3A_95] {strides = array<i32>} : memref<16x128xf32, #tpu.memory_space<vmem>>, vector<16xf32>,
      %select_n3A_97 = arith.select %gt3A_92, %get3A_96, %broadcast_in_dim3A_10 : vector<16xf32>
      %add3A_98 = arith.addf %add3A_84, %select_n3A_97 : vector<16xf32>
      %get3A_99 = arith.constant 6 : i32
      %get3A_100 = arith.index_cast %get3A_99 : i32 to index
      %get3A_101 = arith.constant 16 : index
      %get3A_102 = tpu.vector_load %arg11[%get3A_100, %get3A_101] {strides = array<i32>} : memref<16x128xf32, #tpu.memory_space<vmem>>, vector<16xf32>,
      %select_n3A_103 = arith.select %gt3A_92, %get3A_102, %broadcast_in_dim3A_10 : vector<16xf32>
      %add3A_104 = arith.addf %add3A_90, %select_n3A_103 : vector<16xf32>
      %gt3A_105 = arith.constant 7 : i32
      %gt3A_106 = arith.cmpi sgt, %arg1, %gt3A_105 : i32
      %get3A_107 = arith.constant 7 : i32
      %get3A_108 = arith.index_cast %get3A_107 : i32 to index
      %get3A_109 = arith.constant 0 : index
      %get3A_110 = tpu.vector_load %arg11[%get3A_108, %get3A_109] {strides = array<i32>} : memref<16x128xf32, #tpu.memory_space<vmem>>, vector<16xf32>,
      %select_n3A_111 = arith.select %gt3A_106, %get3A_110, %broadcast_in_dim3A_10 : vector<16xf32>
      %add3A_112 = arith.addf %add3A_98, %select_n3A_111 : vector<16xf32>
      %get3A_113 = arith.constant 7 : i32
      %get3A_114 = arith.index_cast %get3A_113 : i32 to index
      %get3A_115 = arith.constant 16 : index
      %get3A_116 = tpu.vector_load %arg11[%get3A_114, %get3A_115] {strides = array<i32>} : memref<16x128xf32, #tpu.memory_space<vmem>>, vector<16xf32>,
      %select_n3A_117 = arith.select %gt3A_106, %get3A_116, %broadcast_in_dim3A_10 : vector<16xf32>
      %add3A_118 = arith.addf %add3A_104, %select_n3A_117 : vector<16xf32>
      %gt3A_119 = arith.constant 8 : i32
      %gt3A_120 = arith.cmpi sgt, %arg1, %gt3A_119 : i32
      %get3A_121 = arith.constant 8 : i32
      %get3A_122 = arith.index_cast %get3A_121 : i32 to index
      %get3A_123 = arith.constant 0 : index
      %get3A_124 = tpu.vector_load %arg11[%get3A_122, %get3A_123] {strides = array<i32>} : memref<16x128xf32, #tpu.memory_space<vmem>>, vector<16xf32>,
      %select_n3A_125 = arith.select %gt3A_120, %get3A_124, %broadcast_in_dim3A_10 : vector<16xf32>
      %add3A_126 = arith.addf %add3A_112, %select_n3A_125 : vector<16xf32>
      %get3A_127 = arith.constant 8 : i32
      %get3A_128 = arith.index_cast %get3A_127 : i32 to index
      %get3A_129 = arith.constant 16 : index
      %get3A_130 = tpu.vector_load %arg11[%get3A_128, %get3A_129] {strides = array<i32>} : memref<16x128xf32, #tpu.memory_space<vmem>>, vector<16xf32>,
      %select_n3A_131 = arith.select %gt3A_120, %get3A_130, %broadcast_in_dim3A_10 : vector<16xf32>
      %add3A_132 = arith.addf %add3A_118, %select_n3A_131 : vector<16xf32>
      %gt3A_133 = arith.constant 9 : i32
      %gt3A_134 = arith.cmpi sgt, %arg1, %gt3A_133 : i32
      %get3A_135 = arith.constant 9 : i32
      %get3A_136 = arith.index_cast %get3A_135 : i32 to index
      %get3A_137 = arith.constant 0 : index
      %get3A_138 = tpu.vector_load %arg11[%get3A_136, %get3A_137] {strides = array<i32>} : memref<16x128xf32, #tpu.memory_space<vmem>>, vector<16xf32>,
      %select_n3A_139 = arith.select %gt3A_134, %get3A_138, %broadcast_in_dim3A_10 : vector<16xf32>
      %add3A_140 = arith.addf %add3A_126, %select_n3A_139 : vector<16xf32>
      %get3A_141 = arith.constant 9 : i32
      %get3A_142 = arith.index_cast %get3A_141 : i32 to index
      %get3A_143 = arith.constant 16 : index
      %get3A_144 = tpu.vector_load %arg11[%get3A_142, %get3A_143] {strides = array<i32>} : memref<16x128xf32, #tpu.memory_space<vmem>>, vector<16xf32>,
      %select_n3A_145 = arith.select %gt3A_134, %get3A_144, %broadcast_in_dim3A_10 : vector<16xf32>
      %add3A_146 = arith.addf %add3A_132, %select_n3A_145 : vector<16xf32>
      %gt3A_147 = arith.constant 10 : i32
      %gt3A_148 = arith.cmpi sgt, %arg1, %gt3A_147 : i32
      %get3A_149 = arith.constant 10 : i32
      %get3A_150 = arith.index_cast %get3A_149 : i32 to index
      %get3A_151 = arith.constant 0 : index
      %get3A_152 = tpu.vector_load %arg11[%get3A_150, %get3A_151] {strides = array<i32>} : memref<16x128xf32, #tpu.memory_space<vmem>>, vector<16xf32>,
      %select_n3A_153 = arith.select %gt3A_148, %get3A_152, %broadcast_in_dim3A_10 : vector<16xf32>
      %add3A_154 = arith.addf %add3A_140, %select_n3A_153 : vector<16xf32>
      %get3A_155 = arith.constant 10 : i32
      %get3A_156 = arith.index_cast %get3A_155 : i32 to index
      %get3A_157 = arith.constant 16 : index
      %get3A_158 = tpu.vector_load %arg11[%get3A_156, %get3A_157] {strides = array<i32>} : memref<16x128xf32, #tpu.memory_space<vmem>>, vector<16xf32>,
      %select_n3A_159 = arith.select %gt3A_148, %get3A_158, %broadcast_in_dim3A_10 : vector<16xf32>
      %add3A_160 = arith.addf %add3A_146, %select_n3A_159 : vector<16xf32>
      %gt3A_161 = arith.constant 11 : i32
      %gt3A_162 = arith.cmpi sgt, %arg1, %gt3A_161 : i32
      %get3A_163 = arith.constant 11 : i32
      %get3A_164 = arith.index_cast %get3A_163 : i32 to index
      %get3A_165 = arith.constant 0 : index
      %get3A_166 = tpu.vector_load %arg11[%get3A_164, %get3A_165] {strides = array<i32>} : memref<16x128xf32, #tpu.memory_space<vmem>>, vector<16xf32>,
      %select_n3A_167 = arith.select %gt3A_162, %get3A_166, %broadcast_in_dim3A_10 : vector<16xf32>
      %add3A_168 = arith.addf %add3A_154, %select_n3A_167 : vector<16xf32>
      %get3A_169 = arith.constant 11 : i32
      %get3A_170 = arith.index_cast %get3A_169 : i32 to index
      %get3A_171 = arith.constant 16 : index
      %get3A_172 = tpu.vector_load %arg11[%get3A_170, %get3A_171] {strides = array<i32>} : memref<16x128xf32, #tpu.memory_space<vmem>>, vector<16xf32>,
      %select_n3A_173 = arith.select %gt3A_162, %get3A_172, %broadcast_in_dim3A_10 : vector<16xf32>
      %add3A_174 = arith.addf %add3A_160, %select_n3A_173 : vector<16xf32>
      %eq3A = arith.constant 0 : i32
      %eq3A_175 = arith.cmpi eq, %arg0, %eq3A : i32
      %get3A_176 = arith.constant 0 : i32
      %get3A_177 = arith.index_cast %get3A_176 : i32 to index
      %get3A_178 = arith.constant 0 : index
      %get3A_179 = tpu.vector_load %arg8[%get3A_177, %get3A_178] {strides = array<i32>} : memref<16x32xf32, #tpu.memory_space<vmem>>, vector<16xf32>,
      %add3A_180 = arith.addf %get3A_179, %add3A_168 : vector<16xf32>
      %get3A_181 = arith.constant 0 : i32
      %get3A_182 = arith.index_cast %get3A_181 : i32 to index
      %get3A_183 = arith.constant 16 : index
      %get3A_184 = tpu.vector_load %arg8[%get3A_182, %get3A_183] {strides = array<i32>} : memref<16x32xf32, #tpu.memory_space<vmem>>, vector<16xf32>,
      %add3A_185 = arith.addf %get3A_184, %add3A_174 : vector<16xf32>
      %select_n3A_186 = arith.select %eq3A_175, %add3A_180, %broadcast_in_dim3A_10 : vector<16xf32>
      %swap3A = arith.constant 0 : i32
      %swap3A_187 = arith.index_cast %swap3A : i32 to index
      %swap3A_188 = arith.constant 0 : index
      %swap3A_189 = tpu.vector_load %arg9[%swap3A_187, %swap3A_188] {strides = array<i32>} : memref<16x64xf32, #tpu.memory_space<vmem>>, vector<16xf32>,
      tpu.vector_store %arg9[%swap3A_187, %swap3A_188], %select_n3A_186 {strides = array<i32>} : memref<16x64xf32, #tpu.memory_space<vmem>>, vector<16xf32>,
      %select_n3A_190 = arith.select %eq3A_175, %add3A_185, %broadcast_in_dim3A_10 : vector<16xf32>
      %swap3A_191 = arith.constant 0 : i32
      %swap3A_192 = arith.index_cast %swap3A_191 : i32 to index
      %swap3A_193 = arith.constant 16 : index
      %swap3A_194 = tpu.vector_load %arg9[%swap3A_192, %swap3A_193] {strides = array<i32>} : memref<16x64xf32, #tpu.memory_space<vmem>>, vector<16xf32>,
      tpu.vector_store %arg9[%swap3A_192, %swap3A_193], %select_n3A_190 {strides = array<i32>} : memref<16x64xf32, #tpu.memory_space<vmem>>, vector<16xf32>,
      %select_n3A_195 = arith.select %eq3A_175, %broadcast_in_dim3A_10, %add3A_180 : vector<16xf32>
      %swap3A_196 = arith.constant 0 : i32
      %swap3A_197 = arith.index_cast %swap3A_196 : i32 to index
      %swap3A_198 = arith.constant 32 : index
      %swap3A_199 = tpu.vector_load %arg9[%swap3A_197, %swap3A_198] {strides = array<i32>} : memref<16x64xf32, #tpu.memory_space<vmem>>, vector<16xf32>,
      tpu.vector_store %arg9[%swap3A_197, %swap3A_198], %select_n3A_195 {strides = array<i32>} : memref<16x64xf32, #tpu.memory_space<vmem>>, vector<16xf32>,
      %select_n3A_200 = arith.select %eq3A_175, %broadcast_in_dim3A_10, %add3A_185 : vector<16xf32>
      %swap3A_201 = arith.constant 0 : i32
      %swap3A_202 = arith.index_cast %swap3A_201 : i32 to index
      %swap3A_203 = arith.constant 48 : index
      %swap3A_204 = tpu.vector_load %arg9[%swap3A_202, %swap3A_203] {strides = array<i32>} : memref<16x64xf32, #tpu.memory_space<vmem>>, vector<16xf32>,
      tpu.vector_store %arg9[%swap3A_202, %swap3A_203], %select_n3A_200 {strides = array<i32>} : memref<16x64xf32, #tpu.memory_space<vmem>>, vector<16xf32>,
      %get3A_205 = arith.constant 1 : i32
      %get3A_206 = arith.index_cast %get3A_205 : i32 to index
      %get3A_207 = arith.constant 0 : index
      %get3A_208 = tpu.vector_load %arg8[%get3A_206, %get3A_207] {strides = array<i32>} : memref<16x32xf32, #tpu.memory_space<vmem>>, vector<16xf32>,
      %add3A_209 = arith.addf %get3A_208, %add3A_168 : vector<16xf32>
      %get3A_210 = arith.constant 1 : i32
      %get3A_211 = arith.index_cast %get3A_210 : i32 to index
      %get3A_212 = arith.constant 16 : index
      %get3A_213 = tpu.vector_load %arg8[%get3A_211, %get3A_212] {strides = array<i32>} : memref<16x32xf32, #tpu.memory_space<vmem>>, vector<16xf32>,
      %add3A_214 = arith.addf %get3A_213, %add3A_174 : vector<16xf32>
      %select_n3A_215 = arith.select %eq3A_175, %add3A_209, %broadcast_in_dim3A_10 : vector<16xf32>
      %swap3A_216 = arith.constant 1 : i32
      %swap3A_217 = arith.index_cast %swap3A_216 : i32 to index
      %swap3A_218 = arith.constant 0 : index
      %swap3A_219 = tpu.vector_load %arg9[%swap3A_217, %swap3A_218] {strides = array<i32>} : memref<16x64xf32, #tpu.memory_space<vmem>>, vector<16xf32>,
      tpu.vector_store %arg9[%swap3A_217, %swap3A_218], %select_n3A_215 {strides = array<i32>} : memref<16x64xf32, #tpu.memory_space<vmem>>, vector<16xf32>,
      %select_n3A_220 = arith.select %eq3A_175, %add3A_214, %broadcast_in_dim3A_10 : vector<16xf32>
      %swap3A_221 = arith.constant 1 : i32
      %swap3A_222 = arith.index_cast %swap3A_221 : i32 to index
      %swap3A_223 = arith.constant 16 : index
      %swap3A_224 = tpu.vector_load %arg9[%swap3A_222, %swap3A_223] {strides = array<i32>} : memref<16x64xf32, #tpu.memory_space<vmem>>, vector<16xf32>,
      tpu.vector_store %arg9[%swap3A_222, %swap3A_223], %select_n3A_220 {strides = array<i32>} : memref<16x64xf32, #tpu.memory_space<vmem>>, vector<16xf32>,
      %select_n3A_225 = arith.select %eq3A_175, %broadcast_in_dim3A_10, %add3A_209 : vector<16xf32>
      %swap3A_226 = arith.constant 1 : i32
      %swap3A_227 = arith.index_cast %swap3A_226 : i32 to index
      %swap3A_228 = arith.constant 32 : index
      %swap3A_229 = tpu.vector_load %arg9[%swap3A_227, %swap3A_228] {strides = array<i32>} : memref<16x64xf32, #tpu.memory_space<vmem>>, vector<16xf32>,
      tpu.vector_store %arg9[%swap3A_227, %swap3A_228], %select_n3A_225 {strides = array<i32>} : memref<16x64xf32, #tpu.memory_space<vmem>>, vector<16xf32>,
      %select_n3A_230 = arith.select %eq3A_175, %broadcast_in_dim3A_10, %add3A_214 : vector<16xf32>
      %swap3A_231 = arith.constant 1 : i32
      %swap3A_232 = arith.index_cast %swap3A_231 : i32 to index
      %swap3A_233 = arith.constant 48 : index
      %swap3A_234 = tpu.vector_load %arg9[%swap3A_232, %swap3A_233] {strides = array<i32>} : memref<16x64xf32, #tpu.memory_space<vmem>>, vector<16xf32>,
      tpu.vector_store %arg9[%swap3A_232, %swap3A_233], %select_n3A_230 {strides = array<i32>} : memref<16x64xf32, #tpu.memory_space<vmem>>, vector<16xf32>,
      %get3A_235 = arith.constant 2 : i32
      %get3A_236 = arith.index_cast %get3A_235 : i32 to index
      %get3A_237 = arith.constant 0 : index
      %get3A_238 = tpu.vector_load %arg8[%get3A_236, %get3A_237] {strides = array<i32>} : memref<16x32xf32, #tpu.memory_space<vmem>>, vector<16xf32>,
      %add3A_239 = arith.addf %get3A_238, %add3A_168 : vector<16xf32>
      %get3A_240 = arith.constant 2 : i32
      %get3A_241 = arith.index_cast %get3A_240 : i32 to index
      %get3A_242 = arith.constant 16 : index
      %get3A_243 = tpu.vector_load %arg8[%get3A_241, %get3A_242] {strides = array<i32>} : memref<16x32xf32, #tpu.memory_space<vmem>>, vector<16xf32>,
      %add3A_244 = arith.addf %get3A_243, %add3A_174 : vector<16xf32>
      %select_n3A_245 = arith.select %eq3A_175, %add3A_239, %broadcast_in_dim3A_10 : vector<16xf32>
      %swap3A_246 = arith.constant 2 : i32
      %swap3A_247 = arith.index_cast %swap3A_246 : i32 to index
      %swap3A_248 = arith.constant 0 : index
      %swap3A_249 = tpu.vector_load %arg9[%swap3A_247, %swap3A_248] {strides = array<i32>} : memref<16x64xf32, #tpu.memory_space<vmem>>, vector<16xf32>,
      tpu.vector_store %arg9[%swap3A_247, %swap3A_248], %select_n3A_245 {strides = array<i32>} : memref<16x64xf32, #tpu.memory_space<vmem>>, vector<16xf32>,
      %select_n3A_250 = arith.select %eq3A_175, %add3A_244, %broadcast_in_dim3A_10 : vector<16xf32>
      %swap3A_251 = arith.constant 2 : i32
      %swap3A_252 = arith.index_cast %swap3A_251 : i32 to index
      %swap3A_253 = arith.constant 16 : index
      %swap3A_254 = tpu.vector_load %arg9[%swap3A_252, %swap3A_253] {strides = array<i32>} : memref<16x64xf32, #tpu.memory_space<vmem>>, vector<16xf32>,
      tpu.vector_store %arg9[%swap3A_252, %swap3A_253], %select_n3A_250 {strides = array<i32>} : memref<16x64xf32, #tpu.memory_space<vmem>>, vector<16xf32>,
      %select_n3A_255 = arith.select %eq3A_175, %broadcast_in_dim3A_10, %add3A_239 : vector<16xf32>
      %swap3A_256 = arith.constant 2 : i32
      %swap3A_257 = arith.index_cast %swap3A_256 : i32 to index
      %swap3A_258 = arith.constant 32 : index
      %swap3A_259 = tpu.vector_load %arg9[%swap3A_257, %swap3A_258] {strides = array<i32>} : memref<16x64xf32, #tpu.memory_space<vmem>>, vector<16xf32>,
      tpu.vector_store %arg9[%swap3A_257, %swap3A_258], %select_n3A_255 {strides = array<i32>} : memref<16x64xf32, #tpu.memory_space<vmem>>, vector<16xf32>,
      %select_n3A_260 = arith.select %eq3A_175, %broadcast_in_dim3A_10, %add3A_244 : vector<16xf32>
      %swap3A_261 = arith.constant 2 : i32
      %swap3A_262 = arith.index_cast %swap3A_261 : i32 to index
      %swap3A_263 = arith.constant 48 : index
      %swap3A_264 = tpu.vector_load %arg9[%swap3A_262, %swap3A_263] {strides = array<i32>} : memref<16x64xf32, #tpu.memory_space<vmem>>, vector<16xf32>,
      tpu.vector_store %arg9[%swap3A_262, %swap3A_263], %select_n3A_260 {strides = array<i32>} : memref<16x64xf32, #tpu.memory_space<vmem>>, vector<16xf32>,
      %get3A_265 = arith.constant 3 : i32
      %get3A_266 = arith.index_cast %get3A_265 : i32 to index
      %get3A_267 = arith.constant 0 : index
      %get3A_268 = tpu.vector_load %arg8[%get3A_266, %get3A_267] {strides = array<i32>} : memref<16x32xf32, #tpu.memory_space<vmem>>, vector<16xf32>,
      %add3A_269 = arith.addf %get3A_268, %add3A_168 : vector<16xf32>
      %get3A_270 = arith.constant 3 : i32
      %get3A_271 = arith.index_cast %get3A_270 : i32 to index
      %get3A_272 = arith.constant 16 : index
      %get3A_273 = tpu.vector_load %arg8[%get3A_271, %get3A_272] {strides = array<i32>} : memref<16x32xf32, #tpu.memory_space<vmem>>, vector<16xf32>,
      %add3A_274 = arith.addf %get3A_273, %add3A_174 : vector<16xf32>
      %select_n3A_275 = arith.select %eq3A_175, %add3A_269, %broadcast_in_dim3A_10 : vector<16xf32>
      %swap3A_276 = arith.constant 3 : i32
      %swap3A_277 = arith.index_cast %swap3A_276 : i32 to index
      %swap3A_278 = arith.constant 0 : index
      %swap3A_279 = tpu.vector_load %arg9[%swap3A_277, %swap3A_278] {strides = array<i32>} : memref<16x64xf32, #tpu.memory_space<vmem>>, vector<16xf32>,
      tpu.vector_store %arg9[%swap3A_277, %swap3A_278], %select_n3A_275 {strides = array<i32>} : memref<16x64xf32, #tpu.memory_space<vmem>>, vector<16xf32>,
      %select_n3A_280 = arith.select %eq3A_175, %add3A_274, %broadcast_in_dim3A_10 : vector<16xf32>
      %swap3A_281 = arith.constant 3 : i32
      %swap3A_282 = arith.index_cast %swap3A_281 : i32 to index
      %swap3A_283 = arith.constant 16 : index
      %swap3A_284 = tpu.vector_load %arg9[%swap3A_282, %swap3A_283] {strides = array<i32>} : memref<16x64xf32, #tpu.memory_space<vmem>>, vector<16xf32>,
      tpu.vector_store %arg9[%swap3A_282, %swap3A_283], %select_n3A_280 {strides = array<i32>} : memref<16x64xf32, #tpu.memory_space<vmem>>, vector<16xf32>,
      %select_n3A_285 = arith.select %eq3A_175, %broadcast_in_dim3A_10, %add3A_269 : vector<16xf32>
      %swap3A_286 = arith.constant 3 : i32
      %swap3A_287 = arith.index_cast %swap3A_286 : i32 to index
      %swap3A_288 = arith.constant 32 : index
      %swap3A_289 = tpu.vector_load %arg9[%swap3A_287, %swap3A_288] {strides = array<i32>} : memref<16x64xf32, #tpu.memory_space<vmem>>, vector<16xf32>,
      tpu.vector_store %arg9[%swap3A_287, %swap3A_288], %select_n3A_285 {strides = array<i32>} : memref<16x64xf32, #tpu.memory_space<vmem>>, vector<16xf32>,
      %select_n3A_290 = arith.select %eq3A_175, %broadcast_in_dim3A_10, %add3A_274 : vector<16xf32>
      %swap3A_291 = arith.constant 3 : i32
      %swap3A_292 = arith.index_cast %swap3A_291 : i32 to index
      %swap3A_293 = arith.constant 48 : index
      %swap3A_294 = tpu.vector_load %arg9[%swap3A_292, %swap3A_293] {strides = array<i32>} : memref<16x64xf32, #tpu.memory_space<vmem>>, vector<16xf32>,
      tpu.vector_store %arg9[%swap3A_292, %swap3A_293], %select_n3A_290 {strides = array<i32>} : memref<16x64xf32, #tpu.memory_space<vmem>>, vector<16xf32>,
      %get3A_295 = arith.constant 4 : i32
      %get3A_296 = arith.index_cast %get3A_295 : i32 to index
      %get3A_297 = arith.constant 0 : index
      %get3A_298 = tpu.vector_load %arg8[%get3A_296, %get3A_297] {strides = array<i32>} : memref<16x32xf32, #tpu.memory_space<vmem>>, vector<16xf32>,
      %add3A_299 = arith.addf %get3A_298, %add3A_168 : vector<16xf32>
      %get3A_300 = arith.constant 4 : i32
      %get3A_301 = arith.index_cast %get3A_300 : i32 to index
      %get3A_302 = arith.constant 16 : index
      %get3A_303 = tpu.vector_load %arg8[%get3A_301, %get3A_302] {strides = array<i32>} : memref<16x32xf32, #tpu.memory_space<vmem>>, vector<16xf32>,
      %add3A_304 = arith.addf %get3A_303, %add3A_174 : vector<16xf32>
      %select_n3A_305 = arith.select %eq3A_175, %add3A_299, %broadcast_in_dim3A_10 : vector<16xf32>
      %swap3A_306 = arith.constant 4 : i32
      %swap3A_307 = arith.index_cast %swap3A_306 : i32 to index
      %swap3A_308 = arith.constant 0 : index
      %swap3A_309 = tpu.vector_load %arg9[%swap3A_307, %swap3A_308] {strides = array<i32>} : memref<16x64xf32, #tpu.memory_space<vmem>>, vector<16xf32>,
      tpu.vector_store %arg9[%swap3A_307, %swap3A_308], %select_n3A_305 {strides = array<i32>} : memref<16x64xf32, #tpu.memory_space<vmem>>, vector<16xf32>,
      %select_n3A_310 = arith.select %eq3A_175, %add3A_304, %broadcast_in_dim3A_10 : vector<16xf32>
      %swap3A_311 = arith.constant 4 : i32
      %swap3A_312 = arith.index_cast %swap3A_311 : i32 to index
      %swap3A_313 = arith.constant 16 : index
      %swap3A_314 = tpu.vector_load %arg9[%swap3A_312, %swap3A_313] {strides = array<i32>} : memref<16x64xf32, #tpu.memory_space<vmem>>, vector<16xf32>,
      tpu.vector_store %arg9[%swap3A_312, %swap3A_313], %select_n3A_310 {strides = array<i32>} : memref<16x64xf32, #tpu.memory_space<vmem>>, vector<16xf32>,
      %select_n3A_315 = arith.select %eq3A_175, %broadcast_in_dim3A_10, %add3A_299 : vector<16xf32>
      %swap3A_316 = arith.constant 4 : i32
      %swap3A_317 = arith.index_cast %swap3A_316 : i32 to index
      %swap3A_318 = arith.constant 32 : index
      %swap3A_319 = tpu.vector_load %arg9[%swap3A_317, %swap3A_318] {strides = array<i32>} : memref<16x64xf32, #tpu.memory_space<vmem>>, vector<16xf32>,
      tpu.vector_store %arg9[%swap3A_317, %swap3A_318], %select_n3A_315 {strides = array<i32>} : memref<16x64xf32, #tpu.memory_space<vmem>>, vector<16xf32>,
      %select_n3A_320 = arith.select %eq3A_175, %broadcast_in_dim3A_10, %add3A_304 : vector<16xf32>
      %swap3A_321 = arith.constant 4 : i32
      %swap3A_322 = arith.index_cast %swap3A_321 : i32 to index
      %swap3A_323 = arith.constant 48 : index
      %swap3A_324 = tpu.vector_load %arg9[%swap3A_322, %swap3A_323] {strides = array<i32>} : memref<16x64xf32, #tpu.memory_space<vmem>>, vector<16xf32>,
      tpu.vector_store %arg9[%swap3A_322, %swap3A_323], %select_n3A_320 {strides = array<i32>} : memref<16x64xf32, #tpu.memory_space<vmem>>, vector<16xf32>,
      %get3A_325 = arith.constant 5 : i32
      %get3A_326 = arith.index_cast %get3A_325 : i32 to index
      %get3A_327 = arith.constant 0 : index
      %get3A_328 = tpu.vector_load %arg8[%get3A_326, %get3A_327] {strides = array<i32>} : memref<16x32xf32, #tpu.memory_space<vmem>>, vector<16xf32>,
      %add3A_329 = arith.addf %get3A_328, %add3A_168 : vector<16xf32>
      %get3A_330 = arith.constant 5 : i32
      %get3A_331 = arith.index_cast %get3A_330 : i32 to index
      %get3A_332 = arith.constant 16 : index
      %get3A_333 = tpu.vector_load %arg8[%get3A_331, %get3A_332] {strides = array<i32>} : memref<16x32xf32, #tpu.memory_space<vmem>>, vector<16xf32>,
      %add3A_334 = arith.addf %get3A_333, %add3A_174 : vector<16xf32>
      %select_n3A_335 = arith.select %eq3A_175, %add3A_329, %broadcast_in_dim3A_10 : vector<16xf32>
      %swap3A_336 = arith.constant 5 : i32
      %swap3A_337 = arith.index_cast %swap3A_336 : i32 to index
      %swap3A_338 = arith.constant 0 : index
      %swap3A_339 = tpu.vector_load %arg9[%swap3A_337, %swap3A_338] {strides = array<i32>} : memref<16x64xf32, #tpu.memory_space<vmem>>, vector<16xf32>,
      tpu.vector_store %arg9[%swap3A_337, %swap3A_338], %select_n3A_335 {strides = array<i32>} : memref<16x64xf32, #tpu.memory_space<vmem>>, vector<16xf32>,
      %select_n3A_340 = arith.select %eq3A_175, %add3A_334, %broadcast_in_dim3A_10 : vector<16xf32>
      %swap3A_341 = arith.constant 5 : i32
      %swap3A_342 = arith.index_cast %swap3A_341 : i32 to index
      %swap3A_343 = arith.constant 16 : index
      %swap3A_344 = tpu.vector_load %arg9[%swap3A_342, %swap3A_343] {strides = array<i32>} : memref<16x64xf32, #tpu.memory_space<vmem>>, vector<16xf32>,
      tpu.vector_store %arg9[%swap3A_342, %swap3A_343], %select_n3A_340 {strides = array<i32>} : memref<16x64xf32, #tpu.memory_space<vmem>>, vector<16xf32>,
      %select_n3A_345 = arith.select %eq3A_175, %broadcast_in_dim3A_10, %add3A_329 : vector<16xf32>
      %swap3A_346 = arith.constant 5 : i32
      %swap3A_347 = arith.index_cast %swap3A_346 : i32 to index
      %swap3A_348 = arith.constant 32 : index
      %swap3A_349 = tpu.vector_load %arg9[%swap3A_347, %swap3A_348] {strides = array<i32>} : memref<16x64xf32, #tpu.memory_space<vmem>>, vector<16xf32>,
      tpu.vector_store %arg9[%swap3A_347, %swap3A_348], %select_n3A_345 {strides = array<i32>} : memref<16x64xf32, #tpu.memory_space<vmem>>, vector<16xf32>,
      %select_n3A_350 = arith.select %eq3A_175, %broadcast_in_dim3A_10, %add3A_334 : vector<16xf32>
      %swap3A_351 = arith.constant 5 : i32
      %swap3A_352 = arith.index_cast %swap3A_351 : i32 to index
      %swap3A_353 = arith.constant 48 : index
      %swap3A_354 = tpu.vector_load %arg9[%swap3A_352, %swap3A_353] {strides = array<i32>} : memref<16x64xf32, #tpu.memory_space<vmem>>, vector<16xf32>,
      tpu.vector_store %arg9[%swap3A_352, %swap3A_353], %select_n3A_350 {strides = array<i32>} : memref<16x64xf32, #tpu.memory_space<vmem>>, vector<16xf32>,
      %get3A_355 = arith.constant 6 : i32
      %get3A_356 = arith.index_cast %get3A_355 : i32 to index
      %get3A_357 = arith.constant 0 : index
      %get3A_358 = tpu.vector_load %arg8[%get3A_356, %get3A_357] {strides = array<i32>} : memref<16x32xf32, #tpu.memory_space<vmem>>, vector<16xf32>,
      %add3A_359 = arith.addf %get3A_358, %add3A_168 : vector<16xf32>
      %get3A_360 = arith.constant 6 : i32
      %get3A_361 = arith.index_cast %get3A_360 : i32 to index
      %get3A_362 = arith.constant 16 : index
      %get3A_363 = tpu.vector_load %arg8[%get3A_361, %get3A_362] {strides = array<i32>} : memref<16x32xf32, #tpu.memory_space<vmem>>, vector<16xf32>,
      %add3A_364 = arith.addf %get3A_363, %add3A_174 : vector<16xf32>
      %select_n3A_365 = arith.select %eq3A_175, %add3A_359, %broadcast_in_dim3A_10 : vector<16xf32>
      %swap3A_366 = arith.constant 6 : i32
      %swap3A_367 = arith.index_cast %swap3A_366 : i32 to index
      %swap3A_368 = arith.constant 0 : index
      %swap3A_369 = tpu.vector_load %arg9[%swap3A_367, %swap3A_368] {strides = array<i32>} : memref<16x64xf32, #tpu.memory_space<vmem>>, vector<16xf32>,
      tpu.vector_store %arg9[%swap3A_367, %swap3A_368], %select_n3A_365 {strides = array<i32>} : memref<16x64xf32, #tpu.memory_space<vmem>>, vector<16xf32>,
      %select_n3A_370 = arith.select %eq3A_175, %add3A_364, %broadcast_in_dim3A_10 : vector<16xf32>
      %swap3A_371 = arith.constant 6 : i32
      %swap3A_372 = arith.index_cast %swap3A_371 : i32 to index
      %swap3A_373 = arith.constant 16 : index
      %swap3A_374 = tpu.vector_load %arg9[%swap3A_372, %swap3A_373] {strides = array<i32>} : memref<16x64xf32, #tpu.memory_space<vmem>>, vector<16xf32>,
      tpu.vector_store %arg9[%swap3A_372, %swap3A_373], %select_n3A_370 {strides = array<i32>} : memref<16x64xf32, #tpu.memory_space<vmem>>, vector<16xf32>,
      %select_n3A_375 = arith.select %eq3A_175, %broadcast_in_dim3A_10, %add3A_359 : vector<16xf32>
      %swap3A_376 = arith.constant 6 : i32
      %swap3A_377 = arith.index_cast %swap3A_376 : i32 to index
      %swap3A_378 = arith.constant 32 : index
      %swap3A_379 = tpu.vector_load %arg9[%swap3A_377, %swap3A_378] {strides = array<i32>} : memref<16x64xf32, #tpu.memory_space<vmem>>, vector<16xf32>,
      tpu.vector_store %arg9[%swap3A_377, %swap3A_378], %select_n3A_375 {strides = array<i32>} : memref<16x64xf32, #tpu.memory_space<vmem>>, vector<16xf32>,
      %select_n3A_380 = arith.select %eq3A_175, %broadcast_in_dim3A_10, %add3A_364 : vector<16xf32>
      %swap3A_381 = arith.constant 6 : i32
      %swap3A_382 = arith.index_cast %swap3A_381 : i32 to index
      %swap3A_383 = arith.constant 48 : index
      %swap3A_384 = tpu.vector_load %arg9[%swap3A_382, %swap3A_383] {strides = array<i32>} : memref<16x64xf32, #tpu.memory_space<vmem>>, vector<16xf32>,
      tpu.vector_store %arg9[%swap3A_382, %swap3A_383], %select_n3A_380 {strides = array<i32>} : memref<16x64xf32, #tpu.memory_space<vmem>>, vector<16xf32>,
      %get3A_385 = arith.constant 7 : i32
      %get3A_386 = arith.index_cast %get3A_385 : i32 to index
      %get3A_387 = arith.constant 0 : index
      %get3A_388 = tpu.vector_load %arg8[%get3A_386, %get3A_387] {strides = array<i32>} : memref<16x32xf32, #tpu.memory_space<vmem>>, vector<16xf32>,
      %add3A_389 = arith.addf %get3A_388, %add3A_168 : vector<16xf32>
      %get3A_390 = arith.constant 7 : i32
      %get3A_391 = arith.index_cast %get3A_390 : i32 to index
      %get3A_392 = arith.constant 16 : index
      %get3A_393 = tpu.vector_load %arg8[%get3A_391, %get3A_392] {strides = array<i32>} : memref<16x32xf32, #tpu.memory_space<vmem>>, vector<16xf32>,
      %add3A_394 = arith.addf %get3A_393, %add3A_174 : vector<16xf32>
      %select_n3A_395 = arith.select %eq3A_175, %add3A_389, %broadcast_in_dim3A_10 : vector<16xf32>
      %swap3A_396 = arith.constant 7 : i32
      %swap3A_397 = arith.index_cast %swap3A_396 : i32 to index
      %swap3A_398 = arith.constant 0 : index
      %swap3A_399 = tpu.vector_load %arg9[%swap3A_397, %swap3A_398] {strides = array<i32>} : memref<16x64xf32, #tpu.memory_space<vmem>>, vector<16xf32>,
      tpu.vector_store %arg9[%swap3A_397, %swap3A_398], %select_n3A_395 {strides = array<i32>} : memref<16x64xf32, #tpu.memory_space<vmem>>, vector<16xf32>,
      %select_n3A_400 = arith.select %eq3A_175, %add3A_394, %broadcast_in_dim3A_10 : vector<16xf32>
      %swap3A_401 = arith.constant 7 : i32
      %swap3A_402 = arith.index_cast %swap3A_401 : i32 to index
      %swap3A_403 = arith.constant 16 : index
      %swap3A_404 = tpu.vector_load %arg9[%swap3A_402, %swap3A_403] {strides = array<i32>} : memref<16x64xf32, #tpu.memory_space<vmem>>, vector<16xf32>,
      tpu.vector_store %arg9[%swap3A_402, %swap3A_403], %select_n3A_400 {strides = array<i32>} : memref<16x64xf32, #tpu.memory_space<vmem>>, vector<16xf32>,
      %select_n3A_405 = arith.select %eq3A_175, %broadcast_in_dim3A_10, %add3A_389 : vector<16xf32>
      %swap3A_406 = arith.constant 7 : i32
      %swap3A_407 = arith.index_cast %swap3A_406 : i32 to index
      %swap3A_408 = arith.constant 32 : index
      %swap3A_409 = tpu.vector_load %arg9[%swap3A_407, %swap3A_408] {strides = array<i32>} : memref<16x64xf32, #tpu.memory_space<vmem>>, vector<16xf32>,
      tpu.vector_store %arg9[%swap3A_407, %swap3A_408], %select_n3A_405 {strides = array<i32>} : memref<16x64xf32, #tpu.memory_space<vmem>>, vector<16xf32>,
      %select_n3A_410 = arith.select %eq3A_175, %broadcast_in_dim3A_10, %add3A_394 : vector<16xf32>
      %swap3A_411 = arith.constant 7 : i32
      %swap3A_412 = arith.index_cast %swap3A_411 : i32 to index
      %swap3A_413 = arith.constant 48 : index
      %swap3A_414 = tpu.vector_load %arg9[%swap3A_412, %swap3A_413] {strides = array<i32>} : memref<16x64xf32, #tpu.memory_space<vmem>>, vector<16xf32>,
      tpu.vector_store %arg9[%swap3A_412, %swap3A_413], %select_n3A_410 {strides = array<i32>} : memref<16x64xf32, #tpu.memory_space<vmem>>, vector<16xf32>,
      %get3A_415 = arith.constant 8 : i32
      %get3A_416 = arith.index_cast %get3A_415 : i32 to index
      %get3A_417 = arith.constant 0 : index
      %get3A_418 = tpu.vector_load %arg8[%get3A_416, %get3A_417] {strides = array<i32>} : memref<16x32xf32, #tpu.memory_space<vmem>>, vector<16xf32>,
      %add3A_419 = arith.addf %get3A_418, %add3A_168 : vector<16xf32>
      %get3A_420 = arith.constant 8 : i32
      %get3A_421 = arith.index_cast %get3A_420 : i32 to index
      %get3A_422 = arith.constant 16 : index
      %get3A_423 = tpu.vector_load %arg8[%get3A_421, %get3A_422] {strides = array<i32>} : memref<16x32xf32, #tpu.memory_space<vmem>>, vector<16xf32>,
      %add3A_424 = arith.addf %get3A_423, %add3A_174 : vector<16xf32>
      %select_n3A_425 = arith.select %eq3A_175, %add3A_419, %broadcast_in_dim3A_10 : vector<16xf32>
      %swap3A_426 = arith.constant 8 : i32
      %swap3A_427 = arith.index_cast %swap3A_426 : i32 to index
      %swap3A_428 = arith.constant 0 : index
      %swap3A_429 = tpu.vector_load %arg9[%swap3A_427, %swap3A_428] {strides = array<i32>} : memref<16x64xf32, #tpu.memory_space<vmem>>, vector<16xf32>,
      tpu.vector_store %arg9[%swap3A_427, %swap3A_428], %select_n3A_425 {strides = array<i32>} : memref<16x64xf32, #tpu.memory_space<vmem>>, vector<16xf32>,
      %select_n3A_430 = arith.select %eq3A_175, %add3A_424, %broadcast_in_dim3A_10 : vector<16xf32>
      %swap3A_431 = arith.constant 8 : i32
      %swap3A_432 = arith.index_cast %swap3A_431 : i32 to index
      %swap3A_433 = arith.constant 16 : index
      %swap3A_434 = tpu.vector_load %arg9[%swap3A_432, %swap3A_433] {strides = array<i32>} : memref<16x64xf32, #tpu.memory_space<vmem>>, vector<16xf32>,
      tpu.vector_store %arg9[%swap3A_432, %swap3A_433], %select_n3A_430 {strides = array<i32>} : memref<16x64xf32, #tpu.memory_space<vmem>>, vector<16xf32>,
      %select_n3A_435 = arith.select %eq3A_175, %broadcast_in_dim3A_10, %add3A_419 : vector<16xf32>
      %swap3A_436 = arith.constant 8 : i32
      %swap3A_437 = arith.index_cast %swap3A_436 : i32 to index
      %swap3A_438 = arith.constant 32 : index
      %swap3A_439 = tpu.vector_load %arg9[%swap3A_437, %swap3A_438] {strides = array<i32>} : memref<16x64xf32, #tpu.memory_space<vmem>>, vector<16xf32>,
      tpu.vector_store %arg9[%swap3A_437, %swap3A_438], %select_n3A_435 {strides = array<i32>} : memref<16x64xf32, #tpu.memory_space<vmem>>, vector<16xf32>,
      %select_n3A_440 = arith.select %eq3A_175, %broadcast_in_dim3A_10, %add3A_424 : vector<16xf32>
      %swap3A_441 = arith.constant 8 : i32
      %swap3A_442 = arith.index_cast %swap3A_441 : i32 to index
      %swap3A_443 = arith.constant 48 : index
      %swap3A_444 = tpu.vector_load %arg9[%swap3A_442, %swap3A_443] {strides = array<i32>} : memref<16x64xf32, #tpu.memory_space<vmem>>, vector<16xf32>,
      tpu.vector_store %arg9[%swap3A_442, %swap3A_443], %select_n3A_440 {strides = array<i32>} : memref<16x64xf32, #tpu.memory_space<vmem>>, vector<16xf32>,
      %get3A_445 = arith.constant 9 : i32
      %get3A_446 = arith.index_cast %get3A_445 : i32 to index
      %get3A_447 = arith.constant 0 : index
      %get3A_448 = tpu.vector_load %arg8[%get3A_446, %get3A_447] {strides = array<i32>} : memref<16x32xf32, #tpu.memory_space<vmem>>, vector<16xf32>,
      %add3A_449 = arith.addf %get3A_448, %add3A_168 : vector<16xf32>
      %get3A_450 = arith.constant 9 : i32
      %get3A_451 = arith.index_cast %get3A_450 : i32 to index
      %get3A_452 = arith.constant 16 : index
      %get3A_453 = tpu.vector_load %arg8[%get3A_451, %get3A_452] {strides = array<i32>} : memref<16x32xf32, #tpu.memory_space<vmem>>, vector<16xf32>,
      %add3A_454 = arith.addf %get3A_453, %add3A_174 : vector<16xf32>
      %select_n3A_455 = arith.select %eq3A_175, %add3A_449, %broadcast_in_dim3A_10 : vector<16xf32>
      %swap3A_456 = arith.constant 9 : i32
      %swap3A_457 = arith.index_cast %swap3A_456 : i32 to index
      %swap3A_458 = arith.constant 0 : index
      %swap3A_459 = tpu.vector_load %arg9[%swap3A_457, %swap3A_458] {strides = array<i32>} : memref<16x64xf32, #tpu.memory_space<vmem>>, vector<16xf32>,
      tpu.vector_store %arg9[%swap3A_457, %swap3A_458], %select_n3A_455 {strides = array<i32>} : memref<16x64xf32, #tpu.memory_space<vmem>>, vector<16xf32>,
      %select_n3A_460 = arith.select %eq3A_175, %add3A_454, %broadcast_in_dim3A_10 : vector<16xf32>
      %swap3A_461 = arith.constant 9 : i32
      %swap3A_462 = arith.index_cast %swap3A_461 : i32 to index
      %swap3A_463 = arith.constant 16 : index
      %swap3A_464 = tpu.vector_load %arg9[%swap3A_462, %swap3A_463] {strides = array<i32>} : memref<16x64xf32, #tpu.memory_space<vmem>>, vector<16xf32>,
      tpu.vector_store %arg9[%swap3A_462, %swap3A_463], %select_n3A_460 {strides = array<i32>} : memref<16x64xf32, #tpu.memory_space<vmem>>, vector<16xf32>,
      %select_n3A_465 = arith.select %eq3A_175, %broadcast_in_dim3A_10, %add3A_449 : vector<16xf32>
      %swap3A_466 = arith.constant 9 : i32
      %swap3A_467 = arith.index_cast %swap3A_466 : i32 to index
      %swap3A_468 = arith.constant 32 : index
      %swap3A_469 = tpu.vector_load %arg9[%swap3A_467, %swap3A_468] {strides = array<i32>} : memref<16x64xf32, #tpu.memory_space<vmem>>, vector<16xf32>,
      tpu.vector_store %arg9[%swap3A_467, %swap3A_468], %select_n3A_465 {strides = array<i32>} : memref<16x64xf32, #tpu.memory_space<vmem>>, vector<16xf32>,
      %select_n3A_470 = arith.select %eq3A_175, %broadcast_in_dim3A_10, %add3A_454 : vector<16xf32>
      %swap3A_471 = arith.constant 9 : i32
      %swap3A_472 = arith.index_cast %swap3A_471 : i32 to index
      %swap3A_473 = arith.constant 48 : index
      %swap3A_474 = tpu.vector_load %arg9[%swap3A_472, %swap3A_473] {strides = array<i32>} : memref<16x64xf32, #tpu.memory_space<vmem>>, vector<16xf32>,
      tpu.vector_store %arg9[%swap3A_472, %swap3A_473], %select_n3A_470 {strides = array<i32>} : memref<16x64xf32, #tpu.memory_space<vmem>>, vector<16xf32>,
      %get3A_475 = arith.constant 10 : i32
      %get3A_476 = arith.index_cast %get3A_475 : i32 to index
      %get3A_477 = arith.constant 0 : index
      %get3A_478 = tpu.vector_load %arg8[%get3A_476, %get3A_477] {strides = array<i32>} : memref<16x32xf32, #tpu.memory_space<vmem>>, vector<16xf32>,
      %add3A_479 = arith.addf %get3A_478, %add3A_168 : vector<16xf32>
      %get3A_480 = arith.constant 10 : i32
      %get3A_481 = arith.index_cast %get3A_480 : i32 to index
      %get3A_482 = arith.constant 16 : index
      %get3A_483 = tpu.vector_load %arg8[%get3A_481, %get3A_482] {strides = array<i32>} : memref<16x32xf32, #tpu.memory_space<vmem>>, vector<16xf32>,
      %add3A_484 = arith.addf %get3A_483, %add3A_174 : vector<16xf32>
      %select_n3A_485 = arith.select %eq3A_175, %add3A_479, %broadcast_in_dim3A_10 : vector<16xf32>
      %swap3A_486 = arith.constant 10 : i32
      %swap3A_487 = arith.index_cast %swap3A_486 : i32 to index
      %swap3A_488 = arith.constant 0 : index
      %swap3A_489 = tpu.vector_load %arg9[%swap3A_487, %swap3A_488] {strides = array<i32>} : memref<16x64xf32, #tpu.memory_space<vmem>>, vector<16xf32>,
      tpu.vector_store %arg9[%swap3A_487, %swap3A_488], %select_n3A_485 {strides = array<i32>} : memref<16x64xf32, #tpu.memory_space<vmem>>, vector<16xf32>,
      %select_n3A_490 = arith.select %eq3A_175, %add3A_484, %broadcast_in_dim3A_10 : vector<16xf32>
      %swap3A_491 = arith.constant 10 : i32
      %swap3A_492 = arith.index_cast %swap3A_491 : i32 to index
      %swap3A_493 = arith.constant 16 : index
      %swap3A_494 = tpu.vector_load %arg9[%swap3A_492, %swap3A_493] {strides = array<i32>} : memref<16x64xf32, #tpu.memory_space<vmem>>, vector<16xf32>,
      tpu.vector_store %arg9[%swap3A_492, %swap3A_493], %select_n3A_490 {strides = array<i32>} : memref<16x64xf32, #tpu.memory_space<vmem>>, vector<16xf32>,
      %select_n3A_495 = arith.select %eq3A_175, %broadcast_in_dim3A_10, %add3A_479 : vector<16xf32>
      %swap3A_496 = arith.constant 10 : i32
      %swap3A_497 = arith.index_cast %swap3A_496 : i32 to index
      %swap3A_498 = arith.constant 32 : index
      %swap3A_499 = tpu.vector_load %arg9[%swap3A_497, %swap3A_498] {strides = array<i32>} : memref<16x64xf32, #tpu.memory_space<vmem>>, vector<16xf32>,
      tpu.vector_store %arg9[%swap3A_497, %swap3A_498], %select_n3A_495 {strides = array<i32>} : memref<16x64xf32, #tpu.memory_space<vmem>>, vector<16xf32>,
      %select_n3A_500 = arith.select %eq3A_175, %broadcast_in_dim3A_10, %add3A_484 : vector<16xf32>
      %swap3A_501 = arith.constant 10 : i32
      %swap3A_502 = arith.index_cast %swap3A_501 : i32 to index
      %swap3A_503 = arith.constant 48 : index
      %swap3A_504 = tpu.vector_load %arg9[%swap3A_502, %swap3A_503] {strides = array<i32>} : memref<16x64xf32, #tpu.memory_space<vmem>>, vector<16xf32>,
      tpu.vector_store %arg9[%swap3A_502, %swap3A_503], %select_n3A_500 {strides = array<i32>} : memref<16x64xf32, #tpu.memory_space<vmem>>, vector<16xf32>,
      %get3A_505 = arith.constant 11 : i32
      %get3A_506 = arith.index_cast %get3A_505 : i32 to index
      %get3A_507 = arith.constant 0 : index
      %get3A_508 = tpu.vector_load %arg8[%get3A_506, %get3A_507] {strides = array<i32>} : memref<16x32xf32, #tpu.memory_space<vmem>>, vector<16xf32>,
      %add3A_509 = arith.addf %get3A_508, %add3A_168 : vector<16xf32>
      %get3A_510 = arith.constant 11 : i32
      %get3A_511 = arith.index_cast %get3A_510 : i32 to index
      %get3A_512 = arith.constant 16 : index
      %get3A_513 = tpu.vector_load %arg8[%get3A_511, %get3A_512] {strides = array<i32>} : memref<16x32xf32, #tpu.memory_space<vmem>>, vector<16xf32>,
      %add3A_514 = arith.addf %get3A_513, %add3A_174 : vector<16xf32>
      %select_n3A_515 = arith.select %eq3A_175, %add3A_509, %broadcast_in_dim3A_10 : vector<16xf32>
      %swap3A_516 = arith.constant 11 : i32
      %swap3A_517 = arith.index_cast %swap3A_516 : i32 to index
      %swap3A_518 = arith.constant 0 : index
      %swap3A_519 = tpu.vector_load %arg9[%swap3A_517, %swap3A_518] {strides = array<i32>} : memref<16x64xf32, #tpu.memory_space<vmem>>, vector<16xf32>,
      tpu.vector_store %arg9[%swap3A_517, %swap3A_518], %select_n3A_515 {strides = array<i32>} : memref<16x64xf32, #tpu.memory_space<vmem>>, vector<16xf32>,
      %select_n3A_520 = arith.select %eq3A_175, %add3A_514, %broadcast_in_dim3A_10 : vector<16xf32>
      %swap3A_521 = arith.constant 11 : i32
      %swap3A_522 = arith.index_cast %swap3A_521 : i32 to index
      %swap3A_523 = arith.constant 16 : index
      %swap3A_524 = tpu.vector_load %arg9[%swap3A_522, %swap3A_523] {strides = array<i32>} : memref<16x64xf32, #tpu.memory_space<vmem>>, vector<16xf32>,
      tpu.vector_store %arg9[%swap3A_522, %swap3A_523], %select_n3A_520 {strides = array<i32>} : memref<16x64xf32, #tpu.memory_space<vmem>>, vector<16xf32>,
      %select_n3A_525 = arith.select %eq3A_175, %broadcast_in_dim3A_10, %add3A_509 : vector<16xf32>
      %swap3A_526 = arith.constant 11 : i32
      %swap3A_527 = arith.index_cast %swap3A_526 : i32 to index
      %swap3A_528 = arith.constant 32 : index
      %swap3A_529 = tpu.vector_load %arg9[%swap3A_527, %swap3A_528] {strides = array<i32>} : memref<16x64xf32, #tpu.memory_space<vmem>>, vector<16xf32>,
      tpu.vector_store %arg9[%swap3A_527, %swap3A_528], %select_n3A_525 {strides = array<i32>} : memref<16x64xf32, #tpu.memory_space<vmem>>, vector<16xf32>,
      %select_n3A_530 = arith.select %eq3A_175, %broadcast_in_dim3A_10, %add3A_514 : vector<16xf32>
      %swap3A_531 = arith.constant 11 : i32
      %swap3A_532 = arith.index_cast %swap3A_531 : i32 to index
      %swap3A_533 = arith.constant 48 : index
      %swap3A_534 = tpu.vector_load %arg9[%swap3A_532, %swap3A_533] {strides = array<i32>} : memref<16x64xf32, #tpu.memory_space<vmem>>, vector<16xf32>,
      tpu.vector_store %arg9[%swap3A_532, %swap3A_533], %select_n3A_530 {strides = array<i32>} : memref<16x64xf32, #tpu.memory_space<vmem>>, vector<16xf32>,
      %get3A_535 = arith.constant 12 : i32
      %get3A_536 = arith.index_cast %get3A_535 : i32 to index
      %get3A_537 = arith.constant 0 : index
      %get3A_538 = tpu.vector_load %arg8[%get3A_536, %get3A_537] {strides = array<i32>} : memref<16x32xf32, #tpu.memory_space<vmem>>, vector<16xf32>,
      %add3A_539 = arith.addf %get3A_538, %add3A_168 : vector<16xf32>
      %get3A_540 = arith.constant 12 : i32
      %get3A_541 = arith.index_cast %get3A_540 : i32 to index
      %get3A_542 = arith.constant 16 : index
      %get3A_543 = tpu.vector_load %arg8[%get3A_541, %get3A_542] {strides = array<i32>} : memref<16x32xf32, #tpu.memory_space<vmem>>, vector<16xf32>,
      %add3A_544 = arith.addf %get3A_543, %add3A_174 : vector<16xf32>
      %select_n3A_545 = arith.select %eq3A_175, %add3A_539, %broadcast_in_dim3A_10 : vector<16xf32>
      %swap3A_546 = arith.constant 12 : i32
      %swap3A_547 = arith.index_cast %swap3A_546 : i32 to index
      %swap3A_548 = arith.constant 0 : index
      %swap3A_549 = tpu.vector_load %arg9[%swap3A_547, %swap3A_548] {strides = array<i32>} : memref<16x64xf32, #tpu.memory_space<vmem>>, vector<16xf32>,
      tpu.vector_store %arg9[%swap3A_547, %swap3A_548], %select_n3A_545 {strides = array<i32>} : memref<16x64xf32, #tpu.memory_space<vmem>>, vector<16xf32>,
      %select_n3A_550 = arith.select %eq3A_175, %add3A_544, %broadcast_in_dim3A_10 : vector<16xf32>
      %swap3A_551 = arith.constant 12 : i32
      %swap3A_552 = arith.index_cast %swap3A_551 : i32 to index
      %swap3A_553 = arith.constant 16 : index
      %swap3A_554 = tpu.vector_load %arg9[%swap3A_552, %swap3A_553] {strides = array<i32>} : memref<16x64xf32, #tpu.memory_space<vmem>>, vector<16xf32>,
      tpu.vector_store %arg9[%swap3A_552, %swap3A_553], %select_n3A_550 {strides = array<i32>} : memref<16x64xf32, #tpu.memory_space<vmem>>, vector<16xf32>,
      %select_n3A_555 = arith.select %eq3A_175, %broadcast_in_dim3A_10, %add3A_539 : vector<16xf32>
      %swap3A_556 = arith.constant 12 : i32
      %swap3A_557 = arith.index_cast %swap3A_556 : i32 to index
      %swap3A_558 = arith.constant 32 : index
      %swap3A_559 = tpu.vector_load %arg9[%swap3A_557, %swap3A_558] {strides = array<i32>} : memref<16x64xf32, #tpu.memory_space<vmem>>, vector<16xf32>,
      tpu.vector_store %arg9[%swap3A_557, %swap3A_558], %select_n3A_555 {strides = array<i32>} : memref<16x64xf32, #tpu.memory_space<vmem>>, vector<16xf32>,
      %select_n3A_560 = arith.select %eq3A_175, %broadcast_in_dim3A_10, %add3A_544 : vector<16xf32>
      %swap3A_561 = arith.constant 12 : i32
      %swap3A_562 = arith.index_cast %swap3A_561 : i32 to index
      %swap3A_563 = arith.constant 48 : index
      %swap3A_564 = tpu.vector_load %arg9[%swap3A_562, %swap3A_563] {strides = array<i32>} : memref<16x64xf32, #tpu.memory_space<vmem>>, vector<16xf32>,
      tpu.vector_store %arg9[%swap3A_562, %swap3A_563], %select_n3A_560 {strides = array<i32>} : memref<16x64xf32, #tpu.memory_space<vmem>>, vector<16xf32>,
      %get3A_565 = arith.constant 13 : i32
      %get3A_566 = arith.index_cast %get3A_565 : i32 to index
      %get3A_567 = arith.constant 0 : index
      %get3A_568 = tpu.vector_load %arg8[%get3A_566, %get3A_567] {strides = array<i32>} : memref<16x32xf32, #tpu.memory_space<vmem>>, vector<16xf32>,
      %add3A_569 = arith.addf %get3A_568, %add3A_168 : vector<16xf32>
      %get3A_570 = arith.constant 13 : i32
      %get3A_571 = arith.index_cast %get3A_570 : i32 to index
      %get3A_572 = arith.constant 16 : index
      %get3A_573 = tpu.vector_load %arg8[%get3A_571, %get3A_572] {strides = array<i32>} : memref<16x32xf32, #tpu.memory_space<vmem>>, vector<16xf32>,
      %add3A_574 = arith.addf %get3A_573, %add3A_174 : vector<16xf32>
      %select_n3A_575 = arith.select %eq3A_175, %add3A_569, %broadcast_in_dim3A_10 : vector<16xf32>
      %swap3A_576 = arith.constant 13 : i32
      %swap3A_577 = arith.index_cast %swap3A_576 : i32 to index
      %swap3A_578 = arith.constant 0 : index
      %swap3A_579 = tpu.vector_load %arg9[%swap3A_577, %swap3A_578] {strides = array<i32>} : memref<16x64xf32, #tpu.memory_space<vmem>>, vector<16xf32>,
      tpu.vector_store %arg9[%swap3A_577, %swap3A_578], %select_n3A_575 {strides = array<i32>} : memref<16x64xf32, #tpu.memory_space<vmem>>, vector<16xf32>,
      %select_n3A_580 = arith.select %eq3A_175, %add3A_574, %broadcast_in_dim3A_10 : vector<16xf32>
      %swap3A_581 = arith.constant 13 : i32
      %swap3A_582 = arith.index_cast %swap3A_581 : i32 to index
      %swap3A_583 = arith.constant 16 : index
      %swap3A_584 = tpu.vector_load %arg9[%swap3A_582, %swap3A_583] {strides = array<i32>} : memref<16x64xf32, #tpu.memory_space<vmem>>, vector<16xf32>,
      tpu.vector_store %arg9[%swap3A_582, %swap3A_583], %select_n3A_580 {strides = array<i32>} : memref<16x64xf32, #tpu.memory_space<vmem>>, vector<16xf32>,
      %select_n3A_585 = arith.select %eq3A_175, %broadcast_in_dim3A_10, %add3A_569 : vector<16xf32>
      %swap3A_586 = arith.constant 13 : i32
      %swap3A_587 = arith.index_cast %swap3A_586 : i32 to index
      %swap3A_588 = arith.constant 32 : index
      %swap3A_589 = tpu.vector_load %arg9[%swap3A_587, %swap3A_588] {strides = array<i32>} : memref<16x64xf32, #tpu.memory_space<vmem>>, vector<16xf32>,
      tpu.vector_store %arg9[%swap3A_587, %swap3A_588], %select_n3A_585 {strides = array<i32>} : memref<16x64xf32, #tpu.memory_space<vmem>>, vector<16xf32>,
      %select_n3A_590 = arith.select %eq3A_175, %broadcast_in_dim3A_10, %add3A_574 : vector<16xf32>
      %swap3A_591 = arith.constant 13 : i32
      %swap3A_592 = arith.index_cast %swap3A_591 : i32 to index
      %swap3A_593 = arith.constant 48 : index
      %swap3A_594 = tpu.vector_load %arg9[%swap3A_592, %swap3A_593] {strides = array<i32>} : memref<16x64xf32, #tpu.memory_space<vmem>>, vector<16xf32>,
      tpu.vector_store %arg9[%swap3A_592, %swap3A_593], %select_n3A_590 {strides = array<i32>} : memref<16x64xf32, #tpu.memory_space<vmem>>, vector<16xf32>,
      %get3A_595 = arith.constant 14 : i32
      %get3A_596 = arith.index_cast %get3A_595 : i32 to index
      %get3A_597 = arith.constant 0 : index
      %get3A_598 = tpu.vector_load %arg8[%get3A_596, %get3A_597] {strides = array<i32>} : memref<16x32xf32, #tpu.memory_space<vmem>>, vector<16xf32>,
      %add3A_599 = arith.addf %get3A_598, %add3A_168 : vector<16xf32>
      %get3A_600 = arith.constant 14 : i32
      %get3A_601 = arith.index_cast %get3A_600 : i32 to index
      %get3A_602 = arith.constant 16 : index
      %get3A_603 = tpu.vector_load %arg8[%get3A_601, %get3A_602] {strides = array<i32>} : memref<16x32xf32, #tpu.memory_space<vmem>>, vector<16xf32>,
      %add3A_604 = arith.addf %get3A_603, %add3A_174 : vector<16xf32>
      %select_n3A_605 = arith.select %eq3A_175, %add3A_599, %broadcast_in_dim3A_10 : vector<16xf32>
      %swap3A_606 = arith.constant 14 : i32
      %swap3A_607 = arith.index_cast %swap3A_606 : i32 to index
      %swap3A_608 = arith.constant 0 : index
      %swap3A_609 = tpu.vector_load %arg9[%swap3A_607, %swap3A_608] {strides = array<i32>} : memref<16x64xf32, #tpu.memory_space<vmem>>, vector<16xf32>,
      tpu.vector_store %arg9[%swap3A_607, %swap3A_608], %select_n3A_605 {strides = array<i32>} : memref<16x64xf32, #tpu.memory_space<vmem>>, vector<16xf32>,
      %select_n3A_610 = arith.select %eq3A_175, %add3A_604, %broadcast_in_dim3A_10 : vector<16xf32>
      %swap3A_611 = arith.constant 14 : i32
      %swap3A_612 = arith.index_cast %swap3A_611 : i32 to index
      %swap3A_613 = arith.constant 16 : index
      %swap3A_614 = tpu.vector_load %arg9[%swap3A_612, %swap3A_613] {strides = array<i32>} : memref<16x64xf32, #tpu.memory_space<vmem>>, vector<16xf32>,
      tpu.vector_store %arg9[%swap3A_612, %swap3A_613], %select_n3A_610 {strides = array<i32>} : memref<16x64xf32, #tpu.memory_space<vmem>>, vector<16xf32>,
      %select_n3A_615 = arith.select %eq3A_175, %broadcast_in_dim3A_10, %add3A_599 : vector<16xf32>
      %swap3A_616 = arith.constant 14 : i32
      %swap3A_617 = arith.index_cast %swap3A_616 : i32 to index
      %swap3A_618 = arith.constant 32 : index
      %swap3A_619 = tpu.vector_load %arg9[%swap3A_617, %swap3A_618] {strides = array<i32>} : memref<16x64xf32, #tpu.memory_space<vmem>>, vector<16xf32>,
      tpu.vector_store %arg9[%swap3A_617, %swap3A_618], %select_n3A_615 {strides = array<i32>} : memref<16x64xf32, #tpu.memory_space<vmem>>, vector<16xf32>,
      %select_n3A_620 = arith.select %eq3A_175, %broadcast_in_dim3A_10, %add3A_604 : vector<16xf32>
      %swap3A_621 = arith.constant 14 : i32
      %swap3A_622 = arith.index_cast %swap3A_621 : i32 to index
      %swap3A_623 = arith.constant 48 : index
      %swap3A_624 = tpu.vector_load %arg9[%swap3A_622, %swap3A_623] {strides = array<i32>} : memref<16x64xf32, #tpu.memory_space<vmem>>, vector<16xf32>,
      tpu.vector_store %arg9[%swap3A_622, %swap3A_623], %select_n3A_620 {strides = array<i32>} : memref<16x64xf32, #tpu.memory_space<vmem>>, vector<16xf32>,
      %get3A_625 = arith.constant 15 : i32
      %get3A_626 = arith.index_cast %get3A_625 : i32 to index
      %get3A_627 = arith.constant 0 : index
      %get3A_628 = tpu.vector_load %arg8[%get3A_626, %get3A_627] {strides = array<i32>} : memref<16x32xf32, #tpu.memory_space<vmem>>, vector<16xf32>,
      %add3A_629 = arith.addf %get3A_628, %add3A_168 : vector<16xf32>
      %get3A_630 = arith.constant 15 : i32
      %get3A_631 = arith.index_cast %get3A_630 : i32 to index
      %get3A_632 = arith.constant 16 : index
      %get3A_633 = tpu.vector_load %arg8[%get3A_631, %get3A_632] {strides = array<i32>} : memref<16x32xf32, #tpu.memory_space<vmem>>, vector<16xf32>,
      %add3A_634 = arith.addf %get3A_633, %add3A_174 : vector<16xf32>
      %select_n3A_635 = arith.select %eq3A_175, %add3A_629, %broadcast_in_dim3A_10 : vector<16xf32>
      %swap3A_636 = arith.constant 15 : i32
      %swap3A_637 = arith.index_cast %swap3A_636 : i32 to index
      %swap3A_638 = arith.constant 0 : index
      %swap3A_639 = tpu.vector_load %arg9[%swap3A_637, %swap3A_638] {strides = array<i32>} : memref<16x64xf32, #tpu.memory_space<vmem>>, vector<16xf32>,
      tpu.vector_store %arg9[%swap3A_637, %swap3A_638], %select_n3A_635 {strides = array<i32>} : memref<16x64xf32, #tpu.memory_space<vmem>>, vector<16xf32>,
      %select_n3A_640 = arith.select %eq3A_175, %add3A_634, %broadcast_in_dim3A_10 : vector<16xf32>
      %swap3A_641 = arith.constant 15 : i32
      %swap3A_642 = arith.index_cast %swap3A_641 : i32 to index
      %swap3A_643 = arith.constant 16 : index
      %swap3A_644 = tpu.vector_load %arg9[%swap3A_642, %swap3A_643] {strides = array<i32>} : memref<16x64xf32, #tpu.memory_space<vmem>>, vector<16xf32>,
      tpu.vector_store %arg9[%swap3A_642, %swap3A_643], %select_n3A_640 {strides = array<i32>} : memref<16x64xf32, #tpu.memory_space<vmem>>, vector<16xf32>,
      %select_n3A_645 = arith.select %eq3A_175, %broadcast_in_dim3A_10, %add3A_629 : vector<16xf32>
      %swap3A_646 = arith.constant 15 : i32
      %swap3A_647 = arith.index_cast %swap3A_646 : i32 to index
      %swap3A_648 = arith.constant 32 : index
      %swap3A_649 = tpu.vector_load %arg9[%swap3A_647, %swap3A_648] {strides = array<i32>} : memref<16x64xf32, #tpu.memory_space<vmem>>, vector<16xf32>,
      tpu.vector_store %arg9[%swap3A_647, %swap3A_648], %select_n3A_645 {strides = array<i32>} : memref<16x64xf32, #tpu.memory_space<vmem>>, vector<16xf32>,
      %select_n3A_650 = arith.select %eq3A_175, %broadcast_in_dim3A_10, %add3A_634 : vector<16xf32>
      %swap3A_651 = arith.constant 15 : i32
      %swap3A_652 = arith.index_cast %swap3A_651 : i32 to index
      %swap3A_653 = arith.constant 48 : index
      %swap3A_654 = tpu.vector_load %arg9[%swap3A_652, %swap3A_653] {strides = array<i32>} : memref<16x64xf32, #tpu.memory_space<vmem>>, vector<16xf32>,
      tpu.vector_store %arg9[%swap3A_652, %swap3A_653], %select_n3A_650 {strides = array<i32>} : memref<16x64xf32, #tpu.memory_space<vmem>>, vector<16xf32>,
      %eq3A_655 = arith.constant 12 : i32
      %eq3A_656 = arith.cmpi eq, %arg1, %eq3A_655 : i32
      %eq3A_657 = arith.constant 0 : i32
      %eq3A_658 = arith.cmpi eq, %arg0, %eq3A_657 : i32
      %not3A = arith.constant true
      %not3A_659 = arith.xori %eq3A_656, %not3A : i1
      %and3A = arith.andi %eq3A_658, %not3A_659 : i1
      %convert_element_type3A_660 = arith.extui %and3A : i1 to i32
      %cond3A_661 = arith.constant 0 : i32
      %cond3A_662 = arith.cmpi ne, %convert_element_type3A_660, %cond3A_661 : i32
      scf.if %cond3A_662 {
        %mul3A_683 = arith.constant 16 : i32
        %mul3A_684 = arith.muli %arg1, %mul3A_683 : i32
        "tpu.region"() ({
          %run_scoped3A = tpu.sem_alloc : memref<!tpu.dma_semaphore, #tpu.memory_space<semaphore_mem>>
          %dma_start3A = arith.constant 0 : i32
          %dma_start3A_685 = tpu.memref_slice %arg4[%mul3A_684, %dma_start3A] : memref<200x64xf32, #tpu.memory_space<hbm>> -> memref<16x64xf32, #tpu.memory_space<hbm>>
          %dma_start3A_686 = arith.constant 0 : i32
          %dma_start3A_687 = tpu.memref_slice %arg4[%mul3A_684, %dma_start3A_686] : memref<200x64xf32, #tpu.memory_space<hbm>> -> memref<16x64xf32, #tpu.memory_space<hbm>>
          tpu.enqueue_dma source(%arg9 : memref<16x64xf32, #tpu.memory_space<vmem>>) target(%dma_start3A_687 : memref<16x64xf32, #tpu.memory_space<hbm>>) target_semaphore(%run_scoped3A : memref<!tpu.dma_semaphore, #tpu.memory_space<semaphore_mem>>)
          %dma_wait3A = arith.constant 0 : i32
          %dma_wait3A_688 = tpu.memref_slice %arg4[%mul3A_684, %dma_wait3A] : memref<200x64xf32, #tpu.memory_space<hbm>> -> memref<16x64xf32, #tpu.memory_space<hbm>>
          %dma_wait3A_689 = arith.constant 0 : i32
          %dma_wait3A_690 = tpu.memref_slice %arg4[%mul3A_684, %dma_wait3A_689] : memref<200x64xf32, #tpu.memory_space<hbm>> -> memref<16x64xf32, #tpu.memory_space<hbm>>
          tpu.wait_dma2 semaphore(%run_scoped3A : memref<!tpu.dma_semaphore, #tpu.memory_space<semaphore_mem>>) src(%arg9 : memref<16x64xf32, #tpu.memory_space<vmem>>) dst(%dma_wait3A_690 : memref<16x64xf32, #tpu.memory_space<hbm>>)
          tpu.yield
        }) : () -> ()
      } else {
      }
      %eq3A_663 = arith.constant 0 : i32
      %eq3A_664 = arith.cmpi eq, %arg0, %eq3A_663 : i32
      %and3A_665 = arith.andi %eq3A_664, %eq3A_656 : i1
      %convert_element_type3A_666 = arith.extui %and3A_665 : i1 to i32
      %cond3A_667 = arith.constant 0 : i32
      %cond3A_668 = arith.cmpi ne, %convert_element_type3A_666, %cond3A_667 : i32
      scf.if %cond3A_668 {
        "tpu.region"() ({
          %run_scoped3A = tpu.sem_alloc : memref<!tpu.dma_semaphore, #tpu.memory_space<semaphore_mem>>
          %dma_start3A = arith.constant 0 : i32
          %dma_start3A_683 = arith.constant 0 : i32
          %dma_start3A_684 = tpu.memref_slice %arg9[%dma_start3A, %dma_start3A_683] : memref<16x64xf32, #tpu.memory_space<vmem>> -> memref<8x64xf32, #tpu.memory_space<vmem>>
          %dma_start3A_685 = arith.constant 192 : i32
          %dma_start3A_686 = arith.constant 0 : i32
          %dma_start3A_687 = tpu.memref_slice %arg4[%dma_start3A_685, %dma_start3A_686] : memref<200x64xf32, #tpu.memory_space<hbm>> -> memref<8x64xf32, #tpu.memory_space<hbm>>
          %dma_start3A_688 = arith.constant 192 : i32
          %dma_start3A_689 = arith.constant 0 : i32
          %dma_start3A_690 = tpu.memref_slice %arg4[%dma_start3A_688, %dma_start3A_689] : memref<200x64xf32, #tpu.memory_space<hbm>> -> memref<8x64xf32, #tpu.memory_space<hbm>>
          %dma_start3A_691 = arith.constant 0 : i32
          %dma_start3A_692 = arith.constant 0 : i32
          %dma_start3A_693 = tpu.memref_slice %arg9[%dma_start3A_691, %dma_start3A_692] : memref<16x64xf32, #tpu.memory_space<vmem>> -> memref<8x64xf32, #tpu.memory_space<vmem>>
          tpu.enqueue_dma source(%dma_start3A_693 : memref<8x64xf32, #tpu.memory_space<vmem>>) target(%dma_start3A_690 : memref<8x64xf32, #tpu.memory_space<hbm>>) target_semaphore(%run_scoped3A : memref<!tpu.dma_semaphore, #tpu.memory_space<semaphore_mem>>)
          %dma_wait3A = arith.constant 0 : i32
          %dma_wait3A_694 = arith.constant 0 : i32
          %dma_wait3A_695 = tpu.memref_slice %arg9[%dma_wait3A, %dma_wait3A_694] : memref<16x64xf32, #tpu.memory_space<vmem>> -> memref<8x64xf32, #tpu.memory_space<vmem>>
          %dma_wait3A_696 = arith.constant 192 : i32
          %dma_wait3A_697 = arith.constant 0 : i32
          %dma_wait3A_698 = tpu.memref_slice %arg4[%dma_wait3A_696, %dma_wait3A_697] : memref<200x64xf32, #tpu.memory_space<hbm>> -> memref<8x64xf32, #tpu.memory_space<hbm>>
          %dma_wait3A_699 = arith.constant 192 : i32
          %dma_wait3A_700 = arith.constant 0 : i32
          %dma_wait3A_701 = tpu.memref_slice %arg4[%dma_wait3A_699, %dma_wait3A_700] : memref<200x64xf32, #tpu.memory_space<hbm>> -> memref<8x64xf32, #tpu.memory_space<hbm>>
          %dma_wait3A_702 = arith.constant 0 : i32
          %dma_wait3A_703 = arith.constant 0 : i32
          %dma_wait3A_704 = tpu.memref_slice %arg9[%dma_wait3A_702, %dma_wait3A_703] : memref<16x64xf32, #tpu.memory_space<vmem>> -> memref<8x64xf32, #tpu.memory_space<vmem>>
          tpu.wait_dma2 semaphore(%run_scoped3A : memref<!tpu.dma_semaphore, #tpu.memory_space<semaphore_mem>>) src(%dma_wait3A_704 : memref<8x64xf32, #tpu.memory_space<vmem>>) dst(%dma_wait3A_701 : memref<8x64xf32, #tpu.memory_space<hbm>>)
          tpu.yield
        }) : () -> ()
      } else {
      }
      %eq3A_669 = arith.constant 1 : i32
      %eq3A_670 = arith.cmpi eq, %arg0, %eq3A_669 : i32
      %not3A_671 = arith.constant true
      %not3A_672 = arith.xori %eq3A_656, %not3A_671 : i1
      %and3A_673 = arith.andi %eq3A_670, %not3A_672 : i1
      %convert_element_type3A_674 = arith.extui %and3A_673 : i1 to i32
      %cond3A_675 = arith.constant 0 : i32
      %cond3A_676 = arith.cmpi ne, %convert_element_type3A_674, %cond3A_675 : i32
      scf.if %cond3A_676 {
        %mul3A_683 = arith.constant 16 : i32
        %mul3A_684 = arith.muli %arg1, %mul3A_683 : i32
        "tpu.region"() ({
          %run_scoped3A = tpu.sem_alloc : memref<!tpu.dma_semaphore, #tpu.memory_space<semaphore_mem>>
          %dma_start3A = arith.constant 0 : i32
          %dma_start3A_685 = tpu.memref_slice %arg5[%mul3A_684, %dma_start3A] : memref<200x64xf32, #tpu.memory_space<hbm>> -> memref<16x64xf32, #tpu.memory_space<hbm>>
          %dma_start3A_686 = arith.constant 0 : i32
          %dma_start3A_687 = tpu.memref_slice %arg5[%mul3A_684, %dma_start3A_686] : memref<200x64xf32, #tpu.memory_space<hbm>> -> memref<16x64xf32, #tpu.memory_space<hbm>>
          tpu.enqueue_dma source(%arg9 : memref<16x64xf32, #tpu.memory_space<vmem>>) target(%dma_start3A_687 : memref<16x64xf32, #tpu.memory_space<hbm>>) target_semaphore(%run_scoped3A : memref<!tpu.dma_semaphore, #tpu.memory_space<semaphore_mem>>)
          %dma_wait3A = arith.constant 0 : i32
          %dma_wait3A_688 = tpu.memref_slice %arg5[%mul3A_684, %dma_wait3A] : memref<200x64xf32, #tpu.memory_space<hbm>> -> memref<16x64xf32, #tpu.memory_space<hbm>>
          %dma_wait3A_689 = arith.constant 0 : i32
          %dma_wait3A_690 = tpu.memref_slice %arg5[%mul3A_684, %dma_wait3A_689] : memref<200x64xf32, #tpu.memory_space<hbm>> -> memref<16x64xf32, #tpu.memory_space<hbm>>
          tpu.wait_dma2 semaphore(%run_scoped3A : memref<!tpu.dma_semaphore, #tpu.memory_space<semaphore_mem>>) src(%arg9 : memref<16x64xf32, #tpu.memory_space<vmem>>) dst(%dma_wait3A_690 : memref<16x64xf32, #tpu.memory_space<hbm>>)
          tpu.yield
        }) : () -> ()
      } else {
      }
      %eq3A_677 = arith.constant 1 : i32
      %eq3A_678 = arith.cmpi eq, %arg0, %eq3A_677 : i32
      %and3A_679 = arith.andi %eq3A_678, %eq3A_656 : i1
      %convert_element_type3A_680 = arith.extui %and3A_679 : i1 to i32
      %cond3A_681 = arith.constant 0 : i32
      %cond3A_682 = arith.cmpi ne, %convert_element_type3A_680, %cond3A_681 : i32
      scf.if %cond3A_682 {
        "tpu.region"() ({
          %run_scoped3A = tpu.sem_alloc : memref<!tpu.dma_semaphore, #tpu.memory_space<semaphore_mem>>
          %dma_start3A = arith.constant 0 : i32
          %dma_start3A_683 = arith.constant 0 : i32
          %dma_start3A_684 = tpu.memref_slice %arg9[%dma_start3A, %dma_start3A_683] : memref<16x64xf32, #tpu.memory_space<vmem>> -> memref<8x64xf32, #tpu.memory_space<vmem>>
          %dma_start3A_685 = arith.constant 192 : i32
          %dma_start3A_686 = arith.constant 0 : i32
          %dma_start3A_687 = tpu.memref_slice %arg5[%dma_start3A_685, %dma_start3A_686] : memref<200x64xf32, #tpu.memory_space<hbm>> -> memref<8x64xf32, #tpu.memory_space<hbm>>
          %dma_start3A_688 = arith.constant 192 : i32
          %dma_start3A_689 = arith.constant 0 : i32
          %dma_start3A_690 = tpu.memref_slice %arg5[%dma_start3A_688, %dma_start3A_689] : memref<200x64xf32, #tpu.memory_space<hbm>> -> memref<8x64xf32, #tpu.memory_space<hbm>>
          %dma_start3A_691 = arith.constant 0 : i32
          %dma_start3A_692 = arith.constant 0 : i32
          %dma_start3A_693 = tpu.memref_slice %arg9[%dma_start3A_691, %dma_start3A_692] : memref<16x64xf32, #tpu.memory_space<vmem>> -> memref<8x64xf32, #tpu.memory_space<vmem>>
          tpu.enqueue_dma source(%dma_start3A_693 : memref<8x64xf32, #tpu.memory_space<vmem>>) target(%dma_start3A_690 : memref<8x64xf32, #tpu.memory_space<hbm>>) target_semaphore(%run_scoped3A : memref<!tpu.dma_semaphore, #tpu.memory_space<semaphore_mem>>)
          %dma_wait3A = arith.constant 0 : i32
          %dma_wait3A_694 = arith.constant 0 : i32
          %dma_wait3A_695 = tpu.memref_slice %arg9[%dma_wait3A, %dma_wait3A_694] : memref<16x64xf32, #tpu.memory_space<vmem>> -> memref<8x64xf32, #tpu.memory_space<vmem>>
          %dma_wait3A_696 = arith.constant 192 : i32
          %dma_wait3A_697 = arith.constant 0 : i32
          %dma_wait3A_698 = tpu.memref_slice %arg5[%dma_wait3A_696, %dma_wait3A_697] : memref<200x64xf32, #tpu.memory_space<hbm>> -> memref<8x64xf32, #tpu.memory_space<hbm>>
          %dma_wait3A_699 = arith.constant 192 : i32
          %dma_wait3A_700 = arith.constant 0 : i32
          %dma_wait3A_701 = tpu.memref_slice %arg5[%dma_wait3A_699, %dma_wait3A_700] : memref<200x64xf32, #tpu.memory_space<hbm>> -> memref<8x64xf32, #tpu.memory_space<hbm>>
          %dma_wait3A_702 = arith.constant 0 : i32
          %dma_wait3A_703 = arith.constant 0 : i32
          %dma_wait3A_704 = tpu.memref_slice %arg9[%dma_wait3A_702, %dma_wait3A_703] : memref<16x64xf32, #tpu.memory_space<vmem>> -> memref<8x64xf32, #tpu.memory_space<vmem>>
          tpu.wait_dma2 semaphore(%run_scoped3A : memref<!tpu.dma_semaphore, #tpu.memory_space<semaphore_mem>>) src(%dma_wait3A_704 : memref<8x64xf32, #tpu.memory_space<vmem>>) dst(%dma_wait3A_701 : memref<8x64xf32, #tpu.memory_space<hbm>>)
          tpu.yield
        }) : () -> ()
      } else {
      }
    } else {
    }
    return
  }
}

</mosaic_0001>

<sc_bundles>
// kernel: _mc.3.cloned.1.call-start
scs
__scs_entry_jumppad:
0x0: {  	(pc) =	sbr.rel $0x88, $3  }
0x1: {  	(tag) =	ssettag $0x0;
	lr =	simm.s32 $0x1  }
0x2: {  	[smem:$0x3F9F] =	sst lr;
	_ =	strace $0xD0000000  }
0x3: {  	_ = 	snop  }
0x4: {  	_ = 	snop  }
0x5: {  	_ = 	snop  }
0x6: {  	_ = 	snop  }
0x7: {  	_ = 	snop  }
__scs_overlays_trampoline_lowered:
0x8: {  	[smem:$0x3FAE] =	sst s0  }
0x9: {  	[smem:$0x3FAF] =	sst s1  }
0xa: {  	[smem:$0x3FB0] =	sst s2  }
0xb: {  	[smem:$0x3FB1] =	sst s3  }
0xc: {  	[smem:$0x3FB2] =	sst s4  }
0xd: {  	[smem:$0x3FB3] =	sst s5  }
0xe: {  	[smem:$0x3FB4] =	sst s6  }
0xf: {  	[smem:$0x3FB5] =	sst s7  }
0x10: {  	[smem:$0x3FB6] =	sst s8  }
0x11: {  	[smem:$0x3FB7] =	sst s9;
	s0 =	simm.s32 @!p0 $0x0  }
0x12: {  	s1 =	sld [smem:$0x3F9D];
	s0 =	simm.s32 @p0 $0x1  }
0x13: {  	[smem:$0x3FB8] =	sst s0;
	s0 =	simm.s32 @!p1 $0x0  }
0x14: {  	s2 =	sld [smem:$0x3F9C];
	s0 =	simm.s32 @p1 $0x1  }
0x15: {  	[smem:$0x3FB9] =	sst s0;
	s0 =	simm.s32 @!p2 $0x0  }
0x16: {  	s3 =	sld [smem:$0x3FDB];
	s0 =	simm.s32 @p2 $0x1  }
0x17: {  	s4 =	simm.s32 $0x1BF5;
	[smem:$0x3FBB] =	sst s0  }
0x18: {  	s0 =	sld [smem:$0x3F9E];
	_ =	swait.ge [sflag:s4], $0x0  }
0x19: {  	s7 =	sld [smem:$0x3F9F]  }
0x1a: {  	s8 =	sadd.s32 $0xFFFFE003, lr  }
0x1b: {  	s9 =	sadd.s32 $0xFFFFFEF7, lr;
	s5 =	simm.s32 $0xFFFFFFFF;
	p2 =	slt.u32 s8, $0xFFFFF086  }
0x1c: {  	p1 =	slt.u32 s9, $0xF7A;
	s5 =	simm.s32 @!p2 $0x0  }
0x1d: {  	s5 =	simm.s32 @p1 $0x1;
	p0 =	seq.s32 s7, s2  }
0x1e: {  	s7 =	smul.u32 @!p0 $0xF7A, s2;
	p2 =	seq.s32 @!p0 s5, $0x0  }
0x1f: {  	s9 =	smul.u32 $0xF7A, s1;
	s8 =	simm.s32 @!p0 $0x1BF5;
	p2 =	por !p2, p0  }
0x20: {  	[sflag:s8] =	ssyncset.s32 @!p0 $0xFFFFF086;
	s6 =	sadd.s32 @!p0 s3, s7;
	s7 =	simm.s32 @!p0 $0x108  }
0x21: {  	s3 =	sadd.s32 s3, s9;
	s6 =	sadd.s32 @!p0 $0x88, s6;
	s7 =	simm.s32 @p2 $0x1082  }
0x22: {  	[simem:s7], [sflag:s8] =	dma.local @!p0 [hbm:s6], $0xF7A  }
0x23: {  	s9 =	sor.u32 $0xD0000000, s2;
	s6 =	simm.s32 $0x108;
	_ =	swait.ge @!p0 [sflag:s8], $0x0  }
0x24: {  	s3 =	sadd.s32 $0x88, s3;
	s6 =	simm.s32 @!p1 $0x1082;
	[sflag:s4] =	ssyncset.s32 $0xFFFFF086  }
0x25: {  	[simem:s6], [sflag:s4] =	dma.local [hbm:s3], $0xF7A  }
0x26: {  	[smem:$0x3F9F] =	sst s1;
	(tag) =	ssettag s2;
	_ =	strace s9  }
0x27: {  	s1 =	sld [smem:$0x3FAF]  }
0x28: {  	s2 =	sld [smem:$0x3FB0]  }
0x29: {  	s4 =	sld [smem:$0x3FB2]  }
0x2a: {  	p0 =	seq.s32 s5, $0x0;
	s5 =	sld [smem:$0x3FB3]  }
0x2b: {  	s6 =	sld [smem:$0x3FB4]  }
0x2c: {  	s7 =	sld [smem:$0x3FB5]  }
0x2d: {  	s3 =	simm.s32 $0x108;
	s8 =	sld [smem:$0x3FB6]  }
0x2e: {  	s3 =	simm.s32 @!p0 $0x1082;
	s9 =	sld [smem:$0x3FB7]  }
0x2f: {  	lr =	sadd.s32 s0, s3;
	s0 =	sld [smem:$0x3FAE]  }
0x30: {  	s3 =	sld [smem:$0x3FB1]  }
0x31: {  	[smem:$0x3FBA] =	sst s10  }
0x32: {  	s10 =	sld [smem:$0x3FB8];
	_ =	sdelay $0x3  }
0x33: {  	p0 =	seq.s32 s10, $0x1;
	s10 =	sld [smem:$0x3FBA];
	_ =	sdelay $0x3  }
0x34: {  	[smem:$0x3FBA] =	sst s10  }
0x35: {  	s10 =	sld [smem:$0x3FB9];
	_ =	sdelay $0x3  }
0x36: {  	p1 =	seq.s32 s10, $0x1;
	s10 =	sld [smem:$0x3FBA];
	_ =	sdelay $0x3  }
0x37: {  	[smem:$0x3FBA] =	sst s10  }
0x38: {  	s10 =	sld [smem:$0x3FBB]  }
0x39: {  	_ = 	snop;
	(pc) =	sbr.ind lr, $3  }
0x3a: {  	_ = 	snop  }
0x3b: {  	_ = 	snop  }
0x3c: {  	p2 =	seq.s32 s10, $0x1;
	s10 =	sld [smem:$0x3FBA]  }
0x3d: {  	_ =	shalt  }
0x3e: {  	_ =	shalt  }
0x3f: {  	_ =	shalt  }
0x40: {  	_ =	shalt  }
0x41: {  	_ =	shalt  }
0x42: {  	_ =	shalt  }
0x43: {  	_ =	shalt  }
0x44: {  	_ =	shalt  }
0x45: {  	_ =	shalt  }
0x46: {  	_ =	shalt  }
0x47: {  	_ =	shalt  }
0x48: {  	_ =	shalt  }
0x49: {  	_ =	shalt  }
0x4a: {  	_ =	shalt  }
0x4b: {  	_ =	shalt  }
0x4c: {  	_ =	shalt  }
0x4d: {  	_ =	shalt  }
0x4e: {  	_ =	shalt  }
0x4f: {  	_ =	shalt  }
0x50: {  	_ =	shalt  }
0x51: {  	_ =	shalt  }
0x52: {  	_ =	shalt  }
0x53: {  	_ =	shalt  }
0x54: {  	_ =	shalt  }
0x55: {  	_ =	shalt  }
0x56: {  	_ =	shalt  }
0x57: {  	_ =	shalt  }
0x58: {  	_ =	shalt  }
0x59: {  	_ =	shalt  }
0x5a: {  	_ =	shalt  }
0x5b: {  	_ =	shalt  }
0x5c: {  	_ =	shalt  }
0x5d: {  	_ =	shalt  }
0x5e: {  	_ =	shalt  }
0x5f: {  	_ =	shalt  }
0x60: {  	_ =	shalt  }
0x61: {  	_ =	shalt  }
0x62: {  	_ =	shalt  }
0x63: {  	_ =	shalt  }
0x64: {  	_ =	shalt  }
0x65: {  	_ =	shalt  }
0x66: {  	_ =	shalt  }
0x67: {  	_ =	shalt  }
0x68: {  	_ =	shalt  }
0x69: {  	_ =	shalt  }
0x6a: {  	_ =	shalt  }
0x6b: {  	_ =	shalt  }
0x6c: {  	_ =	shalt  }
0x6d: {  	_ =	shalt  }
0x6e: {  	_ =	shalt  }
0x6f: {  	_ =	shalt  }
0x70: {  	_ =	shalt  }
0x71: {  	_ =	shalt  }
0x72: {  	_ =	shalt  }
0x73: {  	_ =	shalt  }
0x74: {  	_ =	shalt  }
0x75: {  	_ =	shalt  }
0x76: {  	_ =	shalt  }
0x77: {  	_ =	shalt  }
0x78: {  	_ =	shalt  }
0x79: {  	_ =	shalt  }
0x7a: {  	_ =	shalt  }
0x7b: {  	_ =	shalt  }
0x7c: {  	_ =	shalt  }
0x7d: {  	_ =	shalt  }
0x7e: {  	_ =	shalt  }
0x7f: {  	_ =	shalt  }
0x80: {  	_ =	shalt  }
0x81: {  	_ =	shalt  }
0x82: {  	_ =	shalt  }
0x83: {  	_ =	shalt  }
0x84: {  	_ =	shalt  }
0x85: {  	_ =	shalt  }
0x86: {  	_ =	shalt  }
0x87: {  	_ =	shalt  }
.Lfunc_end0:
.L_simem_size_0:
called_computation_lowered:
.L_overlay_start_0:
0x88: {  	s2 =	sld [smem:$0x3FD9]  }
0x89: {  	s3 =	sld [smem:$0x3FFE];
	_ =	sdelay $0x1  }
0x8a: {  	s1 =	srdreg.scid  }
0x8b: {  	s0 =	sand.u32 $0x1, s1  }
0x8c: {  	s17 =	sshll.u32 s0, $0xA;
	s2 =	sadd.s32 s3, s2  }
0x8d: {  	s2 =	sadd.s32 s2, s17  }
0x8e: {  	[smem:$0x3FC6] =	sst s2  }
0x8f: {  	_ = 	snop  }
0x90: {  	s2 =	sld [smem:$0x3FC9]  }
0x91: {  	s18 =	sld [smem:$0x3FC8];
	(tm) =	ssettm $0x1  }
0x92: {  	s4 =	sld [smem:$0x3FFB];
	_ =	sdelay $0x3  }
0x93: {  	_ =	strace s4  }
0x94: {  	s4 =	sld [smem:$0x3FFC];
	_ =	sdelay $0x3  }
0x95: {  	_ =	strace s4  }
0x96: {  	s4 =	sld [smem:$0x3FFD];
	_ =	sdelay $0x3  }
0x97: {  	_ =	strace s4  }
0x98: {  	_ =	strace $0x8FFFFFFF  }
0x99: {  	s19 =	sld [smem:$0x3FDB];
	_ =	sdelay $0x1  }
0x9a: {  	s5 =	simm.s32 $_scs_section_size  }
0x9b: {  	s6 =	simm.s32 $_size__tile_overlayer_lowered;
	s7 =	simm.s32 $_tile_overlayer_lowered  }
0x9c: {  	s22 =	simm.s32 $0x1BFF;
	s21 =	sshll.u32 s7, $0x1;
	s4 =	sadd.s32 s5, s19  }
0x9d: {  	s8 =	simm.s32 $0x0;
	s20 =	sshll.u32 s6, $0x1;
	s6 =	sadd.s32 s21, s4  }
0x9e: {  	[timem:s8], [sflag:s22] =	dma.local [hbm:s6], s20  }
0x9f: {  	_ =	swait.ge [sflag:s22], s20  }
0xa0: {  	s5 =	ssub.s32 $0x0, s20;
	[sflag:s22] =	ssyncset.done $0x0  }
0xa1: {  	[sflag:s22] =	ssyncadd.s32 s5;
	_ =	sdelay $0x1  }
0xa2: {  	s23 =	simm.s32 $0x1B8B  }
0xa3: {  	_ =	swait.ge [sflag:s23], $0x1  }
0xa4: {  	[sflag:s23] =	ssyncset.done $0x0  }
0xa5: {  	s25 =	simm.s32 $0x1B8E;
	s24 =	sld [smem:$0x3FFE];
	[sflag:s23] =	ssyncadd.s32 $0xFFFFFFFF  }
0xa6: {  	s26 =	simm.s32 $execute0_lowered;
	[smem:$0x3FD2] =	sst s25  }
0xa7: {  	s6 =	sshll.u32 s26, $0x1;
	_ =	strace $0x80000046;
	[dreg:$0x1] =	wrdreg $0xFFFFFFFF  }
0xa8: {  	s28 =	simm.s32 $_size_execute0_lowered;
	s4 =	sadd.s32 s4, s6;
	[dreg:$0x0] =	wrdreg $0x0  }
0xa9: {  	s6 =	sshll.u32 s28, $0x1;
	[dreg:$0x2] =	wrdreg s4  }
0xaa: {  	[dreg:$0x3] =	wrdreg s6  }
0xab: {  	[dreg:$0x4] =	wrdreg $0xC0  }
0xac: {  	_ =	task [dreg:s8], $0x5FFFF  }
0xad: {  	[dreg:$0x1] =	wrdreg $0xFFFFFFFF  }
0xae: {  	[dreg:$0x0] =	wrdreg $0x60  }
0xaf: {  	[dreg:$0x2] =	wrdreg s2  }
0xb0: {  	[dreg:$0x3] =	wrdreg s18  }
0xb1: {  	[dreg:$0x4] =	wrdreg s24  }
0xb2: {  	[dreg:$0x5] =	wrdreg $0x119000  }
0xb3: {  	[dreg:$0x6] =	wrdreg $0x9  }
0xb4: {  	_ =	task.clear_ibuf [dreg:s8], $0x7FFFF;
	_ =	strace $0x90000046  }
0xb5: {  	s29 =	simm.s32 $0x9;
	_ =	strace $0x80000048  }
0xb6: {  	_ =	swait.ge [sflag:s29], $0x1  }
0xb7: {  	[sflag:s29] =	ssyncadd.s32 $0xFFFFFFFF  }
0xb8: {  	_ =	strace $0x90000048  }
0xb9: {  	_ =	sfence  }
0xba: {  	s30 =	sld [smem:$0x0];
	_ =	sdelay $0x2  }
0xbb: {  	s31 =	sshll.u32 s1, $0xD;
	s1 =	sshrl.u32 s1, $0x2  }
0xbc: {  	s3 =	sand.u32 $0x4000, s31;
	s1 =	sadd.s32 s1, s30  }
0xbd: {  	s0 =	sor.u32 s3, s0;
	s1 =	sshll.u32 s1, $0x11  }
0xbe: {  	s0 =	sor.u32 s1, s0  }
0xbf: {  	s0 =	sadd.s32 $0x8F2B, s0  }
0xc0: {  	[sflag:s0] =	ssyncadd.remote.s32 $0x1  }
0xc1: {  	_ =	sfence.sel $0xFFFF  }
0xc2: {  	[dreg:$0x0] =	wrdreg $0xFFFFFFFF;
	(pc) =	sbr.abs _section_cstart, $3  }
0xc3: {  	[dreg:$0x1] =	wrdreg $0xFFFFFFFF  }
0xc4: {  	_ =	task.clear_ibuf [dreg:s8], $0x2FFFF;
	_ =	strace $0x9FFFFFFF  }
0xc5: {  	(tm) =	ssettm $0x7FFFFFFF  }
tec
execute0_lowered:
.L_overlay_start_1:
0x0: {  	(tag) =	ssettag $0x1  }
0x1: {  	s0 =	rddreg [dreg:$0x0]  }
0x2: {  	s1 =	rddreg [dreg:$0x1]  }
0x3: {  	s3 =	rddreg [dreg:$0x2]  }
0x4: {  	s7 =	rddreg [dreg:$0x3]  }
0x5: {  	s4 =	srdreg.scid;
	s5 =	simm.s32 $0x0;
	s2 =	stileid.u32  }
0x6: {  	s14 =	simm.s32 $0x400;
	s15 =	simm.s32 $0xC3800;
	s16 =	simm.s32 $0x80  }
0x7: {  	s28 =	simm.s32 $0xB080;
	s29 =	simm.s32 $0xC080;
	s30 =	simm.s32 $0xD080  }
0x8: {  	s31 =	simm.s32 $0xE080;
	s17 =	simm.s32 $0x11080;
	s18 =	simm.s32 $0x3  }
0x9: {  	s19 =	simm.s32 $0x11100;
	s9 =	sand.u32 $0x1, s4;
	[smem:$0x7FF] =	sst s5  }
0xa: {  	s20 =	sshll.u32 s2, $0x8;
	p0 =	seq.s32 s2, $0xC;
	s23 =	sshll.u32 s2, $0x1  }
0xb: {  	s5 =	sadd.s32 $0x18, s0;
	s25 =	sshll.u32 s2, $0x7;
	p2 =	sne.s32 s2, $0xC  }
0xc: {  	s26 =	sadd.s32 $0x1400, s3;
	s11 =	sadd.s32 $0x2200, s3;
	p1 =	seq.s32 s9, $0x0  }
0xd: {  	s21 =	ssub.s32 $0x2, s9;
	_ =	strace $0x80000047;
	p3 =	por !p1, !p2  }
0xe: {  	s12 =	sadd.s32 s20, s3;
	s4 =	sadd.s32 s0, s23;
	p3 =	por !p3, !p3  }
0xf: {  	p5 =	seq.s32 s9, $0x1;
	p4 =	por !p1, !p0;
	s0 =	simm.s32 @!p3 $0x0  }
0x10: {  	p2 =	por !p2, !p5;
	s0 =	simm.s32 @p3 $0x1;
	p3 =	por !p4, !p4  }
0x11: {  	p6 =	por !p0, !p5;
	[smem:$0x7F2] =	sst s0;
	s0 =	simm.s32 @!p3 $0x0  }
0x12: {  	p4 =	por !p2, !p2;
	s0 =	simm.s32 @p3 $0x1;
	p3 =	sgt.u32 s2, $0xC  }
0x13: {  	p2 =	por !p6, !p6;
	[smem:$0x7F3] =	sst s0;
	s0 =	simm.s32 @!p3 $0x0  }
0x14: {  	p6 =	por !p2, p4;
	p2 =	sgt.u32 s2, $0xA;
	s0 =	simm.s32 @p3 $0x1  }
0x15: {  	s24 =	sshll.u32 s9, $0xB;
	[smem:$0x7F4] =	sst s0;
	s0 =	simm.s32 @!p2 $0x0  }
0x16: {  	[dreg:$0x5] =	wrdreg s26;
	s0 =	simm.s32 @p2 $0x1;
	p2 =	sgt.u32 s2, $0x9  }
0x17: {  	s6 =	smul.u32 $0x30E000, s9;
	[smem:$0x7F5] =	sst s0;
	s0 =	simm.s32 @!p2 $0x0  }
0x18: {  	s23 =	simm.s32 $0x7080;
	s0 =	simm.s32 @p2 $0x1;
	p2 =	sgt.u32 s2, $0x8  }
0x19: {  	s26 =	simm.s32 $0xA080;
	[smem:$0x7F6] =	sst s0;
	s0 =	simm.s32 @!p2 $0x0  }
0x1a: {  	v0 =	vlaneseq.u32;
	s9 =	simm.s32 $0x1;
	s0 =	simm.s32 @p2 $0x1;
	p2 =	sgt.u32 s2, $0x7  }
0x1b: {  	v0 =	vmul.u32 $0x80, v0;
	s3 =	simm.s32 $0x2;
	[smem:$0x7F7] =	sst s0;
	s0 =	simm.s32 @!p2 $0x0  }
0x1c: {  	s22 =	sshrl.u32 s21, $0x1;
	s0 =	simm.s32 @p2 $0x1;
	p2 =	sgt.u32 s2, $0x6  }
0x1d: {  	s7 =	sadd.s32 s24, s7;
	v1 =	vor.u32 $0x800, v0;
	[smem:$0x7F8] =	sst s0;
	s0 =	simm.s32 @!p2 $0x0  }
0x1e: {  	s10 =	sadd.s32 $0x800, s12;
	v2 =	vor.u32 $0x1000, v0;
	v3 =	vor.u32 $0x1800, v0;
	v4 =	vor.u32 $0x2000, v0;
	s0 =	simm.s32 @p2 $0x1;
	p2 =	sgt.u32 s2, $0x5  }
0x1f: {  	s12 =	sadd.s32 $0x1600, s12;
	v5 =	vor.u32 $0x2800, v0;
	v6 =	vor.u32 $0x3000, v0;
	v7 =	vor.u32 $0x3800, v0;
	[smem:$0x7F9] =	sst s0;
	s0 =	simm.s32 @!p2 $0x0  }
0x20: {  	s24 =	simm.s32 $0x8080;
	v8 =	vor.u32 $0x4000, v0;
	v9 =	vor.u32 $0x4800, v0;
	v10 =	vor.u32 $0x5000, v0;
	s0 =	simm.s32 @p2 $0x1;
	p2 =	sgt.u32 s2, $0x4  }
0x21: {  	v11 =	vor.u32 $0x5800, v0;
	v12 =	vor.u32 $0x6000, v0;
	v13 =	vor.u32 $0x6800, v0;
	s13 =	ssub.s32 s21, s22;
	[smem:$0x7FA] =	sst s0;
	s0 =	simm.s32 @!p2 $0x0  }
0x22: {  	v14 =	vor.u32 $0x7000, v0;
	v15 =	vor.u32 $0x7800, v0;
	v16 =	vor.u32 $0x8000, v0;
	s8 =	sadd.s32 s25, s7;
	s0 =	simm.s32 @p2 $0x1;
	p2 =	sgt.u32 s2, $0x3  }
.Ltmp0:
0x23: {  	v17 =	vor.u32 $0x8800, v0;
	v18 =	vor.u32 $0x9000, v0;
	v19 =	vor.u32 $0x9800, v0;
	[smem:$0x7FB] =	sst s0;
	s0 =	simm.s32 @!p2 $0x0;
	(pc) =	sbr.rel .LBB2_1-.Ltmp0, $4  }
0x24: {  	v20 =	vor.u32 $0xA000, v0;
	v21 =	vor.u32 $0xA800, v0;
	v22 =	vor.u32 $0xB000, v0;
	s22 =	simm.s32 $0x6080;
	s0 =	simm.s32 @p2 $0x1;
	p2 =	sgt.u32 s2, $0x2  }
0x25: {  	v23 =	vor.u32 $0xB800, v0;
	v24 =	vor.u32 $0xC000, v0;
	v25 =	vor.u32 $0xC800, v0;
	s25 =	simm.s32 $0x9080;
	[smem:$0x7FC] =	sst s0;
	s0 =	simm.s32 @!p2 $0x0  }
0x26: {  	v26 =	vor.u32 $0xD000, v0;
	v27 =	vor.u32 $0xD800, v0;
	v28 =	vor.u32 $0xE000, v0;
	s13 =	smax.u32 s13, $0x1;
	p3 =	sgt.u32 s2, $0x1;
	s0 =	simm.s32 @p2 $0x1  }
0x27: {  	v29 =	vor.u32 $0xE800, v0;
	v30 =	vor.u32 $0xF000, v0;
	v31 =	vor.u32 $0xF800, v0;
	p2 =	seq.s32 s2, $0x0;
	[smem:$0x7FD] =	sst s0;
	s0 =	simm.s32 $0xF080  }
.LBB2_7:
0x28: {  	[bflag:$0x0] =	sbarrier.arrive $0xFFFF  }
.LBB2_8:
0x29: {  	s13 =	sadd.s32 $0xFFFFFFFF, s13  }
0x2a: {  	p5 =	sne.s32 s13, $0x0  }
.Ltmp1:
0x2b: {  	_ = 	snop;
	(pc) =	sbr.rel @!p5 .LBB2_9-.Ltmp1, $1  }
0x2c: {  	_ =	sdelay $0x3  }
.LBB2_1:
0x2d: {  	s20 =	sld [smem:$0x7F4];
	_ =	sdelay $0x2  }
0x2e: {  	p5 =	seq.s32 s20, $0x1  }
.Ltmp2:
0x2f: {  	_ = 	snop;
	(pc) =	sbr.rel @p5 .LBB2_7-.Ltmp2, $1  }
0x30: {  	_ =	sdelay $0x3  }
0x31: {  	s20 =	simm.s32 @p0 $0x0  }
0x32: {  	[tilespmem:s20], [sflag:$0x3] =	stream.linear.gather @p0 [hbm4b:s5+s20], $0x8, $0x38;
	[tilespmem:$0x11A00] =	vst v63  }
0x33: {  	s20 =	simm.s32 @p0 $0x3  }
0x34: {  	_ =	swait.ge @p0 [sflag:s20], $0x8  }
0x35: {  	[sflag:s20] =	ssyncset.done @p0 $0x0  }
0x36: {  	[sflag:s20] =	ssyncadd.s32 @p0 $0xFFFFFFF8;
	s20 =	simm.s32 @!p0 $0x0  }
0x37: {  	[tilespmem:s20], [sflag:$0x3] =	stream.linear.gather @!p0 [hbm4b:s4+s20], $0x10, $0x38;
	[tilespmem:$0x11A00] =	vst v63  }
0x38: {  	s20 =	simm.s32 @!p0 $0x3  }
0x39: {  	_ =	swait.ge @!p0 [sflag:s20], $0x10  }
0x3a: {  	[sflag:s20] =	ssyncset.done @!p0 $0x0  }
0x3b: {  	[sflag:s20] =	ssyncadd.s32 @!p0 $0xFFFFFFF0  }
0x3c: {  	v32 =	vld [tilespmem:$0x0];
	_ =	sdelay $0x4  }
0x3d: {  	vm0 =	vgt.s32 v32, $0x0  }
0x3e: {  	v32 =	vnsel vm0, $0x0, v32  }
0x3f: {  	v32 =	vmin.u32 v32, $0x1869F  }
0x40: {  	v33 =	vshll.u32 v32, $0x3  }
0x41: {  	(v2sf) =	vpush v33, $0x0;
	_ =	sdelay $0x3  }
0x42: {  	(v2sf) =	vpush v33, $0x1;
	_ =	sdelay $0x6  }
0x43: {  	(v2sf) =	vpush v33, $0x2;
	_ =	sdelay $0x3  }
0x44: {  	s21 =	spop (v2sf)  }
0x45: {  	s20 =	sand.u32 $0xFFC00, s21  }
0x46: {  	(v2sf) =	vpush v33, $0x3;
	s20 =	sadd.s32 s6, s20  }
0x47: {  	s20 =	sshrl.u32 s20, $0x3  }
0x48: {  	s21 =	spop (v2sf);
	s20 =	sadd.s32 s1, s20  }
0x49: {  	[tilespmem:s16], [sflag:$0x1] =	stream.strided.gather [hbm4b:s20+s14], $0x1000, s15, s14, $0x38;
	[tilespmem:$0x11A00] =	vst v63  }
0x4a: {  	s20 =	sand.u32 $0xFFC00, s21  }
0x4b: {  	s20 =	sadd.s32 s6, s20  }
0x4c: {  	(v2sf) =	vpush v33, $0x4;
	s20 =	sshrl.u32 s20, $0x3  }
0x4d: {  	s21 =	simm.s32 $0x1080;
	s20 =	sadd.s32 s1, s20  }
0x4e: {  	[tilespmem:s21], [sflag:$0x1] =	stream.strided.gather [hbm4b:s20+s14], $0x1000, s15, s14, $0x38;
	[tilespmem:$0x11A00] =	vst v63  }
0x4f: {  	s21 =	spop (v2sf)  }
0x50: {  	s20 =	sand.u32 $0xFFC00, s21  }
0x51: {  	s20 =	sadd.s32 s6, s20  }
0x52: {  	(v2sf) =	vpush v33, $0x5;
	s20 =	sshrl.u32 s20, $0x3  }
0x53: {  	s21 =	simm.s32 $0x2080;
	s20 =	sadd.s32 s1, s20  }
0x54: {  	[tilespmem:s21], [sflag:$0x1] =	stream.strided.gather [hbm4b:s20+s14], $0x1000, s15, s14, $0x38;
	[tilespmem:$0x11A00] =	vst v63  }
0x55: {  	s21 =	spop (v2sf)  }
0x56: {  	s20 =	sand.u32 $0xFFC00, s21  }
0x57: {  	s20 =	sadd.s32 s6, s20  }
0x58: {  	(v2sf) =	vpush v33, $0x6;
	s20 =	sshrl.u32 s20, $0x3  }
0x59: {  	s21 =	simm.s32 $0x3080;
	s20 =	sadd.s32 s1, s20  }
0x5a: {  	[tilespmem:s21], [sflag:$0x1] =	stream.strided.gather [hbm4b:s20+s14], $0x1000, s15, s14, $0x38;
	[tilespmem:$0x11A00] =	vst v63  }
0x5b: {  	s21 =	spop (v2sf)  }
0x5c: {  	s20 =	sand.u32 $0xFFC00, s21  }
0x5d: {  	s20 =	sadd.s32 s6, s20  }
0x5e: {  	(v2sf) =	vpush v33, $0x7;
	s20 =	sshrl.u32 s20, $0x3  }
0x5f: {  	s21 =	simm.s32 $0x4080;
	s20 =	sadd.s32 s1, s20  }
0x60: {  	[tilespmem:s21], [sflag:$0x1] =	stream.strided.gather [hbm4b:s20+s14], $0x1000, s15, s14, $0x38;
	[tilespmem:$0x11A00] =	vst v63  }
0x61: {  	s21 =	spop (v2sf)  }
0x62: {  	s20 =	sand.u32 $0xFFC00, s21  }
0x63: {  	s20 =	sadd.s32 s6, s20  }
0x64: {  	(v2sf) =	vpush v33, $0x8;
	s20 =	sshrl.u32 s20, $0x3  }
0x65: {  	s21 =	simm.s32 $0x5080;
	s20 =	sadd.s32 s1, s20  }
0x66: {  	[tilespmem:s21], [sflag:$0x1] =	stream.strided.gather [hbm4b:s20+s14], $0x1000, s15, s14, $0x38;
	[tilespmem:$0x11A00] =	vst v63  }
0x67: {  	s21 =	spop (v2sf)  }
0x68: {  	s20 =	sand.u32 $0xFFC00, s21  }
0x69: {  	s20 =	sadd.s32 s6, s20  }
0x6a: {  	(v2sf) =	vpush v33, $0x9;
	s20 =	sshrl.u32 s20, $0x3  }
0x6b: {  	s20 =	sadd.s32 s1, s20  }
0x6c: {  	[tilespmem:s22], [sflag:$0x1] =	stream.strided.gather [hbm4b:s20+s14], $0x1000, s15, s14, $0x38;
	[tilespmem:$0x11A00] =	vst v63  }
0x6d: {  	s21 =	spop (v2sf)  }
0x6e: {  	s20 =	sand.u32 $0xFFC00, s21  }
0x6f: {  	s20 =	sadd.s32 s6, s20  }
0x70: {  	(v2sf) =	vpush v33, $0xA;
	s20 =	sshrl.u32 s20, $0x3  }
0x71: {  	s20 =	sadd.s32 s1, s20  }
0x72: {  	[tilespmem:s23], [sflag:$0x1] =	stream.strided.gather [hbm4b:s20+s14], $0x1000, s15, s14, $0x38;
	[tilespmem:$0x11A00] =	vst v63  }
0x73: {  	s21 =	spop (v2sf)  }
0x74: {  	s20 =	sand.u32 $0xFFC00, s21  }
0x75: {  	s20 =	sadd.s32 s6, s20  }
0x76: {  	(v2sf) =	vpush v33, $0xB;
	s20 =	sshrl.u32 s20, $0x3  }
0x77: {  	s20 =	sadd.s32 s1, s20  }
0x78: {  	[tilespmem:s24], [sflag:$0x2] =	stream.strided.gather [hbm4b:s20+s14], $0x1000, s15, s14, $0x38;
	[tilespmem:$0x11A00] =	vst v63  }
0x79: {  	s21 =	spop (v2sf)  }
0x7a: {  	s20 =	sand.u32 $0xFFC00, s21  }
0x7b: {  	s20 =	sadd.s32 s6, s20  }
0x7c: {  	(v2sf) =	vpush v33, $0xC;
	s20 =	sshrl.u32 s20, $0x3  }
0x7d: {  	s20 =	sadd.s32 s1, s20  }
0x7e: {  	[tilespmem:s25], [sflag:$0x2] =	stream.strided.gather [hbm4b:s20+s14], $0x1000, s15, s14, $0x38;
	[tilespmem:$0x11A00] =	vst v63  }
0x7f: {  	s21 =	spop (v2sf)  }
0x80: {  	s20 =	sand.u32 $0xFFC00, s21  }
0x81: {  	s20 =	sadd.s32 s6, s20  }
0x82: {  	(v2sf) =	vpush v33, $0xD;
	s20 =	sshrl.u32 s20, $0x3  }
0x83: {  	s20 =	sadd.s32 s1, s20  }
0x84: {  	[tilespmem:s26], [sflag:$0x2] =	stream.strided.gather [hbm4b:s20+s14], $0x1000, s15, s14, $0x38;
	[tilespmem:$0x11A00] =	vst v63  }
0x85: {  	s21 =	spop (v2sf)  }
0x86: {  	s20 =	sand.u32 $0xFFC00, s21  }
0x87: {  	s20 =	sadd.s32 s6, s20  }
0x88: {  	(v2sf) =	vpush v33, $0xE;
	s20 =	sshrl.u32 s20, $0x3  }
0x89: {  	s20 =	sadd.s32 s1, s20  }
0x8a: {  	[tilespmem:s28], [sflag:$0x2] =	stream.strided.gather [hbm4b:s20+s14], $0x1000, s15, s14, $0x38;
	[tilespmem:$0x11A00] =	vst v63  }
0x8b: {  	s21 =	spop (v2sf)  }
0x8c: {  	s20 =	sand.u32 $0xFFC00, s21  }
0x8d: {  	s20 =	sadd.s32 s6, s20  }
0x8e: {  	(v2sf) =	vpush v33, $0xF;
	s20 =	sshrl.u32 s20, $0x3  }
0x8f: {  	s20 =	sadd.s32 s1, s20  }
0x90: {  	[tilespmem:s29], [sflag:$0x2] =	stream.strided.gather [hbm4b:s20+s14], $0x1000, s15, s14, $0x38;
	[tilespmem:$0x11A00] =	vst v63  }
0x91: {  	s21 =	spop (v2sf)  }
0x92: {  	s20 =	sand.u32 $0xFFC00, s21  }
0x93: {  	s20 =	sadd.s32 s6, s20  }
0x94: {  	s20 =	sshrl.u32 s20, $0x3  }
0x95: {  	s20 =	sadd.s32 s1, s20  }
0x96: {  	[tilespmem:s30], [sflag:$0x2] =	stream.strided.gather [hbm4b:s20+s14], $0x1000, s15, s14, $0x38;
	[tilespmem:$0x11A00] =	vst v63  }
0x97: {  	s21 =	spop (v2sf)  }
0x98: {  	s20 =	sand.u32 $0xFFC00, s21  }
0x99: {  	s20 =	sadd.s32 s6, s20  }
0x9a: {  	s20 =	sshrl.u32 s20, $0x3  }
0x9b: {  	s20 =	sadd.s32 s1, s20  }
0x9c: {  	[tilespmem:s31], [sflag:$0x2] =	stream.strided.gather [hbm4b:s20+s14], $0x1000, s15, s14, $0x38;
	[tilespmem:$0x11A00] =	vst v63  }
0x9d: {  	s21 =	spop (v2sf)  }
0x9e: {  	s20 =	sand.u32 $0xFFC00, s21  }
0x9f: {  	s20 =	sadd.s32 s6, s20  }
0xa0: {  	s20 =	sshrl.u32 s20, $0x3  }
0xa1: {  	s20 =	sadd.s32 s1, s20  }
0xa2: {  	[tilespmem:s0], [sflag:$0x2] =	stream.strided.gather [hbm4b:s20+s14], $0x1000, s15, s14, $0x38;
	[tilespmem:$0x11A00] =	vst v63  }
0xa3: {  	_ =	swait.ge [sflag:s9], $0x1000  }
0xa4: {  	[sflag:s9] =	ssyncset.done $0x0  }
0xa5: {  	[sflag:s9] =	ssyncadd.s32 $0xFFFFF000  }
0xa6: {  	_ =	swait.ge [sflag:s9], $0x1000  }
0xa7: {  	[sflag:s9] =	ssyncset.done $0x0  }
0xa8: {  	[sflag:s9] =	ssyncadd.s32 $0xFFFFF000  }
0xa9: {  	_ =	swait.ge [sflag:s9], $0x1000  }
0xaa: {  	[sflag:s9] =	ssyncset.done $0x0  }
0xab: {  	[sflag:s9] =	ssyncadd.s32 $0xFFFFF000  }
0xac: {  	_ =	swait.ge [sflag:s9], $0x1000  }
0xad: {  	[sflag:s9] =	ssyncset.done $0x0  }
0xae: {  	[sflag:s9] =	ssyncadd.s32 $0xFFFFF000  }
0xaf: {  	_ =	swait.ge [sflag:s9], $0x1000  }
0xb0: {  	[sflag:s9] =	ssyncset.done $0x0  }
0xb1: {  	[sflag:s9] =	ssyncadd.s32 $0xFFFFF000  }
0xb2: {  	_ =	swait.ge [sflag:s9], $0x1000  }
0xb3: {  	v32 =	vand.u32 $0x7F, v32;
	[sflag:s9] =	ssyncset.done $0x0  }
0xb4: {  	v56 =	vbroadcast v32, $0x0;
	[sflag:s9] =	ssyncadd.s32 $0xFFFFF000  }
0xb5: {  	_ =	swait.ge [sflag:s9], $0x1000  }
0xb6: {  	v34 =	vor.u32 v0, v56;
	[sflag:s9] =	ssyncset.done $0x0  }
0xb7: {  	v33 =	vor.u32 v1, v56;
	[sflag:s9] =	ssyncadd.s32 $0xFFFFF000  }
0xb8: {  	_ =	swait.ge [sflag:s9], $0x1000  }
0xb9: {  	[sflag:s9] =	ssyncset.done $0x0  }
0xba: {  	[sflag:s9] =	ssyncadd.s32 $0xFFFFF000  }
0xbb: {  	v34 =	vld.idx.msk [tilespmem:v34+s16+$0x0], $0xffff  }
0xbc: {  	v33 =	vld.idx.msk [tilespmem:v33+s16+$0x0], $0xffff  }
0xbd: {  	v35 =	vbroadcast v32, $0x1;
	_ =	sdelay $0x1  }
0xbe: {  	v36 =	vor.u32 v2, v35  }
0xbf: {  	v35 =	vor.u32 v3, v35;
	v34 =	vadd.f32 $0.0e+00, v34  }
0xc0: {  	v33 =	vadd.f32 $0.0e+00, v33  }
0xc1: {  	[tilespmem:$0x10080] =	vst v34  }
0xc2: {  	[tilespmem:$0x10090] =	vst v33  }
0xc3: {  	v36 =	vld.idx.msk [tilespmem:v36+s16+$0x0], $0xffff  }
0xc4: {  	v35 =	vld.idx.msk [tilespmem:v35+s16+$0x0], $0xffff  }
0xc5: {  	v37 =	vbroadcast v32, $0x2;
	_ =	sdelay $0x1  }
0xc6: {  	v38 =	vor.u32 v4, v37  }
0xc7: {  	v57 =	vor.u32 v5, v37;
	v34 =	vadd.f32 v36, v34  }
0xc8: {  	v33 =	vadd.f32 v35, v33  }
0xc9: {  	[tilespmem:$0x10100] =	vst v34  }
0xca: {  	[tilespmem:$0x10110] =	vst v33  }
0xcb: {  	v58 =	vld.idx.msk [tilespmem:v38+s16+$0x0], $0xffff  }
0xcc: {  	v36 =	vld.idx.msk [tilespmem:v57+s16+$0x0], $0xffff  }
0xcd: {  	v59 =	vbroadcast v32, $0x3;
	_ =	sdelay $0x1  }
0xce: {  	v60 =	vor.u32 v6, v59  }
0xcf: {  	v61 =	vor.u32 v7, v59;
	v34 =	vadd.f32 v58, v34  }
0xd0: {  	v33 =	vadd.f32 v36, v33  }
0xd1: {  	[tilespmem:$0x10180] =	vst v34  }
0xd2: {  	[tilespmem:$0x10190] =	vst v33  }
0xd3: {  	v62 =	vld.idx.msk [tilespmem:v60+s16+$0x0], $0xffff  }
0xd4: {  	v35 =	vld.idx.msk [tilespmem:v61+s16+$0x0], $0xffff  }
0xd5: {  	v63 =	vbroadcast v32, $0x4;
	_ =	sdelay $0x1  }
0xd6: {  	v40 =	vor.u32 v8, v63  }
0xd7: {  	v41 =	vor.u32 v9, v63;
	v34 =	vadd.f32 v62, v34  }
0xd8: {  	v33 =	vadd.f32 v35, v33  }
0xd9: {  	[tilespmem:$0x10200] =	vst v34  }
0xda: {  	[tilespmem:$0x10210] =	vst v33  }
0xdb: {  	v42 =	vld.idx.msk [tilespmem:v40+s16+$0x0], $0xffff  }
0xdc: {  	v36 =	vld.idx.msk [tilespmem:v41+s16+$0x0], $0xffff  }
0xdd: {  	v43 =	vbroadcast v32, $0x5;
	_ =	sdelay $0x1  }
0xde: {  	v44 =	vor.u32 v10, v43  }
0xdf: {  	v45 =	vor.u32 v11, v43;
	v34 =	vadd.f32 v42, v34  }
0xe0: {  	v33 =	vadd.f32 v36, v33  }
0xe1: {  	[tilespmem:$0x10280] =	vst v34  }
0xe2: {  	[tilespmem:$0x10290] =	vst v33  }
0xe3: {  	v46 =	vld.idx.msk [tilespmem:v44+s16+$0x0], $0xffff  }
0xe4: {  	v35 =	vld.idx.msk [tilespmem:v45+s16+$0x0], $0xffff  }
0xe5: {  	v47 =	vbroadcast v32, $0x6;
	_ =	sdelay $0x1  }
0xe6: {  	v48 =	vor.u32 v12, v47  }
0xe7: {  	v49 =	vor.u32 v13, v47;
	v34 =	vadd.f32 v46, v34  }
0xe8: {  	v33 =	vadd.f32 v35, v33  }
0xe9: {  	[tilespmem:$0x10300] =	vst v34  }
0xea: {  	[tilespmem:$0x10310] =	vst v33  }
0xeb: {  	v50 =	vld.idx.msk [tilespmem:v48+s16+$0x0], $0xffff  }
0xec: {  	v36 =	vld.idx.msk [tilespmem:v49+s16+$0x0], $0xffff  }
0xed: {  	v51 =	vbroadcast v32, $0x7;
	_ =	sdelay $0x1  }
0xee: {  	v52 =	vor.u32 v14, v51  }
0xef: {  	v53 =	vor.u32 v15, v51;
	v34 =	vadd.f32 v50, v34  }
0xf0: {  	v33 =	vadd.f32 v36, v33  }
0xf1: {  	[tilespmem:$0x10380] =	vst v34  }
0xf2: {  	[tilespmem:$0x10390] =	vst v33  }
0xf3: {  	v54 =	vld.idx.msk [tilespmem:v52+s16+$0x0], $0xffff  }
0xf4: {  	v35 =	vld.idx.msk [tilespmem:v53+s16+$0x0], $0xffff;
	_ =	sdelay $0x3  }
0xf5: {  	v34 =	vadd.f32 v54, v34  }
0xf6: {  	v33 =	vadd.f32 v35, v33  }
0xf7: {  	[tilespmem:$0x10400] =	vst v34  }
0xf8: {  	[tilespmem:$0x10410] =	vst v33  }
0xf9: {  	_ =	swait.ge [sflag:s3], $0x1000  }
0xfa: {  	[sflag:s3] =	ssyncset.done $0x0  }
0xfb: {  	[sflag:s3] =	ssyncadd.s32 $0xFFFFF000  }
0xfc: {  	_ =	swait.ge [sflag:s3], $0x1000  }
0xfd: {  	[sflag:s3] =	ssyncset.done $0x0  }
0xfe: {  	[sflag:s3] =	ssyncadd.s32 $0xFFFFF000  }
0xff: {  	_ =	swait.ge [sflag:s3], $0x1000  }
0x100: {  	[sflag:s3] =	ssyncset.done $0x0  }
0x101: {  	[sflag:s3] =	ssyncadd.s32 $0xFFFFF000  }
0x102: {  	_ =	swait.ge [sflag:s3], $0x1000  }
0x103: {  	[sflag:s3] =	ssyncset.done $0x0  }
0x104: {  	[sflag:s3] =	ssyncadd.s32 $0xFFFFF000  }
0x105: {  	_ =	swait.ge [sflag:s3], $0x1000  }
0x106: {  	[sflag:s3] =	ssyncset.done $0x0  }
0x107: {  	[sflag:s3] =	ssyncadd.s32 $0xFFFFF000  }
0x108: {  	_ =	swait.ge [sflag:s3], $0x1000  }
0x109: {  	[sflag:s3] =	ssyncset.done $0x0  }
0x10a: {  	v55 =	vbroadcast v32, $0x8;
	[sflag:s3] =	ssyncadd.s32 $0xFFFFF000  }
0x10b: {  	_ =	swait.ge [sflag:s3], $0x1000  }
0x10c: {  	v56 =	vor.u32 v16, v55;
	[sflag:s3] =	ssyncset.done $0x0  }
0x10d: {  	v35 =	vor.u32 v17, v55;
	[sflag:s3] =	ssyncadd.s32 $0xFFFFF000  }
0x10e: {  	_ =	swait.ge [sflag:s3], $0x1000  }
0x10f: {  	[sflag:s3] =	ssyncset.done $0x0  }
0x110: {  	[sflag:s3] =	ssyncadd.s32 $0xFFFFF000  }
0x111: {  	v36 =	vld.idx.msk [tilespmem:v56+s16+$0x0], $0xffff  }
0x112: {  	v35 =	vld.idx.msk [tilespmem:v35+s16+$0x0], $0xffff  }
0x113: {  	v57 =	vbroadcast v32, $0x9;
	_ =	sdelay $0x1  }
0x114: {  	v58 =	vor.u32 v18, v57  }
0x115: {  	v59 =	vor.u32 v19, v57;
	v34 =	vadd.f32 v36, v34  }
0x116: {  	v33 =	vadd.f32 v35, v33  }
0x117: {  	[tilespmem:$0x10480] =	vst v34  }
0x118: {  	[tilespmem:$0x10490] =	vst v33  }
0x119: {  	v60 =	vld.idx.msk [tilespmem:v58+s16+$0x0], $0xffff  }
0x11a: {  	v36 =	vld.idx.msk [tilespmem:v59+s16+$0x0], $0xffff  }
0x11b: {  	v61 =	vbroadcast v32, $0xA;
	_ =	sdelay $0x1  }
0x11c: {  	v62 =	vor.u32 v20, v61  }
0x11d: {  	v63 =	vor.u32 v21, v61;
	v34 =	vadd.f32 v60, v34  }
0x11e: {  	v33 =	vadd.f32 v36, v33  }
0x11f: {  	[tilespmem:$0x10500] =	vst v34  }
0x120: {  	[tilespmem:$0x10510] =	vst v33  }
0x121: {  	v40 =	vld.idx.msk [tilespmem:v62+s16+$0x0], $0xffff  }
0x122: {  	v35 =	vld.idx.msk [tilespmem:v63+s16+$0x0], $0xffff  }
0x123: {  	v41 =	vbroadcast v32, $0xB;
	_ =	sdelay $0x1  }
0x124: {  	v42 =	vor.u32 v22, v41  }
0x125: {  	v43 =	vor.u32 v23, v41;
	v34 =	vadd.f32 v40, v34  }
0x126: {  	v33 =	vadd.f32 v35, v33  }
0x127: {  	[tilespmem:$0x10580] =	vst v34  }
0x128: {  	[tilespmem:$0x10590] =	vst v33  }
0x129: {  	v44 =	vld.idx.msk [tilespmem:v42+s16+$0x0], $0xffff  }
0x12a: {  	v36 =	vld.idx.msk [tilespmem:v43+s16+$0x0], $0xffff  }
0x12b: {  	v45 =	vbroadcast v32, $0xC;
	_ =	sdelay $0x1  }
0x12c: {  	v46 =	vor.u32 v24, v45  }
0x12d: {  	v47 =	vor.u32 v25, v45;
	v34 =	vadd.f32 v44, v34  }
0x12e: {  	v33 =	vadd.f32 v36, v33  }
0x12f: {  	[tilespmem:$0x10600] =	vst v34  }
0x130: {  	[tilespmem:$0x10610] =	vst v33  }
0x131: {  	v48 =	vld.idx.msk [tilespmem:v46+s16+$0x0], $0xffff  }
0x132: {  	v35 =	vld.idx.msk [tilespmem:v47+s16+$0x0], $0xffff  }
0x133: {  	v49 =	vbroadcast v32, $0xD;
	_ =	sdelay $0x1  }
0x134: {  	v50 =	vor.u32 v26, v49  }
0x135: {  	v51 =	vor.u32 v27, v49;
	v34 =	vadd.f32 v48, v34  }
0x136: {  	v33 =	vadd.f32 v35, v33  }
0x137: {  	[tilespmem:$0x10680] =	vst v34  }
0x138: {  	[tilespmem:$0x10690] =	vst v33  }
0x139: {  	v52 =	vld.idx.msk [tilespmem:v50+s16+$0x0], $0xffff  }
0x13a: {  	v36 =	vld.idx.msk [tilespmem:v51+s16+$0x0], $0xffff  }
0x13b: {  	v53 =	vbroadcast v32, $0xE;
	_ =	sdelay $0x1  }
0x13c: {  	v54 =	vor.u32 v28, v53  }
0x13d: {  	v55 =	vor.u32 v29, v53;
	v34 =	vadd.f32 v52, v34  }
0x13e: {  	v33 =	vadd.f32 v36, v33  }
0x13f: {  	[tilespmem:$0x10700] =	vst v34  }
0x140: {  	[tilespmem:$0x10710] =	vst v33  }
0x141: {  	v56 =	vld.idx.msk [tilespmem:v54+s16+$0x0], $0xffff  }
0x142: {  	v35 =	vld.idx.msk [tilespmem:v55+s16+$0x0], $0xffff  }
0x143: {  	v32 =	vbroadcast v32, $0xF;
	_ =	sdelay $0x1  }
0x144: {  	v57 =	vor.u32 v30, v32  }
0x145: {  	v32 =	vor.u32 v31, v32;
	v34 =	vadd.f32 v56, v34  }
0x146: {  	v33 =	vadd.f32 v35, v33  }
0x147: {  	[tilespmem:$0x10780] =	vst v34  }
0x148: {  	[tilespmem:$0x10790] =	vst v33  }
0x149: {  	v58 =	vld.idx.msk [tilespmem:v57+s16+$0x0], $0xffff  }
0x14a: {  	v32 =	vld.idx.msk [tilespmem:v32+s16+$0x0], $0xffff;
	_ =	sdelay $0x3  }
0x14b: {  	v34 =	vadd.f32 v58, v34  }
0x14c: {  	v32 =	vadd.f32 v32, v33  }
0x14d: {  	[tilespmem:$0x10800] =	vst v34  }
0x14e: {  	[tilespmem:$0x10810] =	vst v32  }
0x14f: {  	[tilespmem:$0x11080] =	vst v34  }
0x150: {  	[tilespmem:$0x11090] =	vst v32  }
0x151: {  	[spmem:s8] =	stream.linear.scatter [tilespmem:s17], [sflag:$0x3], $0x20, $0x38;
	[tilespmem:$0x11A00] =	vst v63  }
0x152: {  	_ =	swait.ge [sflag:s18], $0x20  }
0x153: {  	[sflag:s18] =	ssyncset.done $0x0  }
0x154: {  	[sflag:s18] =	ssyncadd.s32 $0xFFFFFFE0  }
0x155: {  	[bflag:$0x0] =	sbarrier.arrive $0xFFFF  }
0x156: {  	[tilespmem:s19], [sflag:$0x3] =	stream.linear.gather [spmem:s7], $0x800, $0x38;
	[tilespmem:$0x11A00] =	vst v63  }
0x157: {  	_ =	swait.ge [sflag:s18], $0x800  }
0x158: {  	[sflag:s18] =	ssyncset.done $0x0  }
0x159: {  	[sflag:s18] =	ssyncadd.s32 $0xFFFFF800  }
0x15a: {  	v59 =	vld [tilespmem:$0x11100]  }
0x15b: {  	v60 =	vld [tilespmem:$0x11110]  }
0x15c: {  	s21 =	sld [smem:$0x7FD];
	v63 =	vld [tilespmem:$0x11200]  }
0x15d: {  	v42 =	vld [tilespmem:$0x11210]  }
0x15e: {  	v61 =	vld [tilespmem:$0x11180]  }
0x15f: {  	v43 =	vld [tilespmem:$0x11280];
	p5 =	seq.s32 s21, $0x1;
	s21 =	sld [smem:$0x7FC]  }
0x160: {  	v39 =	vld [tilespmem:$0x11290]  }
0x161: {  	v62 =	vld [tilespmem:$0x11190]  }
0x162: {  	v45 =	vld [tilespmem:$0x11300];
	v46 =	vpsel !p5, $0x0, v63;
	v48 =	vpsel !p5, $0x0, v42;
	p5 =	seq.s32 s21, $0x1;
	s21 =	sld [smem:$0x7FB]  }
0x163: {  	v47 =	vld [tilespmem:$0x11310]  }
0x164: {  	v32 =	vadd.f32 $0.0e+00, v59  }
0x165: {  	v49 =	vld [tilespmem:$0x11380];
	v33 =	vadd.f32 $0.0e+00, v60;
	v50 =	vpsel !p5, $0x0, v43;
	v52 =	vpsel !p5, $0x0, v39;
	p5 =	seq.s32 s21, $0x1;
	s21 =	sld [smem:$0x7FA]  }
0x166: {  	v51 =	vld [tilespmem:$0x11390];
	v34 =	vpsel !p3, $0x0, v61;
	v32 =	vpsel p2, $0x0, v32  }
0x167: {  	v44 =	vpsel !p3, $0x0, v62;
	v33 =	vpsel p2, $0x0, v33;
	v32 =	vadd.f32 v34, v32  }
0x168: {  	v53 =	vld [tilespmem:$0x11400];
	v33 =	vadd.f32 v44, v33;
	v54 =	vpsel !p5, $0x0, v45;
	v56 =	vpsel !p5, $0x0, v47;
	p5 =	seq.s32 s21, $0x1;
	s21 =	sld [smem:$0x7F9]  }
0x169: {  	v55 =	vld [tilespmem:$0x11410];
	v32 =	vadd.f32 v46, v32  }
0x16a: {  	v33 =	vadd.f32 v48, v33  }
0x16b: {  	v57 =	vld [tilespmem:$0x11480];
	v32 =	vadd.f32 v50, v32;
	v58 =	vpsel !p5, $0x0, v49;
	v60 =	vpsel !p5, $0x0, v51;
	p5 =	seq.s32 s21, $0x1;
	s21 =	sld [smem:$0x7F8]  }
0x16c: {  	v59 =	vld [tilespmem:$0x11490];
	v33 =	vadd.f32 v52, v33  }
0x16d: {  	v32 =	vadd.f32 v54, v32  }
0x16e: {  	v61 =	vld [tilespmem:$0x11500];
	v33 =	vadd.f32 v56, v33;
	v62 =	vpsel !p5, $0x0, v53;
	v42 =	vpsel !p5, $0x0, v55;
	p5 =	seq.s32 s21, $0x1;
	s21 =	sld [smem:$0x7F7]  }
0x16f: {  	v63 =	vld [tilespmem:$0x11510];
	v32 =	vadd.f32 v58, v32  }
0x170: {  	v33 =	vadd.f32 v60, v33  }
0x171: {  	v43 =	vld [tilespmem:$0x11580];
	v32 =	vadd.f32 v62, v32;
	v44 =	vpsel !p5, $0x0, v57;
	v46 =	vpsel !p5, $0x0, v59;
	p5 =	seq.s32 s21, $0x1;
	s21 =	sld [smem:$0x7F6]  }
0x172: {  	v45 =	vld [tilespmem:$0x11590];
	v33 =	vadd.f32 v42, v33  }
0x173: {  	v47 =	vld [tilespmem:$0x11600];
	v32 =	vadd.f32 v44, v32  }
0x174: {  	v49 =	vld [tilespmem:$0x11610];
	v33 =	vadd.f32 v46, v33;
	v48 =	vpsel !p5, $0x0, v61;
	v50 =	vpsel !p5, $0x0, v63;
	p5 =	seq.s32 s21, $0x1;
	s21 =	sld [smem:$0x7F5]  }
0x175: {  	v51 =	vld [tilespmem:$0x11680];
	v32 =	vadd.f32 v48, v32  }
0x176: {  	v53 =	vld [tilespmem:$0x11690];
	v33 =	vadd.f32 v50, v33;
	v52 =	vpsel !p5, $0x0, v43  }
0x177: {  	v54 =	vpsel !p5, $0x0, v45;
	v32 =	vadd.f32 v52, v32;
	p5 =	seq.s32 s21, $0x1  }
0x178: {  	v56 =	vld [tilespmem:$0x10080];
	v33 =	vadd.f32 v54, v33;
	v55 =	vpsel !p5, $0x0, v47  }
0x179: {  	v58 =	vld [tilespmem:$0x10090];
	v57 =	vpsel !p5, $0x0, v49;
	v32 =	vadd.f32 v55, v32  }
0x17a: {  	v59 =	vpsel !p0, $0x0, v51;
	v34 =	vadd.f32 v57, v33  }
0x17b: {  	v60 =	vpsel !p0, $0x0, v53;
	v33 =	vadd.f32 v59, v32  }
0x17c: {  	v61 =	vld [tilespmem:$0x10100];
	v32 =	vadd.f32 v60, v34  }
0x17d: {  	v63 =	vld [tilespmem:$0x10110];
	v62 =	vadd.f32 v33, v56  }
0x17e: {  	v37 =	vadd.f32 v32, v58  }
0x17f: {  	v41 =	vpsel !p1, $0x0, v62  }
0x180: {  	v43 =	vld [tilespmem:$0x10180];
	v42 =	vpsel !p1, $0x0, v37;
	[tilespmem:$0x10880] =	vst v41  }
0x181: {  	v44 =	vld [tilespmem:$0x10190];
	v34 =	vadd.f32 v61, v33;
	v35 =	vpsel p1, $0x0, v62;
	[tilespmem:$0x10890] =	vst v42  }
0x182: {  	v36 =	vadd.f32 v63, v32;
	v45 =	vpsel p1, $0x0, v37;
	[tilespmem:$0x108A0] =	vst v35  }
0x183: {  	v46 =	vpsel !p1, $0x0, v34;
	[tilespmem:$0x108B0] =	vst v45  }
0x184: {  	v48 =	vld [tilespmem:$0x10200];
	v47 =	vpsel !p1, $0x0, v36;
	[tilespmem:$0x10900] =	vst v46  }
0x185: {  	v50 =	vld [tilespmem:$0x10210];
	v49 =	vadd.f32 v43, v33;
	v34 =	vpsel p1, $0x0, v34;
	[tilespmem:$0x10910] =	vst v47  }
0x186: {  	v52 =	vadd.f32 v44, v32;
	v51 =	vpsel p1, $0x0, v36;
	[tilespmem:$0x10920] =	vst v34  }
0x187: {  	v53 =	vpsel !p1, $0x0, v49;
	[tilespmem:$0x10930] =	vst v51  }
0x188: {  	v55 =	vld [tilespmem:$0x10280];
	v54 =	vpsel !p1, $0x0, v52;
	[tilespmem:$0x10980] =	vst v53  }
0x189: {  	v57 =	vadd.f32 v48, v33;
	v56 =	vpsel p1, $0x0, v49;
	[tilespmem:$0x10990] =	vst v54  }
0x18a: {  	v58 =	vld [tilespmem:$0x10290];
	v60 =	vadd.f32 v50, v32;
	v59 =	vpsel p1, $0x0, v52;
	[tilespmem:$0x109A0] =	vst v56  }
0x18b: {  	v61 =	vpsel !p1, $0x0, v57;
	[tilespmem:$0x109B0] =	vst v59  }
0x18c: {  	v63 =	vld [tilespmem:$0x10300];
	v62 =	vpsel !p1, $0x0, v60;
	[tilespmem:$0x10A00] =	vst v61  }
0x18d: {  	v40 =	vpsel p1, $0x0, v57;
	[tilespmem:$0x10A10] =	vst v62;
	v41 =	vadd.f32 v55, v33  }
0x18e: {  	v50 =	vld [tilespmem:$0x10390];
	v43 =	vpsel p1, $0x0, v60;
	[tilespmem:$0x10A20] =	vst v40  }
0x18f: {  	[tilespmem:$0x10A30] =	vst v43;
	v44 =	vadd.f32 v58, v32;
	v45 =	vpsel !p1, $0x0, v41  }
0x190: {  	v42 =	vld [tilespmem:$0x10310];
	v48 =	vpsel p1, $0x0, v41;
	[tilespmem:$0x10A80] =	vst v45  }
0x191: {  	v49 =	vadd.f32 v63, v33;
	[tilespmem:$0x10AA0] =	vst v48;
	v46 =	vpsel !p1, $0x0, v44  }
0x192: {  	v47 =	vld [tilespmem:$0x10380];
	v51 =	vpsel p1, $0x0, v44;
	[tilespmem:$0x10A90] =	vst v46  }
0x193: {  	v60 =	vadd.f32 v50, v32;
	v53 =	vpsel !p1, $0x0, v49;
	[tilespmem:$0x10AB0] =	vst v51  }
0x194: {  	v55 =	vld [tilespmem:$0x10400];
	v56 =	vpsel p1, $0x0, v49;
	[tilespmem:$0x10B00] =	vst v53  }
0x195: {  	v62 =	vpsel !p1, $0x0, v60;
	v52 =	vadd.f32 v42, v32;
	[tilespmem:$0x10B20] =	vst v56  }
0x196: {  	v43 =	vld [tilespmem:$0x10490];
	v44 =	vpsel p1, $0x0, v60;
	[tilespmem:$0x10B90] =	vst v62  }
0x197: {  	v57 =	vadd.f32 v47, v33;
	[tilespmem:$0x10BB0] =	vst v44;
	v54 =	vpsel !p1, $0x0, v52  }
0x198: {  	v58 =	vld [tilespmem:$0x10410];
	v59 =	vpsel p1, $0x0, v52;
	[tilespmem:$0x10B10] =	vst v54  }
0x199: {  	v42 =	vadd.f32 v55, v33;
	v61 =	vpsel !p1, $0x0, v57;
	[tilespmem:$0x10B30] =	vst v59  }
0x19a: {  	v63 =	vld [tilespmem:$0x10480];
	v41 =	vpsel p1, $0x0, v57;
	[tilespmem:$0x10B80] =	vst v61  }
0x19b: {  	v53 =	vadd.f32 v43, v32;
	v46 =	vpsel !p1, $0x0, v42;
	[tilespmem:$0x10BA0] =	vst v41  }
0x19c: {  	v48 =	vld [tilespmem:$0x10500];
	v49 =	vpsel p1, $0x0, v42;
	[tilespmem:$0x10C00] =	vst v46  }
0x19d: {  	v45 =	vadd.f32 v58, v32;
	v55 =	vpsel !p1, $0x0, v53;
	[tilespmem:$0x10C20] =	vst v49  }
0x19e: {  	v51 =	vld [tilespmem:$0x10510];
	v60 =	vpsel p1, $0x0, v53;
	[tilespmem:$0x10C90] =	vst v55  }
0x19f: {  	v50 =	vadd.f32 v63, v33;
	[tilespmem:$0x10CB0] =	vst v60;
	v47 =	vpsel !p1, $0x0, v45  }
0x1a0: {  	v56 =	vld [tilespmem:$0x10580];
	v52 =	vpsel p1, $0x0, v45;
	[tilespmem:$0x10C10] =	vst v47  }
0x1a1: {  	v58 =	vadd.f32 v48, v33;
	v54 =	vpsel !p1, $0x0, v50;
	[tilespmem:$0x10C30] =	vst v52  }
0x1a2: {  	v42 =	vld [tilespmem:$0x10600];
	v57 =	vpsel p1, $0x0, v50;
	[tilespmem:$0x10C80] =	vst v54  }
0x1a3: {  	[tilespmem:$0x10CA0] =	vst v57;
	v61 =	vadd.f32 v51, v32;
	v62 =	vpsel !p1, $0x0, v58  }
0x1a4: {  	v59 =	vld [tilespmem:$0x10590];
	v43 =	vpsel p1, $0x0, v58;
	[tilespmem:$0x10D00] =	vst v62  }
0x1a5: {  	v44 =	vadd.f32 v56, v33;
	[tilespmem:$0x10D20] =	vst v43;
	v63 =	vpsel !p1, $0x0, v61  }
0x1a6: {  	v53 =	vld [tilespmem:$0x10690];
	v46 =	vpsel p1, $0x0, v61;
	[tilespmem:$0x10D10] =	vst v63  }
0x1a7: {  	v48 =	vpsel !p1, $0x0, v44;
	v52 =	vadd.f32 v42, v33;
	[tilespmem:$0x10D30] =	vst v46  }
0x1a8: {  	v45 =	vld [tilespmem:$0x10610];
	v51 =	vpsel p1, $0x0, v44;
	[tilespmem:$0x10D80] =	vst v48  }
0x1a9: {  	v47 =	vadd.f32 v59, v32;
	[tilespmem:$0x10DA0] =	vst v51;
	v56 =	vpsel !p1, $0x0, v52  }
0x1aa: {  	v50 =	vld [tilespmem:$0x10680];
	v59 =	vpsel p1, $0x0, v52;
	[tilespmem:$0x10E00] =	vst v56  }
0x1ab: {  	v63 =	vadd.f32 v53, v32;
	v49 =	vpsel !p1, $0x0, v47;
	[tilespmem:$0x10E20] =	vst v59  }
0x1ac: {  	v58 =	vld [tilespmem:$0x10700];
	v54 =	vpsel p1, $0x0, v47;
	[tilespmem:$0x10D90] =	vst v49  }
0x1ad: {  	v55 =	vadd.f32 v45, v32;
	v43 =	vpsel !p1, $0x0, v63;
	[tilespmem:$0x10DB0] =	vst v54  }
0x1ae: {  	v61 =	vld [tilespmem:$0x10710];
	v48 =	vpsel p1, $0x0, v63;
	[tilespmem:$0x10E90] =	vst v43  }
0x1af: {  	v60 =	vadd.f32 v50, v33;
	v57 =	vpsel !p1, $0x0, v55;
	[tilespmem:$0x10EB0] =	vst v48  }
0x1b0: {  	v44 =	vld [tilespmem:$0x10780];
	v62 =	vpsel p1, $0x0, v55;
	[tilespmem:$0x10E10] =	vst v57  }
0x1b1: {  	v46 =	vadd.f32 v58, v33;
	v42 =	vpsel !p1, $0x0, v60;
	[tilespmem:$0x10E30] =	vst v62  }
0x1b2: {  	v52 =	vld [tilespmem:$0x10800];
	v45 =	vpsel p1, $0x0, v60;
	[tilespmem:$0x10E80] =	vst v42  }
0x1b3: {  	[tilespmem:$0x10EA0] =	vst v45;
	v49 =	vadd.f32 v61, v32;
	v50 =	vpsel !p1, $0x0, v46  }
0x1b4: {  	v47 =	vld [tilespmem:$0x10790];
	v53 =	vpsel p1, $0x0, v46;
	[tilespmem:$0x10F00] =	vst v50  }
0x1b5: {  	v54 =	vadd.f32 v44, v33;
	[tilespmem:$0x10F20] =	vst v53;
	v51 =	vpsel !p1, $0x0, v49  }
0x1b6: {  	v55 =	vld [tilespmem:$0x10810];
	v56 =	vpsel p1, $0x0, v49;
	[tilespmem:$0x10F10] =	vst v51  }
0x1b7: {  	s21 =	sld [smem:$0x7F2];
	v58 =	vpsel !p1, $0x0, v54;
	v33 =	vadd.f32 v52, v33;
	[tilespmem:$0x10F30] =	vst v56  }
0x1b8: {  	v60 =	vpsel p1, $0x0, v54;
	[tilespmem:$0x10F80] =	vst v58  }
0x1b9: {  	v57 =	vadd.f32 v47, v32;
	[tilespmem:$0x10FA0] =	vst v60;
	v62 =	vpsel !p1, $0x0, v33  }
0x1ba: {  	p5 =	seq.s32 s21, $0x1;
	v33 =	vpsel p1, $0x0, v33;
	[tilespmem:$0x11000] =	vst v62  }
.Ltmp3:
0x1bb: {  	v32 =	vadd.f32 v55, v32;
	v59 =	vpsel !p1, $0x0, v57;
	[tilespmem:$0x11020] =	vst v33;
	(pc) =	sbr.rel @!p5 .LBB2_5-.Ltmp3, $4  }
0x1bc: {  	v61 =	vpsel p1, $0x0, v57;
	[tilespmem:$0x10F90] =	vst v59  }
0x1bd: {  	[tilespmem:$0x10FB0] =	vst v61;
	v63 =	vpsel !p1, $0x0, v32  }
0x1be: {  	v32 =	vpsel p1, $0x0, v32;
	[tilespmem:$0x11010] =	vst v63  }
0x1bf: {  	[tilespmem:$0x11030] =	vst v32  }
.Ltmp4:
0x1c0: {  	s20 =	simm.s32 $0x0;
	s21 =	simm.s32 $0x10880;
	(pc) =	sbr.rel .LBB2_4-.Ltmp4, $4  }
0x1c1: {  	[hbm4b:s10+s20] =	stream.linear.scatter [tilespmem:s21], [sflag:$0x3], $0x800, $0x38;
	[tilespmem:$0x11A00] =	vst v63  }
0x1c2: {  	_ =	swait.ge [sflag:s18], $0x800  }
0x1c3: {  	[sflag:s18] =	ssyncset.done $0x0  }
0x1c4: {  	[sflag:s18] =	ssyncadd.s32 $0xFFFFF800  }
.LBB2_5:
0x1c5: {  	s20 =	sld [smem:$0x7F3];
	_ =	sdelay $0x2  }
0x1c6: {  	p5 =	seq.s32 s20, $0x1  }
.Ltmp5:
0x1c7: {  	_ = 	snop;
	(pc) =	sbr.rel @!p5 .LBB2_4-.Ltmp5, $1  }
0x1c8: {  	_ =	sdelay $0x3  }
0x1c9: {  	s20 =	simm.s32 $0x0  }
.Ltmp6:
0x1ca: {  	s21 =	rddreg [dreg:$0x5];
	s22 =	simm.s32 $0x10880;
	(pc) =	sbr.rel .LBB2_8-.Ltmp6, $4  }
0x1cb: {  	[hbm4b:s21+s20] =	stream.linear.scatter [tilespmem:s22], [sflag:$0x3], $0x400, $0x38;
	[tilespmem:$0x11A00] =	vst v63  }
0x1cc: {  	_ =	swait.ge [sflag:s18], $0x400  }
0x1cd: {  	[sflag:s18] =	ssyncset.done $0x0  }
0x1ce: {  	s22 =	simm.s32 $0x6080;
	[sflag:s18] =	ssyncadd.s32 $0xFFFFFC00  }
.LBB2_4:
0x1cf: {  	s20 =	simm.s32 @!p6 $0x0;
	s21 =	simm.s32 @!p6 $0x10880  }
0x1d0: {  	[hbm4b:s11+s20] =	stream.linear.scatter @!p6 [tilespmem:s21], [sflag:$0x3], $0x400, $0x38;
	[tilespmem:$0x11A00] =	vst v63  }
0x1d1: {  	s20 =	simm.s32 @!p6 $0x3  }
0x1d2: {  	_ =	swait.ge @!p6 [sflag:s20], $0x400  }
0x1d3: {  	[sflag:s20] =	ssyncset.done @!p6 $0x0  }
0x1d4: {  	s21 =	simm.s32 @p4 $0x10880;
	[sflag:s20] =	ssyncadd.s32 @!p6 $0xFFFFFC00;
	s20 =	simm.s32 @p4 $0x0  }
0x1d5: {  	[hbm4b:s12+s20] =	stream.linear.scatter @p4 [tilespmem:s21], [sflag:$0x3], $0x800, $0x38;
	[tilespmem:$0x11A00] =	vst v63  }
.Ltmp7:
0x1d6: {  	_ = 	snop;
	(pc) =	sbr.rel .LBB2_8-.Ltmp7, $4  }
0x1d7: {  	s20 =	simm.s32 @p4 $0x3  }
0x1d8: {  	_ =	swait.ge @p4 [sflag:s20], $0x800  }
0x1d9: {  	[sflag:s20] =	ssyncset.done @p4 $0x0  }
0x1da: {  	[sflag:s20] =	ssyncadd.s32 @p4 $0xFFFFF800  }
.LBB2_9:
0x1db: {  	_ =	sfence.sel $0x180000  }
0x1dc: {  	[bflag:$0x0] =	sbarrier.arrive $0xFFFF  }
0x1dd: {  	_ =	strace $0x90000047  }
0x1de: {  	[bflag:$0x2] =	sbarrier.arrive $0xFFFF  }
0x1df: {  	p0 =	sne.s32 s2, $0x0;
	s0 =	rddreg [dreg:$0x4]  }
0x1e0: {  	s0 =	sadd.s32 @!p0 $0x100000, s0  }
0x1e1: {  	[sflag:s0] =	ssyncadd.tile.s32 @!p0 $0x1;
	_ =	shalt  }
.Lfunc_end2:
_tile_overlayer_lowered:
.L_overlay_start_2:
0x1e2: {  	(tag) =	ssettag $0x2  }
0x1e3: {  	s0 =	rddreg [dreg:$0x0];
	s2 =	stileid.u32  }
0x1e4: {  	s1 =	rddreg [dreg:$0x1];
	p0 =	sne.s32 s2, $0x0  }
0x1e5: {  	s3 =	rddreg [dreg:$0x2];
	[bflag:$0x3] =	sbarrier.arrive $0xFFFF;
	s2 =	simm.s32 @!p0 $0x1C03  }
0x1e6: {  	[timem:s3], [sflag:s2] =	dma.local @!p0 [hbm:s0], s1  }
0x1e7: {  	s0 =	simm.s32 @!p0 $0x3  }
0x1e8: {  	_ =	swait.ge @!p0 [sflag:s0], s1  }
0x1e9: {  	s1 =	ssub.s32 @!p0 $0x0, s1;
	[sflag:s0] =	ssyncset.done @!p0 $0x0  }
0x1ea: {  	[sflag:s0] =	ssyncadd.s32 @!p0 s1  }
0x1eb: {  	[bflag:$0x3] =	sbarrier.arrive $0xFFFF  }
0x1ec: {  	_ =	shalt  }

</sc_bundles>
